<compile_context>
chip_gen: v7x
topology: tpu7x:2x2x1
jax: 0.10.2.dev20260603
libtpu: 0.0.44.dev20260713+nightly
codegen_flags: <defaults>
</compile_context>

<pallas_src>
import functools

import jax
import jax.numpy as jnp
from jax import lax
from jax.experimental import pallas as pl
from jax.experimental.pallas import tpu as pltpu
from jax.experimental.pallas import tpu_sc as plsc

_VOC = 100000
_E = 32
_F = 100
_H = 100
_B = 4096
_L = 200
_K = 20

_GATHER_W = 128
_BB = 64


def _sc_gather(table, idx_flat):
    n = idx_flat.shape[0]
    mesh = plsc.VectorSubcoreMesh(core_axis_name="c", subcore_axis_name="s")

    @functools.partial(
        pl.kernel,
        out_type=jax.ShapeDtypeStruct((n, _E), table.dtype),
        mesh=mesh,
        compiler_params=pltpu.CompilerParams(use_tc_tiling_on_sc=False),
    )
    def gather_kernel(t_hbm, i_hbm, o_hbm):
        def body(i_vmem, o_vmem):
            pltpu.sync_copy(t_hbm.at[i_vmem.at[0]], o_vmem)

        pltpu.emit_pipeline(
            body,
            grid=(n // _GATHER_W,),
            in_specs=[pl.BlockSpec((1, _GATHER_W), index_map=lambda i: (0, i))],
            out_specs=[
                pl.BlockSpec((_GATHER_W, _E), index_map=lambda i: (i, 0)),
            ],
            core_axis_name=("c", "s"),
            dimension_semantics=(pltpu.PARALLEL,),
        )(i_hbm, o_hbm)

    return gather_kernel(table, idx_flat.reshape(1, n))


def _bdot(a, b):
    return jnp.dot(a.astype(jnp.bfloat16), b.astype(jnp.bfloat16),
                   preferred_element_type=jnp.float32)


def _conv3tap(xf, w_tap, bias, bb, cout):
    cin = xf.shape[-1]
    pad = (-cin) % 8
    x3 = xf.astype(jnp.bfloat16).reshape(bb, _L, cin)
    z = jnp.zeros((bb, 1, cin), jnp.bfloat16)
    xm = jnp.concatenate([z, x3[:, : _L - 1, :]], axis=1)
    xp = jnp.concatenate([x3[:, 1:, :], z], axis=1)
    w = w_tap.astype(jnp.bfloat16)
    if pad:
        zx = jnp.zeros((bb, _L, pad), jnp.bfloat16)
        zw = jnp.zeros((pad, cout), jnp.bfloat16)
        xcat = jnp.concatenate([xm, zx, x3, zx, xp, zx], axis=2)
        wcat = jnp.concatenate([w[0], zw, w[1], zw, w[2], zw], axis=0)
    else:
        xcat = jnp.concatenate([xm, x3, xp], axis=2)
        wcat = jnp.concatenate([w[0], w[1], w[2]], axis=0)
    xcat = xcat.reshape(bb * _L, 3 * (cin + pad))
    y = jnp.dot(xcat, wcat, preferred_element_type=jnp.float32)
    return y.reshape(bb, _L, cout) + bias


def _tc_body(embed_ref, w1_ref, b1_ref, gw_ref, gb_ref, w2_ref,
             b2_ref, wl_ref, bl_ref, w3l_ref, w3g_ref, b3_ref, w4_ref, b4_ref,
             t_ref):
    bb = t_ref.shape[0]
    xf = embed_ref[...]

    c1 = jax.nn.relu(_conv3tap(xf, w1_ref[...], b1_ref[...], bb, _F))
    gm = jnp.zeros((bb, _F), jnp.float32)
    for l in range(_L):
        gm = gm + c1[:, l, :]
    g = gm * jnp.float32(1.0 / _L)
    g = jax.nn.relu(_bdot(g, gw_ref[...]) + gb_ref[...])

    c1f = c1.reshape(bb * _L, _F)
    loc = jax.nn.relu(_conv3tap(c1f, w2_ref[...], b2_ref[...], bb, _H))
    locf = loc.reshape(bb * _L, _H)
    loc2 = jax.nn.relu(_conv3tap(locf, wl_ref[...], bl_ref[...], bb, _H))

    gb_full = jnp.broadcast_to(g.reshape(bb, 1, _H), (bb, _L, _H))
    comb = jnp.concatenate([gb_full, loc2], axis=2).reshape(bb * _L, 2 * _H)
    w3cat = jnp.concatenate([w3g_ref[...], w3l_ref[...]], axis=0)
    h = jax.nn.relu(_bdot(comb, w3cat).reshape(bb, _L, _F) + b3_ref[...])
    logits = (_bdot(h.reshape(bb * _L, _F), w4_ref[...]).reshape(bb, _L)
              + b4_ref[...])

    neg = jnp.float32(-3.0e38)
    pos = lax.broadcasted_iota(jnp.int32, (bb, _L), 1)
    work = logits
    thr = None
    for _ in range(_K):
        thr = jnp.max(work, axis=1, keepdims=True)
        hit = work >= thr
        first = jnp.min(jnp.where(hit, pos, _L), axis=1, keepdims=True)
        work = jnp.where(pos == first, neg, work)
    t = (logits >= thr).astype(jnp.float32)
    t_ref[...] = t


_BB2 = 256


def _head_body(emb2_ref, t_ref, fc1_ref, fc1b_ref, hw_ref, hb_ref, out_ref):
    bb = out_ref.shape[0]
    emb2 = emb2_ref[...].astype(jnp.float32).reshape(bb, _L, _E)
    t = t_ref[...]
    s = jnp.sum(emb2 * t[:, :, None], axis=1) * jnp.float32(1.0 / _L)
    mlp = jax.nn.relu(jnp.dot(s, fc1_ref[...],
                              preferred_element_type=jnp.float32,
                              precision=lax.Precision.HIGHEST)
                      + fc1b_ref[...])
    o = jnp.sum(mlp * hw_ref[...], axis=1, keepdims=True) + hb_ref[...]
    out_ref[...] = jax.nn.sigmoid(o)


def _full_spec(shape):
    nd = len(shape)
    return pl.BlockSpec(shape, lambda i, _nd=nd: (0,) * _nd)


def _tc_forward(embed_flat, weights, interpret=False):
    grid = _B // _BB
    in_specs = [
        pl.BlockSpec((_BB * _L, _E), lambda i: (i, 0)),
    ] + [_full_spec(w.shape) for w in weights]
    out_specs = pl.BlockSpec((_BB, _L), lambda i: (i, 0))
    out_shape = jax.ShapeDtypeStruct((_B, _L), jnp.float32)
    return pl.pallas_call(
        _tc_body,
        grid=(grid,),
        in_specs=in_specs,
        out_specs=out_specs,
        out_shape=out_shape,
        interpret=interpret,
    )(embed_flat, *weights)


def _head_forward(emb2_flat, t, weights, interpret=False):
    grid = _B // _BB2
    in_specs = [
        pl.BlockSpec((_BB2 * _L, _E), lambda i: (i, 0)),
        pl.BlockSpec((_BB2, _L), lambda i: (i, 0)),
    ] + [_full_spec(w.shape) for w in weights]
    out_specs = pl.BlockSpec((_BB2, 1), lambda i: (i, 0))
    out_shape = jax.ShapeDtypeStruct((_B, 1), jnp.float32)
    return pl.pallas_call(
        _head_body,
        grid=(grid,),
        in_specs=in_specs,
        out_specs=out_specs,
        out_shape=out_shape,
        interpret=interpret,
    )(emb2_flat, t, *weights)


def _prep_weights(conv1_w, conv1_b, glob_w, glob_b, conv2_w, conv2_b, loc_w,
                  loc_b, conv3_w, conv3_b, conv4_w, conv4_b, fc1_w, fc1_b,
                  head_w, head_b):
    w1 = jnp.transpose(conv1_w, (2, 1, 0))
    w2 = jnp.transpose(conv2_w, (2, 1, 0))
    wl = jnp.transpose(loc_w, (2, 1, 0))
    w3g = jnp.transpose(conv3_w[:, :_H, 0])
    w3l = jnp.transpose(conv3_w[:, _H:, 0])
    return (
        w1, conv1_b.reshape(1, 1, _F),
        jnp.transpose(glob_w), glob_b.reshape(1, _H),
        w2, conv2_b.reshape(1, 1, _H),
        wl, loc_b.reshape(1, 1, _H),
        w3l, w3g, conv3_b.reshape(1, 1, _F),
        conv4_w[0], conv4_b.reshape(1, 1),
        jnp.transpose(fc1_w), fc1_b.reshape(1, _H),
        head_w.reshape(1, _H), head_b.reshape(1, 1),
    )


def kernel(x, emb_ti, conv1_w, conv1_b, glob_w, glob_b, conv2_w, conv2_b,
           loc_w, loc_b, conv3_w, conv3_b, conv4_w, conv4_b, emb_d, fc1_w,
           fc1_b, head_w, head_b):
    idx = x.reshape(-1).astype(jnp.int32)
    embed_flat = _sc_gather(emb_ti.astype(jnp.bfloat16), idx)
    emb2_flat = _sc_gather(emb_d.astype(jnp.bfloat16), idx)
    weights = _prep_weights(conv1_w, conv1_b, glob_w, glob_b, conv2_w,
                            conv2_b, loc_w, loc_b, conv3_w, conv3_b, conv4_w,
                            conv4_b, fc1_w, fc1_b, head_w, head_b)
    t = _tc_forward(embed_flat, weights[:13])
    out = _head_forward(emb2_flat, t, weights[13:])
    return out, t

# --- scband reference (transcript-rebuilt; emitter-appended) ---
"""Pipeline reference for scband-l2-xmodel-1726576854734 (READ-ONLY COPY).

The authoritative reference and input builder live on the scoring server;
editing this copy changes nothing except your own understanding.
"""

import jax, jax.numpy as jnp
import numpy as np

VOC = 100000
E = 32
F = 100
H = 100
B = 4096
L = 200
K = 20
NOUT = 1

def _conv1d(x, w, b, pad):
    out = jax.lax.conv_general_dilated(x, w, window_strides=(1,), padding=[(pad, pad)], dimension_numbers=('NCH', 'OIH', 'NCH'))
    return out + b[None, :, None]

def setup_inputs(seed: int = 0):
    key = jax.random.key(seed)
    ks = jax.random.split(key, 12)
    inp = {}
    inp['x'] = jax.random.randint(ks[0], (B, L), 0, VOC)
    inp['emb_ti'] = jax.random.normal(ks[1], (VOC, E), dtype=jnp.float32) * 0.1
    inp['conv1_w'] = jax.random.normal(ks[2], (F, E, 3), dtype=jnp.float32) * 0.05
    inp['conv1_b'] = jnp.zeros((F,), dtype=jnp.float32)
    inp['glob_w'] = jax.random.normal(ks[3], (H, F), dtype=jnp.float32) * 0.05
    inp['glob_b'] = jnp.zeros((H,), dtype=jnp.float32)
    inp['conv2_w'] = jax.random.normal(ks[4], (H, F, 3), dtype=jnp.float32) * 0.05
    inp['conv2_b'] = jnp.zeros((H,), dtype=jnp.float32)
    inp['loc_w'] = jax.random.normal(ks[5], (H, H, 3), dtype=jnp.float32) * 0.05
    inp['loc_b'] = jnp.zeros((H,), dtype=jnp.float32)
    inp['conv3_w'] = jax.random.normal(ks[6], (F, 2 * H, 1), dtype=jnp.float32) * 0.05
    inp['conv3_b'] = jnp.zeros((F,), dtype=jnp.float32)
    inp['conv4_w'] = jax.random.normal(ks[7], (1, F, 1), dtype=jnp.float32) * 0.05
    inp['conv4_b'] = jnp.zeros((1,), dtype=jnp.float32)
    inp['emb_d'] = jax.random.normal(ks[8], (VOC, E), dtype=jnp.float32) * 0.1
    inp['fc1_w'] = jax.random.normal(ks[9], (H, E), dtype=jnp.float32) * 0.05
    inp['fc1_b'] = jnp.zeros((H,), dtype=jnp.float32)
    inp['head_w'] = jax.random.normal(ks[10], (NOUT, H), dtype=jnp.float32) * 0.05
    inp['head_b'] = jnp.zeros((NOUT,), dtype=jnp.float32)
    return inp

def reference(x, emb_ti, conv1_w, conv1_b, glob_w, glob_b, conv2_w, conv2_b, loc_w, loc_b, conv3_w, conv3_b, conv4_w, conv4_b, emb_d, fc1_w, fc1_b, head_w, head_b):
    # TIModel: token-importance scores via convs (eval mode, dropout = identity)
    embed = jnp.take(emb_ti, x, axis=0)              # [B, L, E]
    t = jnp.transpose(embed, (0, 2, 1))              # [B, E, L]
    c1 = jax.nn.relu(_conv1d(t, conv1_w, conv1_b, 1))  # [B, F, L]
    g = jnp.mean(c1, axis=2)                         # AdaptiveAvgPool1d(1) -> [B, F]
    g = jax.nn.relu(g @ glob_w.T + glob_b)           # [B, H]
    loc = jax.nn.relu(_conv1d(c1, conv2_w, conv2_b, 1))
    loc = jax.nn.relu(_conv1d(loc, loc_w, loc_b, 1))  # [B, H, L]
    comb = jnp.concatenate([jnp.broadcast_to(g[:, :, None], (g.shape[0], g.shape[1], loc.shape[2])), loc], axis=1)  # [B, 2H, L]
    h = jax.nn.relu(_conv1d(comb, conv3_w, conv3_b, 0))
    logits = _conv1d(h, conv4_w, conv4_b, 0)         # [B, 1, L]
    # GumbelTopKSampler.sample_discrete (eval path): threshold = k-th largest logit
    topv, _ = jax.lax.top_k(logits, K)               # [B, 1, K]
    thr = topv[..., -1]                              # [B, 1]
    T = (logits[:, 0, :] >= thr).astype(jnp.float32)  # [B, L] hard top-k mask
    # DistilPredictor.predict on masked embeddings
    emb2 = jnp.take(emb_d, x, axis=0)                # [B, L, E]
    out = jnp.mean(emb2 * T[:, :, None], axis=1)     # [B, E]
    out = jax.nn.relu(out @ fc1_w.T + fc1_b)         # [B, H]
    out = jax.nn.sigmoid(out @ head_w.T + head_b)    # binary head -> [B, 1]
    return out, T

if __name__ == "__main__":
    import jax
    _d = setup_inputs()
    print(jax.jit(kernel)(*tuple(_d.values())))

</pallas_src>

<mosaic_0001>
#map = affine_map<(d0, d1) -> (0, 0)>
module attributes {stable_mosaic.version = 14 : i64} {
  func.func @gather_kernel(%arg0: i32, %arg1: i32, %arg2: memref<100000x32xbf16, #tpu.memory_space<hbm>>, %arg3: memref<1x819200xi32, #tpu.memory_space<hbm>>, %arg4: memref<819200x32xbf16, #tpu.memory_space<hbm>>) attributes {dimension_semantics = [#tpu.dimension_semantics<core_parallel>, #tpu.dimension_semantics<subcore_parallel>], iteration_bounds = array<i64: 2, 16>, scalar_prefetch = 0 : i64, scratch_operands = 0 : i64, tpu.core_type = #tpu.core_type<sc_vector_subcore>, window_params = [{transform_indices = #map}, {transform_indices = #map}, {transform_indices = #map}]} {
    %mul3A = arith.constant 1 : i32
    %mul3A_0 = arith.muli %arg1, %mul3A : i32
    %add3A = arith.constant 0 : i32
    %add3A_1 = arith.addi %add3A, %mul3A_0 : i32
    %mul3A_2 = arith.constant 16 : i32
    %mul3A_3 = arith.muli %arg0, %mul3A_2 : i32
    %add3A_4 = arith.addi %add3A_1, %mul3A_3 : i32
    %mul3A_5 = arith.constant 200 : i32
    %mul3A_6 = arith.muli %add3A_4, %mul3A_5 : i32
    "tpu.region"() ({
      %run_scoped3A = memref.alloca() : memref<2x1x128xi32, #tpu.memory_space<vmem>>
      %run_scoped3A_7 = tpu.sem_alloc : memref<2x!tpu.dma_semaphore, #tpu.memory_space<semaphore_mem>>
      %run_scoped3A_8 = memref.alloca() : memref<2x128x32xbf16, #tpu.memory_space<vmem>>
      %run_scoped3A_9 = tpu.sem_alloc : memref<2x!tpu.dma_semaphore, #tpu.memory_space<semaphore_mem>>
      %add3A_10 = arith.constant 0 : i32
      %add3A_11 = arith.addi %add3A_10, %mul3A_6 : i32
      %select_n3A = arith.constant true
      %select_n3A_12 = arith.constant 0 : i32
      %select_n3A_13 = arith.constant -1 : i32
      %select_n3A_14 = arith.select %select_n3A, %select_n3A_13, %select_n3A_12 : i32
      %eq3A = arith.constant -1 : i32
      %eq3A_15 = arith.cmpi eq, %select_n3A_14, %eq3A : i32
      %select_n3A_16 = arith.constant 199 : i32
      %select_n3A_17 = arith.select %eq3A_15, %select_n3A_16, %select_n3A_14 : i32
      %add3A_18 = arith.addi %select_n3A_17, %mul3A_6 : i32
      %select_n3A_19 = arith.constant true
      %select_n3A_20 = arith.constant 0 : i32
      %select_n3A_21 = arith.constant 1 : i32
      %select_n3A_22 = arith.select %select_n3A_19, %select_n3A_21, %select_n3A_20 : i32
      %eq3A_23 = arith.constant 200 : i32
      %eq3A_24 = arith.cmpi eq, %select_n3A_22, %eq3A_23 : i32
      %select_n3A_25 = arith.constant 0 : i32
      %select_n3A_26 = arith.select %eq3A_24, %select_n3A_25, %select_n3A_22 : i32
      %add3A_27 = arith.addi %select_n3A_26, %mul3A_6 : i32
      %add3A_28 = arith.constant 1 : i32
      %add3A_29 = arith.addi %select_n3A_26, %add3A_28 : i32
      %select_n3A_30 = arith.constant true
      %select_n3A_31 = arith.select %select_n3A_30, %add3A_29, %select_n3A_26 : i32
      %eq3A_32 = arith.constant 200 : i32
      %eq3A_33 = arith.cmpi eq, %select_n3A_31, %eq3A_32 : i32
      %select_n3A_34 = arith.constant 0 : i32
      %select_n3A_35 = arith.select %eq3A_33, %select_n3A_34, %select_n3A_31 : i32
      %add3A_36 = arith.addi %select_n3A_35, %mul3A_6 : i32
      "tpu.trace_start"() <{level = 10 : i32, message = "ep_initialize_0"}> : () -> ()
      %rem3A = arith.constant 0 : i32
      %rem3A_37 = arith.constant 2 : i32
      %rem3A_38 = arith.remui %rem3A, %rem3A_37 : i32
      %mul3A_39 = arith.constant 128 : i32
      %mul3A_40 = arith.muli %mul3A_39, %add3A_11 : i32
      %dma_start3A = arith.constant 0 : i32
      %dma_start3A_41 = arith.constant 0 : i32
      %dma_start3A_42 = tpu.memref_slice %run_scoped3A[%rem3A_38, %dma_start3A, %dma_start3A_41] : memref<2x1x128xi32, #tpu.memory_space<vmem>> -> memref<1x1x128xi32, #tpu.memory_space<vmem>>
      %dma_start3A_43 = tpu.memref_squeeze %dma_start3A_42 : memref<1x1x128xi32, #tpu.memory_space<vmem>> -> memref<1x128xi32, #tpu.memory_space<vmem>>
      %dma_start3A_44 = arith.constant 0 : i32
      %dma_start3A_45 = tpu.memref_slice %arg3[%dma_start3A_44, %mul3A_40] : memref<1x819200xi32, #tpu.memory_space<hbm>> -> memref<1x128xi32, #tpu.memory_space<hbm>>
      %dma_start3A_46 = tpu.memref_slice %run_scoped3A_7[%rem3A_38] : memref<2x!tpu.dma_semaphore, #tpu.memory_space<semaphore_mem>> -> memref<1x!tpu.dma_semaphore, #tpu.memory_space<semaphore_mem>>
      %dma_start3A_47 = tpu.memref_squeeze %dma_start3A_46 : memref<1x!tpu.dma_semaphore, #tpu.memory_space<semaphore_mem>> -> memref<!tpu.dma_semaphore, #tpu.memory_space<semaphore_mem>>
      %dma_start3A_48 = arith.constant 0 : i32
      %dma_start3A_49 = arith.constant 0 : i32
      %dma_start3A_50 = tpu.memref_slice %run_scoped3A[%rem3A_38, %dma_start3A_48, %dma_start3A_49] : memref<2x1x128xi32, #tpu.memory_space<vmem>> -> memref<1x1x128xi32, #tpu.memory_space<vmem>>
      %dma_start3A_51 = tpu.memref_squeeze %dma_start3A_50 : memref<1x1x128xi32, #tpu.memory_space<vmem>> -> memref<1x128xi32, #tpu.memory_space<vmem>>
      %dma_start3A_52 = arith.constant 0 : i32
      %dma_start3A_53 = tpu.memref_slice %arg3[%dma_start3A_52, %mul3A_40] : memref<1x819200xi32, #tpu.memory_space<hbm>> -> memref<1x128xi32, #tpu.memory_space<hbm>>
      tpu.enqueue_dma source(%dma_start3A_53 : memref<1x128xi32, #tpu.memory_space<hbm>>) target(%dma_start3A_51 : memref<1x128xi32, #tpu.memory_space<vmem>>) target_semaphore(%dma_start3A_47 : memref<!tpu.dma_semaphore, #tpu.memory_space<semaphore_mem>>)
      %add3A_54 = arith.constant 0 : i32
      %add3A_55 = arith.constant 1 : i32
      %add3A_56 = arith.addi %add3A_54, %add3A_55 : i32
      %select_n3A_57 = arith.constant true
      %select_n3A_58 = arith.constant 0 : i32
      %select_n3A_59 = arith.select %select_n3A_57, %add3A_56, %select_n3A_58 : i32
      "tpu.trace_stop"() : () -> ()
      %scan3A = arith.constant 0 : i32
      %scan3A_60 = arith.constant 0 : i32
      %scan3A_61 = arith.constant 0 : i32
      %scan3A_62 = arith.constant 0 : i32
      %scan3A_63 = arith.constant 0 : i32
      %scan3A_64 = arith.constant 200 : i32
      %scan3A_65 = arith.addi %scan3A_63, %scan3A_64 : i32
      %scan3A_66 = arith.constant 1 : i32
      %scan3A_67:5 = scf.for %scan3A_121 = %scan3A_63 to %scan3A_65 step %scan3A_66 iter_args(%scan3A_122 = %select_n3A_59, %scan3A_123 = %scan3A, %scan3A_124 = %scan3A_60, %scan3A_125 = %scan3A_61, %scan3A_126 = %scan3A_62) -> (i32, i32, i32, i32, i32)  : i32 {
        %eq3A_127 = arith.constant 0 : i32
        %eq3A_128 = arith.cmpi eq, %scan3A_121, %eq3A_127 : i32
        %eq3A_129 = arith.constant 199 : i32
        %eq3A_130 = arith.cmpi eq, %scan3A_121, %eq3A_129 : i32
        %add3A_131 = arith.addi %scan3A_126, %mul3A_6 : i32
        %sub3A_132 = arith.constant 1 : i32
        %sub3A_133 = arith.subi %scan3A_126, %sub3A_132 : i32
        %select_n3A_134 = arith.constant true
        %select_n3A_135 = arith.select %select_n3A_134, %sub3A_133, %scan3A_126 : i32
        %eq3A_136 = arith.constant -1 : i32
        %eq3A_137 = arith.cmpi eq, %select_n3A_135, %eq3A_136 : i32
        %select_n3A_138 = arith.constant 199 : i32
        %select_n3A_139 = arith.select %eq3A_137, %select_n3A_138, %select_n3A_135 : i32
        %add3A_140 = arith.addi %select_n3A_139, %mul3A_6 : i32
        %add3A_141 = arith.constant 1 : i32
        %add3A_142 = arith.addi %scan3A_126, %add3A_141 : i32
        %select_n3A_143 = arith.constant true
        %select_n3A_144 = arith.select %select_n3A_143, %add3A_142, %scan3A_126 : i32
        %eq3A_145 = arith.constant 200 : i32
        %eq3A_146 = arith.cmpi eq, %select_n3A_144, %eq3A_145 : i32
        %select_n3A_147 = arith.constant 0 : i32
        %select_n3A_148 = arith.select %eq3A_146, %select_n3A_147, %select_n3A_144 : i32
        %add3A_149 = arith.addi %select_n3A_148, %mul3A_6 : i32
        %add3A_150 = arith.constant 1 : i32
        %add3A_151 = arith.addi %select_n3A_148, %add3A_150 : i32
        %select_n3A_152 = arith.constant true
        %select_n3A_153 = arith.select %select_n3A_152, %add3A_151, %select_n3A_148 : i32
        %eq3A_154 = arith.constant 200 : i32
        %eq3A_155 = arith.cmpi eq, %select_n3A_153, %eq3A_154 : i32
        %select_n3A_156 = arith.constant 0 : i32
        %select_n3A_157 = arith.select %eq3A_155, %select_n3A_156, %select_n3A_153 : i32
        %add3A_158 = arith.addi %select_n3A_157, %mul3A_6 : i32
        %ne3A = arith.cmpi ne, %add3A_131, %add3A_149 : i32
        %or3A = arith.constant false
        %or3A_159 = arith.ori %or3A, %ne3A : i1
        %ge3A = arith.constant 199 : i32
        %ge3A_160 = arith.cmpi sge, %scan3A_121, %ge3A : i32
        %not3A = arith.constant true
        %not3A_161 = arith.xori %ge3A_160, %not3A : i1
        %and3A = arith.andi %or3A_159, %not3A_161 : i1
        %convert_element_type3A = arith.extui %and3A : i1 to i32
        %cond3A = arith.constant 0 : i32
        %cond3A_162 = arith.cmpi ne, %convert_element_type3A, %cond3A : i32
        scf.if %cond3A_162 {
          "tpu.trace_start"() <{level = 10 : i32, message = "ep_copy_in"}> : () -> ()
          %rem3A_264 = arith.constant 2 : i32
          %rem3A_265 = arith.remui %scan3A_122, %rem3A_264 : i32
          %mul3A_266 = arith.constant 128 : i32
          %mul3A_267 = arith.muli %mul3A_266, %add3A_149 : i32
          %dma_start3A_268 = arith.constant 0 : i32
          %dma_start3A_269 = arith.constant 0 : i32
          %dma_start3A_270 = tpu.memref_slice %run_scoped3A[%rem3A_265, %dma_start3A_268, %dma_start3A_269] : memref<2x1x128xi32, #tpu.memory_space<vmem>> -> memref<1x1x128xi32, #tpu.memory_space<vmem>>
          %dma_start3A_271 = tpu.memref_squeeze %dma_start3A_270 : memref<1x1x128xi32, #tpu.memory_space<vmem>> -> memref<1x128xi32, #tpu.memory_space<vmem>>
          %dma_start3A_272 = arith.constant 0 : i32
          %dma_start3A_273 = tpu.memref_slice %arg3[%dma_start3A_272, %mul3A_267] : memref<1x819200xi32, #tpu.memory_space<hbm>> -> memref<1x128xi32, #tpu.memory_space<hbm>>
          %dma_start3A_274 = tpu.memref_slice %run_scoped3A_7[%rem3A_265] : memref<2x!tpu.dma_semaphore, #tpu.memory_space<semaphore_mem>> -> memref<1x!tpu.dma_semaphore, #tpu.memory_space<semaphore_mem>>
          %dma_start3A_275 = tpu.memref_squeeze %dma_start3A_274 : memref<1x!tpu.dma_semaphore, #tpu.memory_space<semaphore_mem>> -> memref<!tpu.dma_semaphore, #tpu.memory_space<semaphore_mem>>
          %dma_start3A_276 = arith.constant 0 : i32
          %dma_start3A_277 = arith.constant 0 : i32
          %dma_start3A_278 = tpu.memref_slice %run_scoped3A[%rem3A_265, %dma_start3A_276, %dma_start3A_277] : memref<2x1x128xi32, #tpu.memory_space<vmem>> -> memref<1x1x128xi32, #tpu.memory_space<vmem>>
          %dma_start3A_279 = tpu.memref_squeeze %dma_start3A_278 : memref<1x1x128xi32, #tpu.memory_space<vmem>> -> memref<1x128xi32, #tpu.memory_space<vmem>>
          %dma_start3A_280 = arith.constant 0 : i32
          %dma_start3A_281 = tpu.memref_slice %arg3[%dma_start3A_280, %mul3A_267] : memref<1x819200xi32, #tpu.memory_space<hbm>> -> memref<1x128xi32, #tpu.memory_space<hbm>>
          tpu.enqueue_dma source(%dma_start3A_281 : memref<1x128xi32, #tpu.memory_space<hbm>>) target(%dma_start3A_279 : memref<1x128xi32, #tpu.memory_space<vmem>>) target_semaphore(%dma_start3A_275 : memref<!tpu.dma_semaphore, #tpu.memory_space<semaphore_mem>>)
          "tpu.trace_stop"() : () -> ()
        } else {
        }
        %and3A_163 = arith.constant true
        %and3A_164 = arith.andi %and3A, %and3A_163 : i1
        %add3A_165 = arith.constant 1 : i32
        %add3A_166 = arith.addi %scan3A_122, %add3A_165 : i32
        %select_n3A_167 = arith.select %and3A_164, %add3A_166, %scan3A_122 : i32
        %ne3A_168 = arith.cmpi ne, %add3A_131, %add3A_149 : i32
        %or3A_169 = arith.constant false
        %or3A_170 = arith.ori %or3A_169, %ne3A_168 : i1
        %or3A_171 = arith.constant false
        %or3A_172 = arith.ori %or3A_170, %or3A_171 : i1
        %ge3A_173 = arith.constant 199 : i32
        %ge3A_174 = arith.cmpi sge, %scan3A_121, %ge3A_173 : i32
        %not3A_175 = arith.constant true
        %not3A_176 = arith.xori %ge3A_174, %not3A_175 : i1
        %and3A_177 = arith.andi %or3A_172, %not3A_176 : i1
        %ne3A_178 = arith.cmpi ne, %add3A_131, %add3A_140 : i32
        %or3A_179 = arith.constant false
        %or3A_180 = arith.ori %or3A_179, %ne3A_178 : i1
        %or3A_181 = arith.ori %or3A_180, %eq3A_128 : i1
        %convert_element_type3A_182 = arith.extui %or3A_181 : i1 to i32
        %cond3A_183 = arith.constant 0 : i32
        %cond3A_184 = arith.cmpi ne, %convert_element_type3A_182, %cond3A_183 : i32
        scf.if %cond3A_184 {
          "tpu.trace_start"() <{level = 10 : i32, message = "ep_wait_in"}> : () -> ()
          %mul3A_264 = arith.constant 128 : i32
          %mul3A_265 = arith.muli %mul3A_264, %add3A_131 : i32
          %rem3A_266 = arith.constant 2 : i32
          %rem3A_267 = arith.remui %scan3A_123, %rem3A_266 : i32
          %dma_wait3A_268 = arith.constant 0 : i32
          %dma_wait3A_269 = arith.constant 0 : i32
          %dma_wait3A_270 = tpu.memref_slice %run_scoped3A[%rem3A_267, %dma_wait3A_268, %dma_wait3A_269] : memref<2x1x128xi32, #tpu.memory_space<vmem>> -> memref<1x1x128xi32, #tpu.memory_space<vmem>>
          %dma_wait3A_271 = tpu.memref_squeeze %dma_wait3A_270 : memref<1x1x128xi32, #tpu.memory_space<vmem>> -> memref<1x128xi32, #tpu.memory_space<vmem>>
          %dma_wait3A_272 = arith.constant 0 : i32
          %dma_wait3A_273 = tpu.memref_slice %arg3[%dma_wait3A_272, %mul3A_265] : memref<1x819200xi32, #tpu.memory_space<hbm>> -> memref<1x128xi32, #tpu.memory_space<hbm>>
          %dma_wait3A_274 = tpu.memref_slice %run_scoped3A_7[%rem3A_267] : memref<2x!tpu.dma_semaphore, #tpu.memory_space<semaphore_mem>> -> memref<1x!tpu.dma_semaphore, #tpu.memory_space<semaphore_mem>>
          %dma_wait3A_275 = tpu.memref_squeeze %dma_wait3A_274 : memref<1x!tpu.dma_semaphore, #tpu.memory_space<semaphore_mem>> -> memref<!tpu.dma_semaphore, #tpu.memory_space<semaphore_mem>>
          %dma_wait3A_276 = arith.constant 0 : i32
          %dma_wait3A_277 = arith.constant 0 : i32
          %dma_wait3A_278 = tpu.memref_slice %run_scoped3A[%rem3A_267, %dma_wait3A_276, %dma_wait3A_277] : memref<2x1x128xi32, #tpu.memory_space<vmem>> -> memref<1x1x128xi32, #tpu.memory_space<vmem>>
          %dma_wait3A_279 = tpu.memref_squeeze %dma_wait3A_278 : memref<1x1x128xi32, #tpu.memory_space<vmem>> -> memref<1x128xi32, #tpu.memory_space<vmem>>
          %dma_wait3A_280 = arith.constant 0 : i32
          %dma_wait3A_281 = tpu.memref_slice %arg3[%dma_wait3A_280, %mul3A_265] : memref<1x819200xi32, #tpu.memory_space<hbm>> -> memref<1x128xi32, #tpu.memory_space<hbm>>
          tpu.wait_dma2 semaphore(%dma_wait3A_275 : memref<!tpu.dma_semaphore, #tpu.memory_space<semaphore_mem>>) src(%dma_wait3A_281 : memref<1x128xi32, #tpu.memory_space<hbm>>) dst(%dma_wait3A_279 : memref<1x128xi32, #tpu.memory_space<vmem>>)
          "tpu.trace_stop"() : () -> ()
        } else {
        }
        %ne3A_185 = arith.cmpi ne, %add3A_131, %add3A_140 : i32
        %or3A_186 = arith.constant false
        %or3A_187 = arith.ori %or3A_186, %ne3A_185 : i1
        %or3A_188 = arith.constant false
        %or3A_189 = arith.ori %or3A_187, %or3A_188 : i1
        %or3A_190 = arith.ori %or3A_189, %eq3A_128 : i1
        %convert_element_type3A_191 = arith.extui %or3A_190 : i1 to i32
        %cond3A_192 = arith.constant 0 : i32
        %cond3A_193 = arith.cmpi ne, %convert_element_type3A_191, %cond3A_192 : i32
        scf.if %cond3A_193 {
        } else {
        }
        %rem3A_194 = arith.constant 2 : i32
        %rem3A_195 = arith.remui %scan3A_123, %rem3A_194 : i32
        %rem3A_196 = arith.constant 2 : i32
        %rem3A_197 = arith.remui %scan3A_124, %rem3A_196 : i32
        %run_scoped3A_198 = arith.constant 0 : i32
        "tpu.trace_start"() <{level = 10 : i32, message = "ep_run_kernel"}> : () -> ()
        "tpu.region"() ({
          %run_scoped3A_264 = tpu.sem_alloc : memref<!tpu.dma_semaphore, #tpu.memory_space<semaphore_mem>>
          %dma_start3A_265 = arith.constant 0 : i32
          %dma_start3A_266 = arith.constant 0 : i32
          %dma_start3A_267 = tpu.memref_slice %run_scoped3A_8[%rem3A_197, %dma_start3A_265, %dma_start3A_266] : memref<2x128x32xbf16, #tpu.memory_space<vmem>> -> memref<1x128x32xbf16, #tpu.memory_space<vmem>>
          %dma_start3A_268 = tpu.memref_squeeze %dma_start3A_267 : memref<1x128x32xbf16, #tpu.memory_space<vmem>> -> memref<128x32xbf16, #tpu.memory_space<vmem>>
          %dma_start3A_269 = arith.constant 0 : i32
          %dma_start3A_270 = arith.constant 0 : i32
          %dma_start3A_271 = tpu.memref_slice %run_scoped3A[%rem3A_195, %dma_start3A_269, %dma_start3A_270] : memref<2x1x128xi32, #tpu.memory_space<vmem>> -> memref<1x1x128xi32, #tpu.memory_space<vmem>>
          %dma_start3A_272 = tpu.memref_squeeze %dma_start3A_271 : memref<1x1x128xi32, #tpu.memory_space<vmem>> -> memref<1x128xi32, #tpu.memory_space<vmem>>
          %dma_start3A_273 = arith.constant 0 : i32
          %dma_start3A_274 = tpu.memref_slice %dma_start3A_272[%run_scoped3A_198, %dma_start3A_273] : memref<1x128xi32, #tpu.memory_space<vmem>> -> memref<1x128xi32, #tpu.memory_space<vmem>>
          %dma_start3A_275 = tpu.memref_squeeze %dma_start3A_274 : memref<1x128xi32, #tpu.memory_space<vmem>> -> memref<128xi32, #tpu.memory_space<vmem>>
          %dma_start3A_276 = arith.constant 0 : i32
          %dma_start3A_277 = arith.constant 0 : i32
          %dma_start3A_278 = tpu.memref_slice %arg2[%dma_start3A_276, %dma_start3A_277] : memref<100000x32xbf16, #tpu.memory_space<hbm>> -> memref<100000x32xbf16, #tpu.memory_space<hbm>>
          tpu.enqueue_indirect_dma source(%dma_start3A_278 : memref<100000x32xbf16, #tpu.memory_space<hbm>>) target(%dma_start3A_268 : memref<128x32xbf16, #tpu.memory_space<vmem>>) offsets(%dma_start3A_275 : memref<128xi32, #tpu.memory_space<vmem>>) semaphore(%run_scoped3A_264 : memref<!tpu.dma_semaphore, #tpu.memory_space<semaphore_mem>>)
          %dma_wait3A_279 = arith.constant 0 : i32
          %dma_wait3A_280 = arith.constant 0 : i32
          %dma_wait3A_281 = tpu.memref_slice %run_scoped3A_8[%rem3A_197, %dma_wait3A_279, %dma_wait3A_280] : memref<2x128x32xbf16, #tpu.memory_space<vmem>> -> memref<1x128x32xbf16, #tpu.memory_space<vmem>>
          %dma_wait3A_282 = tpu.memref_squeeze %dma_wait3A_281 : memref<1x128x32xbf16, #tpu.memory_space<vmem>> -> memref<128x32xbf16, #tpu.memory_space<vmem>>
          %dma_wait3A_283 = arith.constant 0 : i32
          %dma_wait3A_284 = arith.constant 0 : i32
          %dma_wait3A_285 = tpu.memref_slice %run_scoped3A[%rem3A_195, %dma_wait3A_283, %dma_wait3A_284] : memref<2x1x128xi32, #tpu.memory_space<vmem>> -> memref<1x1x128xi32, #tpu.memory_space<vmem>>
          %dma_wait3A_286 = tpu.memref_squeeze %dma_wait3A_285 : memref<1x1x128xi32, #tpu.memory_space<vmem>> -> memref<1x128xi32, #tpu.memory_space<vmem>>
          %dma_wait3A_287 = arith.constant 0 : i32
          %dma_wait3A_288 = tpu.memref_slice %dma_wait3A_286[%run_scoped3A_198, %dma_wait3A_287] : memref<1x128xi32, #tpu.memory_space<vmem>> -> memref<1x128xi32, #tpu.memory_space<vmem>>
          %dma_wait3A_289 = tpu.memref_squeeze %dma_wait3A_288 : memref<1x128xi32, #tpu.memory_space<vmem>> -> memref<128xi32, #tpu.memory_space<vmem>>
          %dma_wait3A_290 = arith.constant 0 : i32
          %dma_wait3A_291 = arith.constant 0 : i32
          %dma_wait3A_292 = tpu.memref_slice %arg2[%dma_wait3A_290, %dma_wait3A_291] : memref<100000x32xbf16, #tpu.memory_space<hbm>> -> memref<100000x32xbf16, #tpu.memory_space<hbm>>
          tpu.wait_indirect_dma semaphore(%run_scoped3A_264 : memref<!tpu.dma_semaphore, #tpu.memory_space<semaphore_mem>>) src(%dma_wait3A_292 : memref<100000x32xbf16, #tpu.memory_space<hbm>>) dst(%dma_wait3A_282 : memref<128x32xbf16, #tpu.memory_space<vmem>>)
          tpu.yield
        }) : () -> ()
        "tpu.trace_stop"() : () -> ()
        %ne3A_199 = arith.cmpi ne, %add3A_131, %add3A_149 : i32
        %or3A_200 = arith.constant false
        %or3A_201 = arith.ori %or3A_200, %ne3A_199 : i1
        %or3A_202 = arith.ori %or3A_201, %eq3A_130 : i1
        %convert_element_type3A_203 = arith.extui %or3A_202 : i1 to i32
        %cond3A_204 = arith.constant 0 : i32
        %cond3A_205 = arith.cmpi ne, %convert_element_type3A_203, %cond3A_204 : i32
        scf.if %cond3A_205 {
        } else {
        }
        %and3A_206 = arith.constant false
        %and3A_207 = arith.andi %or3A_202, %and3A_206 : i1
        %ne3A_208 = arith.cmpi ne, %add3A_131, %add3A_149 : i32
        %or3A_209 = arith.constant false
        %or3A_210 = arith.ori %or3A_209, %ne3A_208 : i1
        %or3A_211 = arith.constant false
        %or3A_212 = arith.ori %or3A_210, %or3A_211 : i1
        %or3A_213 = arith.ori %or3A_212, %eq3A_130 : i1
        %convert_element_type3A_214 = arith.extui %or3A_213 : i1 to i32
        %cond3A_215 = arith.constant 0 : i32
        %cond3A_216 = arith.cmpi ne, %convert_element_type3A_214, %cond3A_215 : i32
        scf.if %cond3A_216 {
          "tpu.trace_start"() <{level = 10 : i32, message = "ep_copy_out"}> : () -> ()
          %rem3A_264 = arith.constant 2 : i32
          %rem3A_265 = arith.remui %scan3A_124, %rem3A_264 : i32
          %mul3A_266 = arith.constant 128 : i32
          %mul3A_267 = arith.muli %mul3A_266, %add3A_131 : i32
          %dma_start3A_268 = arith.constant 0 : i32
          %dma_start3A_269 = arith.constant 0 : i32
          %dma_start3A_270 = tpu.memref_slice %run_scoped3A_8[%rem3A_265, %dma_start3A_268, %dma_start3A_269] : memref<2x128x32xbf16, #tpu.memory_space<vmem>> -> memref<1x128x32xbf16, #tpu.memory_space<vmem>>
          %dma_start3A_271 = tpu.memref_squeeze %dma_start3A_270 : memref<1x128x32xbf16, #tpu.memory_space<vmem>> -> memref<128x32xbf16, #tpu.memory_space<vmem>>
          %dma_start3A_272 = arith.constant 0 : i32
          %dma_start3A_273 = tpu.memref_slice %arg4[%mul3A_267, %dma_start3A_272] : memref<819200x32xbf16, #tpu.memory_space<hbm>> -> memref<128x32xbf16, #tpu.memory_space<hbm>>
          %dma_start3A_274 = tpu.memref_slice %run_scoped3A_9[%rem3A_265] : memref<2x!tpu.dma_semaphore, #tpu.memory_space<semaphore_mem>> -> memref<1x!tpu.dma_semaphore, #tpu.memory_space<semaphore_mem>>
          %dma_start3A_275 = tpu.memref_squeeze %dma_start3A_274 : memref<1x!tpu.dma_semaphore, #tpu.memory_space<semaphore_mem>> -> memref<!tpu.dma_semaphore, #tpu.memory_space<semaphore_mem>>
          %dma_start3A_276 = arith.constant 0 : i32
          %dma_start3A_277 = tpu.memref_slice %arg4[%mul3A_267, %dma_start3A_276] : memref<819200x32xbf16, #tpu.memory_space<hbm>> -> memref<128x32xbf16, #tpu.memory_space<hbm>>
          %dma_start3A_278 = arith.constant 0 : i32
          %dma_start3A_279 = arith.constant 0 : i32
          %dma_start3A_280 = tpu.memref_slice %run_scoped3A_8[%rem3A_265, %dma_start3A_278, %dma_start3A_279] : memref<2x128x32xbf16, #tpu.memory_space<vmem>> -> memref<1x128x32xbf16, #tpu.memory_space<vmem>>
          %dma_start3A_281 = tpu.memref_squeeze %dma_start3A_280 : memref<1x128x32xbf16, #tpu.memory_space<vmem>> -> memref<128x32xbf16, #tpu.memory_space<vmem>>
          tpu.enqueue_dma source(%dma_start3A_281 : memref<128x32xbf16, #tpu.memory_space<vmem>>) target(%dma_start3A_277 : memref<128x32xbf16, #tpu.memory_space<hbm>>) target_semaphore(%dma_start3A_275 : memref<!tpu.dma_semaphore, #tpu.memory_space<semaphore_mem>>)
          "tpu.trace_stop"() : () -> ()
        } else {
        }
        %and3A_217 = arith.constant true
        %and3A_218 = arith.andi %or3A_213, %and3A_217 : i1
        %add3A_219 = arith.constant 1 : i32
        %add3A_220 = arith.addi %scan3A_124, %add3A_219 : i32
        %select_n3A_221 = arith.select %and3A_218, %add3A_220, %scan3A_124 : i32
        %ne3A_222 = arith.cmpi ne, %add3A_131, %add3A_140 : i32
        %or3A_223 = arith.constant false
        %or3A_224 = arith.ori %or3A_223, %ne3A_222 : i1
        %not3A_225 = arith.constant true
        %not3A_226 = arith.xori %eq3A_128, %not3A_225 : i1
        %and3A_227 = arith.andi %or3A_224, %not3A_226 : i1
        %convert_element_type3A_228 = arith.extui %and3A_227 : i1 to i32
        %cond3A_229 = arith.constant 0 : i32
        %cond3A_230 = arith.cmpi ne, %convert_element_type3A_228, %cond3A_229 : i32
        scf.if %cond3A_230 {
        } else {
        }
        %and3A_231 = arith.constant false
        %and3A_232 = arith.andi %and3A_227, %and3A_231 : i1
        %ne3A_233 = arith.cmpi ne, %add3A_131, %add3A_140 : i32
        %or3A_234 = arith.constant false
        %or3A_235 = arith.ori %or3A_234, %ne3A_233 : i1
        %or3A_236 = arith.constant false
        %or3A_237 = arith.ori %or3A_235, %or3A_236 : i1
        %not3A_238 = arith.constant true
        %not3A_239 = arith.xori %eq3A_128, %not3A_238 : i1
        %and3A_240 = arith.andi %or3A_237, %not3A_239 : i1
        %convert_element_type3A_241 = arith.extui %and3A_240 : i1 to i32
        %cond3A_242 = arith.constant 0 : i32
        %cond3A_243 = arith.cmpi ne, %convert_element_type3A_241, %cond3A_242 : i32
        scf.if %cond3A_243 {
          "tpu.trace_start"() <{level = 10 : i32, message = "ep_wait_out"}> : () -> ()
          %rem3A_264 = arith.constant 2 : i32
          %rem3A_265 = arith.remui %scan3A_125, %rem3A_264 : i32
          %mul3A_266 = arith.constant 128 : i32
          %mul3A_267 = arith.muli %mul3A_266, %add3A_140 : i32
          %dma_wait3A_268 = arith.constant 0 : i32
          %dma_wait3A_269 = arith.constant 0 : i32
          %dma_wait3A_270 = tpu.memref_slice %run_scoped3A_8[%rem3A_265, %dma_wait3A_268, %dma_wait3A_269] : memref<2x128x32xbf16, #tpu.memory_space<vmem>> -> memref<1x128x32xbf16, #tpu.memory_space<vmem>>
          %dma_wait3A_271 = tpu.memref_squeeze %dma_wait3A_270 : memref<1x128x32xbf16, #tpu.memory_space<vmem>> -> memref<128x32xbf16, #tpu.memory_space<vmem>>
          %dma_wait3A_272 = arith.constant 0 : i32
          %dma_wait3A_273 = tpu.memref_slice %arg4[%mul3A_267, %dma_wait3A_272] : memref<819200x32xbf16, #tpu.memory_space<hbm>> -> memref<128x32xbf16, #tpu.memory_space<hbm>>
          %dma_wait3A_274 = tpu.memref_slice %run_scoped3A_9[%rem3A_265] : memref<2x!tpu.dma_semaphore, #tpu.memory_space<semaphore_mem>> -> memref<1x!tpu.dma_semaphore, #tpu.memory_space<semaphore_mem>>
          %dma_wait3A_275 = tpu.memref_squeeze %dma_wait3A_274 : memref<1x!tpu.dma_semaphore, #tpu.memory_space<semaphore_mem>> -> memref<!tpu.dma_semaphore, #tpu.memory_space<semaphore_mem>>
          %dma_wait3A_276 = arith.constant 0 : i32
          %dma_wait3A_277 = tpu.memref_slice %arg4[%mul3A_267, %dma_wait3A_276] : memref<819200x32xbf16, #tpu.memory_space<hbm>> -> memref<128x32xbf16, #tpu.memory_space<hbm>>
          %dma_wait3A_278 = arith.constant 0 : i32
          %dma_wait3A_279 = arith.constant 0 : i32
          %dma_wait3A_280 = tpu.memref_slice %run_scoped3A_8[%rem3A_265, %dma_wait3A_278, %dma_wait3A_279] : memref<2x128x32xbf16, #tpu.memory_space<vmem>> -> memref<1x128x32xbf16, #tpu.memory_space<vmem>>
          %dma_wait3A_281 = tpu.memref_squeeze %dma_wait3A_280 : memref<1x128x32xbf16, #tpu.memory_space<vmem>> -> memref<128x32xbf16, #tpu.memory_space<vmem>>
          tpu.wait_dma2 semaphore(%dma_wait3A_275 : memref<!tpu.dma_semaphore, #tpu.memory_space<semaphore_mem>>) src(%dma_wait3A_281 : memref<128x32xbf16, #tpu.memory_space<vmem>>) dst(%dma_wait3A_277 : memref<128x32xbf16, #tpu.memory_space<hbm>>)
          "tpu.trace_stop"() : () -> ()
        } else {
        }
        %and3A_244 = arith.constant true
        %and3A_245 = arith.andi %and3A_240, %and3A_244 : i1
        %add3A_246 = arith.constant 1 : i32
        %add3A_247 = arith.addi %scan3A_125, %add3A_246 : i32
        %select_n3A_248 = arith.select %and3A_245, %add3A_247, %scan3A_125 : i32
        %ne3A_249 = arith.cmpi ne, %add3A_131, %add3A_149 : i32
        %or3A_250 = arith.constant false
        %or3A_251 = arith.ori %or3A_250, %ne3A_249 : i1
        %or3A_252 = arith.ori %or3A_251, %eq3A_130 : i1
        %add3A_253 = arith.constant 1 : i32
        %add3A_254 = arith.addi %scan3A_123, %add3A_253 : i32
        %select_n3A_255 = arith.select %or3A_252, %add3A_254, %scan3A_123 : i32
        %add3A_256 = arith.constant 1 : i32
        %add3A_257 = arith.addi %scan3A_126, %add3A_256 : i32
        %select_n3A_258 = arith.constant true
        %select_n3A_259 = arith.select %select_n3A_258, %add3A_257, %scan3A_126 : i32
        %eq3A_260 = arith.constant 200 : i32
        %eq3A_261 = arith.cmpi eq, %select_n3A_259, %eq3A_260 : i32
        %select_n3A_262 = arith.constant 0 : i32
        %select_n3A_263 = arith.select %eq3A_261, %select_n3A_262, %select_n3A_259 : i32
        scf.yield %select_n3A_167, %select_n3A_255, %select_n3A_221, %select_n3A_248, %select_n3A_263 : i32, i32, i32, i32, i32
      }
      %scan3A_68 = arith.constant 200 : i32
      %sub3A = arith.constant 1 : i32
      %sub3A_69 = arith.subi %scan3A_67#4, %sub3A : i32
      %select_n3A_70 = arith.constant true
      %select_n3A_71 = arith.select %select_n3A_70, %sub3A_69, %scan3A_67#4 : i32
      %eq3A_72 = arith.constant -1 : i32
      %eq3A_73 = arith.cmpi eq, %select_n3A_71, %eq3A_72 : i32
      %select_n3A_74 = arith.constant 199 : i32
      %select_n3A_75 = arith.select %eq3A_73, %select_n3A_74, %select_n3A_71 : i32
      %add3A_76 = arith.addi %select_n3A_75, %mul3A_6 : i32
      %sub3A_77 = arith.constant 1 : i32
      %sub3A_78 = arith.subi %select_n3A_75, %sub3A_77 : i32
      %select_n3A_79 = arith.constant true
      %select_n3A_80 = arith.select %select_n3A_79, %sub3A_78, %select_n3A_75 : i32
      %eq3A_81 = arith.constant -1 : i32
      %eq3A_82 = arith.cmpi eq, %select_n3A_80, %eq3A_81 : i32
      %select_n3A_83 = arith.constant 199 : i32
      %select_n3A_84 = arith.select %eq3A_82, %select_n3A_83, %select_n3A_80 : i32
      %add3A_85 = arith.addi %select_n3A_84, %mul3A_6 : i32
      %add3A_86 = arith.constant 1 : i32
      %add3A_87 = arith.addi %select_n3A_75, %add3A_86 : i32
      %select_n3A_88 = arith.constant true
      %select_n3A_89 = arith.select %select_n3A_88, %add3A_87, %select_n3A_75 : i32
      %eq3A_90 = arith.constant 200 : i32
      %eq3A_91 = arith.cmpi eq, %select_n3A_89, %eq3A_90 : i32
      %select_n3A_92 = arith.constant 0 : i32
      %select_n3A_93 = arith.select %eq3A_91, %select_n3A_92, %select_n3A_89 : i32
      %add3A_94 = arith.addi %select_n3A_93, %mul3A_6 : i32
      %add3A_95 = arith.constant 1 : i32
      %add3A_96 = arith.addi %select_n3A_93, %add3A_95 : i32
      %select_n3A_97 = arith.constant true
      %select_n3A_98 = arith.select %select_n3A_97, %add3A_96, %select_n3A_93 : i32
      %eq3A_99 = arith.constant 200 : i32
      %eq3A_100 = arith.cmpi eq, %select_n3A_98, %eq3A_99 : i32
      %select_n3A_101 = arith.constant 0 : i32
      %select_n3A_102 = arith.select %eq3A_100, %select_n3A_101, %select_n3A_98 : i32
      %add3A_103 = arith.addi %select_n3A_102, %mul3A_6 : i32
      "tpu.trace_start"() <{level = 10 : i32, message = "ep_finalize"}> : () -> ()
      %rem3A_104 = arith.constant 2 : i32
      %rem3A_105 = arith.remui %scan3A_67#3, %rem3A_104 : i32
      %mul3A_106 = arith.constant 128 : i32
      %mul3A_107 = arith.muli %mul3A_106, %add3A_76 : i32
      %dma_wait3A = arith.constant 0 : i32
      %dma_wait3A_108 = arith.constant 0 : i32
      %dma_wait3A_109 = tpu.memref_slice %run_scoped3A_8[%rem3A_105, %dma_wait3A, %dma_wait3A_108] : memref<2x128x32xbf16, #tpu.memory_space<vmem>> -> memref<1x128x32xbf16, #tpu.memory_space<vmem>>
      %dma_wait3A_110 = tpu.memref_squeeze %dma_wait3A_109 : memref<1x128x32xbf16, #tpu.memory_space<vmem>> -> memref<128x32xbf16, #tpu.memory_space<vmem>>
      %dma_wait3A_111 = arith.constant 0 : i32
      %dma_wait3A_112 = tpu.memref_slice %arg4[%mul3A_107, %dma_wait3A_111] : memref<819200x32xbf16, #tpu.memory_space<hbm>> -> memref<128x32xbf16, #tpu.memory_space<hbm>>
      %dma_wait3A_113 = tpu.memref_slice %run_scoped3A_9[%rem3A_105] : memref<2x!tpu.dma_semaphore, #tpu.memory_space<semaphore_mem>> -> memref<1x!tpu.dma_semaphore, #tpu.memory_space<semaphore_mem>>
      %dma_wait3A_114 = tpu.memref_squeeze %dma_wait3A_113 : memref<1x!tpu.dma_semaphore, #tpu.memory_space<semaphore_mem>> -> memref<!tpu.dma_semaphore, #tpu.memory_space<semaphore_mem>>
      %dma_wait3A_115 = arith.constant 0 : i32
      %dma_wait3A_116 = tpu.memref_slice %arg4[%mul3A_107, %dma_wait3A_115] : memref<819200x32xbf16, #tpu.memory_space<hbm>> -> memref<128x32xbf16, #tpu.memory_space<hbm>>
      %dma_wait3A_117 = arith.constant 0 : i32
      %dma_wait3A_118 = arith.constant 0 : i32
      %dma_wait3A_119 = tpu.memref_slice %run_scoped3A_8[%rem3A_105, %dma_wait3A_117, %dma_wait3A_118] : memref<2x128x32xbf16, #tpu.memory_space<vmem>> -> memref<1x128x32xbf16, #tpu.memory_space<vmem>>
      %dma_wait3A_120 = tpu.memref_squeeze %dma_wait3A_119 : memref<1x128x32xbf16, #tpu.memory_space<vmem>> -> memref<128x32xbf16, #tpu.memory_space<vmem>>
      tpu.wait_dma2 semaphore(%dma_wait3A_114 : memref<!tpu.dma_semaphore, #tpu.memory_space<semaphore_mem>>) src(%dma_wait3A_120 : memref<128x32xbf16, #tpu.memory_space<vmem>>) dst(%dma_wait3A_116 : memref<128x32xbf16, #tpu.memory_space<hbm>>)
      "tpu.trace_stop"() : () -> ()
      tpu.yield
    }) : () -> ()
    return
  }
}

#map = affine_map<(d0, d1) -> (0, 0)>
module attributes {stable_mosaic.version = 14 : i64} {
  func.func @gather_kernel(%arg0: i32, %arg1: i32, %arg2: memref<100000x32xbf16, #tpu.memory_space<hbm>>, %arg3: memref<1x819200xi32, #tpu.memory_space<hbm>>, %arg4: memref<819200x32xbf16, #tpu.memory_space<hbm>>) attributes {dimension_semantics = [#tpu.dimension_semantics<core_parallel>, #tpu.dimension_semantics<subcore_parallel>], iteration_bounds = array<i64: 2, 16>, scalar_prefetch = 0 : i64, scratch_operands = 0 : i64, tpu.core_type = #tpu.core_type<sc_vector_subcore>, window_params = [{transform_indices = #map}, {transform_indices = #map}, {transform_indices = #map}]} {
    %mul3A = arith.constant 1 : i32
    %mul3A_0 = arith.muli %arg1, %mul3A : i32
    %add3A = arith.constant 0 : i32
    %add3A_1 = arith.addi %add3A, %mul3A_0 : i32
    %mul3A_2 = arith.constant 16 : i32
    %mul3A_3 = arith.muli %arg0, %mul3A_2 : i32
    %add3A_4 = arith.addi %add3A_1, %mul3A_3 : i32
    %mul3A_5 = arith.constant 200 : i32
    %mul3A_6 = arith.muli %add3A_4, %mul3A_5 : i32
    "tpu.region"() ({
      %run_scoped3A = memref.alloca() : memref<2x1x128xi32, #tpu.memory_space<vmem>>
      %run_scoped3A_7 = tpu.sem_alloc : memref<2x!tpu.dma_semaphore, #tpu.memory_space<semaphore_mem>>
      %run_scoped3A_8 = memref.alloca() : memref<2x128x32xbf16, #tpu.memory_space<vmem>>
      %run_scoped3A_9 = tpu.sem_alloc : memref<2x!tpu.dma_semaphore, #tpu.memory_space<semaphore_mem>>
      %add3A_10 = arith.constant 0 : i32
      %add3A_11 = arith.addi %add3A_10, %mul3A_6 : i32
      %select_n3A = arith.constant true
      %select_n3A_12 = arith.constant 0 : i32
      %select_n3A_13 = arith.constant -1 : i32
      %select_n3A_14 = arith.select %select_n3A, %select_n3A_13, %select_n3A_12 : i32
      %eq3A = arith.constant -1 : i32
      %eq3A_15 = arith.cmpi eq, %select_n3A_14, %eq3A : i32
      %select_n3A_16 = arith.constant 199 : i32
      %select_n3A_17 = arith.select %eq3A_15, %select_n3A_16, %select_n3A_14 : i32
      %add3A_18 = arith.addi %select_n3A_17, %mul3A_6 : i32
      %select_n3A_19 = arith.constant true
      %select_n3A_20 = arith.constant 0 : i32
      %select_n3A_21 = arith.constant 1 : i32
      %select_n3A_22 = arith.select %select_n3A_19, %select_n3A_21, %select_n3A_20 : i32
      %eq3A_23 = arith.constant 200 : i32
      %eq3A_24 = arith.cmpi eq, %select_n3A_22, %eq3A_23 : i32
      %select_n3A_25 = arith.constant 0 : i32
      %select_n3A_26 = arith.select %eq3A_24, %select_n3A_25, %select_n3A_22 : i32
      %add3A_27 = arith.addi %select_n3A_26, %mul3A_6 : i32
      %add3A_28 = arith.constant 1 : i32
      %add3A_29 = arith.addi %select_n3A_26, %add3A_28 : i32
      %select_n3A_30 = arith.constant true
      %select_n3A_31 = arith.select %select_n3A_30, %add3A_29, %select_n3A_26 : i32
      %eq3A_32 = arith.constant 200 : i32
      %eq3A_33 = arith.cmpi eq, %select_n3A_31, %eq3A_32 : i32
      %select_n3A_34 = arith.constant 0 : i32
      %select_n3A_35 = arith.select %eq3A_33, %select_n3A_34, %select_n3A_31 : i32
      %add3A_36 = arith.addi %select_n3A_35, %mul3A_6 : i32
      "tpu.trace_start"() <{level = 10 : i32, message = "ep_initialize_0"}> : () -> ()
      %rem3A = arith.constant 0 : i32
      %rem3A_37 = arith.constant 2 : i32
      %rem3A_38 = arith.remui %rem3A, %rem3A_37 : i32
      %mul3A_39 = arith.constant 128 : i32
      %mul3A_40 = arith.muli %mul3A_39, %add3A_11 : i32
      %dma_start3A = arith.constant 0 : i32
      %dma_start3A_41 = arith.constant 0 : i32
      %dma_start3A_42 = tpu.memref_slice %run_scoped3A[%rem3A_38, %dma_start3A, %dma_start3A_41] : memref<2x1x128xi32, #tpu.memory_space<vmem>> -> memref<1x1x128xi32, #tpu.memory_space<vmem>>
      %dma_start3A_43 = tpu.memref_squeeze %dma_start3A_42 : memref<1x1x128xi32, #tpu.memory_space<vmem>> -> memref<1x128xi32, #tpu.memory_space<vmem>>
      %dma_start3A_44 = arith.constant 0 : i32
      %dma_start3A_45 = tpu.memref_slice %arg3[%dma_start3A_44, %mul3A_40] : memref<1x819200xi32, #tpu.memory_space<hbm>> -> memref<1x128xi32, #tpu.memory_space<hbm>>
      %dma_start3A_46 = tpu.memref_slice %run_scoped3A_7[%rem3A_38] : memref<2x!tpu.dma_semaphore, #tpu.memory_space<semaphore_mem>> -> memref<1x!tpu.dma_semaphore, #tpu.memory_space<semaphore_mem>>
      %dma_start3A_47 = tpu.memref_squeeze %dma_start3A_46 : memref<1x!tpu.dma_semaphore, #tpu.memory_space<semaphore_mem>> -> memref<!tpu.dma_semaphore, #tpu.memory_space<semaphore_mem>>
      %dma_start3A_48 = arith.constant 0 : i32
      %dma_start3A_49 = arith.constant 0 : i32
      %dma_start3A_50 = tpu.memref_slice %run_scoped3A[%rem3A_38, %dma_start3A_48, %dma_start3A_49] : memref<2x1x128xi32, #tpu.memory_space<vmem>> -> memref<1x1x128xi32, #tpu.memory_space<vmem>>
      %dma_start3A_51 = tpu.memref_squeeze %dma_start3A_50 : memref<1x1x128xi32, #tpu.memory_space<vmem>> -> memref<1x128xi32, #tpu.memory_space<vmem>>
      %dma_start3A_52 = arith.constant 0 : i32
      %dma_start3A_53 = tpu.memref_slice %arg3[%dma_start3A_52, %mul3A_40] : memref<1x819200xi32, #tpu.memory_space<hbm>> -> memref<1x128xi32, #tpu.memory_space<hbm>>
      tpu.enqueue_dma source(%dma_start3A_53 : memref<1x128xi32, #tpu.memory_space<hbm>>) target(%dma_start3A_51 : memref<1x128xi32, #tpu.memory_space<vmem>>) target_semaphore(%dma_start3A_47 : memref<!tpu.dma_semaphore, #tpu.memory_space<semaphore_mem>>)
      %add3A_54 = arith.constant 0 : i32
      %add3A_55 = arith.constant 1 : i32
      %add3A_56 = arith.addi %add3A_54, %add3A_55 : i32
      %select_n3A_57 = arith.constant true
      %select_n3A_58 = arith.constant 0 : i32
      %select_n3A_59 = arith.select %select_n3A_57, %add3A_56, %select_n3A_58 : i32
      "tpu.trace_stop"() : () -> ()
      %scan3A = arith.constant 0 : i32
      %scan3A_60 = arith.constant 0 : i32
      %scan3A_61 = arith.constant 0 : i32
      %scan3A_62 = arith.constant 0 : i32
      %scan3A_63 = arith.constant 0 : i32
      %scan3A_64 = arith.constant 200 : i32
      %scan3A_65 = arith.addi %scan3A_63, %scan3A_64 : i32
      %scan3A_66 = arith.constant 1 : i32
      %scan3A_67:5 = scf.for %scan3A_121 = %scan3A_63 to %scan3A_65 step %scan3A_66 iter_args(%scan3A_122 = %select_n3A_59, %scan3A_123 = %scan3A, %scan3A_124 = %scan3A_60, %scan3A_125 = %scan3A_61, %scan3A_126 = %scan3A_62) -> (i32, i32, i32, i32, i32)  : i32 {
        %eq3A_127 = arith.constant 0 : i32
        %eq3A_128 = arith.cmpi eq, %scan3A_121, %eq3A_127 : i32
        %eq3A_129 = arith.constant 199 : i32
        %eq3A_130 = arith.cmpi eq, %scan3A_121, %eq3A_129 : i32
        %add3A_131 = arith.addi %scan3A_126, %mul3A_6 : i32
        %sub3A_132 = arith.constant 1 : i32
        %sub3A_133 = arith.subi %scan3A_126, %sub3A_132 : i32
        %select_n3A_134 = arith.constant true
        %select_n3A_135 = arith.select %select_n3A_134, %sub3A_133, %scan3A_126 : i32
        %eq3A_136 = arith.constant -1 : i32
        %eq3A_137 = arith.cmpi eq, %select_n3A_135, %eq3A_136 : i32
        %select_n3A_138 = arith.constant 199 : i32
        %select_n3A_139 = arith.select %eq3A_137, %select_n3A_138, %select_n3A_135 : i32
        %add3A_140 = arith.addi %select_n3A_139, %mul3A_6 : i32
        %add3A_141 = arith.constant 1 : i32
        %add3A_142 = arith.addi %scan3A_126, %add3A_141 : i32
        %select_n3A_143 = arith.constant true
        %select_n3A_144 = arith.select %select_n3A_143, %add3A_142, %scan3A_126 : i32
        %eq3A_145 = arith.constant 200 : i32
        %eq3A_146 = arith.cmpi eq, %select_n3A_144, %eq3A_145 : i32
        %select_n3A_147 = arith.constant 0 : i32
        %select_n3A_148 = arith.select %eq3A_146, %select_n3A_147, %select_n3A_144 : i32
        %add3A_149 = arith.addi %select_n3A_148, %mul3A_6 : i32
        %add3A_150 = arith.constant 1 : i32
        %add3A_151 = arith.addi %select_n3A_148, %add3A_150 : i32
        %select_n3A_152 = arith.constant true
        %select_n3A_153 = arith.select %select_n3A_152, %add3A_151, %select_n3A_148 : i32
        %eq3A_154 = arith.constant 200 : i32
        %eq3A_155 = arith.cmpi eq, %select_n3A_153, %eq3A_154 : i32
        %select_n3A_156 = arith.constant 0 : i32
        %select_n3A_157 = arith.select %eq3A_155, %select_n3A_156, %select_n3A_153 : i32
        %add3A_158 = arith.addi %select_n3A_157, %mul3A_6 : i32
        %ne3A = arith.cmpi ne, %add3A_131, %add3A_149 : i32
        %or3A = arith.constant false
        %or3A_159 = arith.ori %or3A, %ne3A : i1
        %ge3A = arith.constant 199 : i32
        %ge3A_160 = arith.cmpi sge, %scan3A_121, %ge3A : i32
        %not3A = arith.constant true
        %not3A_161 = arith.xori %ge3A_160, %not3A : i1
        %and3A = arith.andi %or3A_159, %not3A_161 : i1
        %convert_element_type3A = arith.extui %and3A : i1 to i32
        %cond3A = arith.constant 0 : i32
        %cond3A_162 = arith.cmpi ne, %convert_element_type3A, %cond3A : i32
        scf.if %cond3A_162 {
          "tpu.trace_start"() <{level = 10 : i32, message = "ep_copy_in"}> : () -> ()
          %rem3A_264 = arith.constant 2 : i32
          %rem3A_265 = arith.remui %scan3A_122, %rem3A_264 : i32
          %mul3A_266 = arith.constant 128 : i32
          %mul3A_267 = arith.muli %mul3A_266, %add3A_149 : i32
          %dma_start3A_268 = arith.constant 0 : i32
          %dma_start3A_269 = arith.constant 0 : i32
          %dma_start3A_270 = tpu.memref_slice %run_scoped3A[%rem3A_265, %dma_start3A_268, %dma_start3A_269] : memref<2x1x128xi32, #tpu.memory_space<vmem>> -> memref<1x1x128xi32, #tpu.memory_space<vmem>>
          %dma_start3A_271 = tpu.memref_squeeze %dma_start3A_270 : memref<1x1x128xi32, #tpu.memory_space<vmem>> -> memref<1x128xi32, #tpu.memory_space<vmem>>
          %dma_start3A_272 = arith.constant 0 : i32
          %dma_start3A_273 = tpu.memref_slice %arg3[%dma_start3A_272, %mul3A_267] : memref<1x819200xi32, #tpu.memory_space<hbm>> -> memref<1x128xi32, #tpu.memory_space<hbm>>
          %dma_start3A_274 = tpu.memref_slice %run_scoped3A_7[%rem3A_265] : memref<2x!tpu.dma_semaphore, #tpu.memory_space<semaphore_mem>> -> memref<1x!tpu.dma_semaphore, #tpu.memory_space<semaphore_mem>>
          %dma_start3A_275 = tpu.memref_squeeze %dma_start3A_274 : memref<1x!tpu.dma_semaphore, #tpu.memory_space<semaphore_mem>> -> memref<!tpu.dma_semaphore, #tpu.memory_space<semaphore_mem>>
          %dma_start3A_276 = arith.constant 0 : i32
          %dma_start3A_277 = arith.constant 0 : i32
          %dma_start3A_278 = tpu.memref_slice %run_scoped3A[%rem3A_265, %dma_start3A_276, %dma_start3A_277] : memref<2x1x128xi32, #tpu.memory_space<vmem>> -> memref<1x1x128xi32, #tpu.memory_space<vmem>>
          %dma_start3A_279 = tpu.memref_squeeze %dma_start3A_278 : memref<1x1x128xi32, #tpu.memory_space<vmem>> -> memref<1x128xi32, #tpu.memory_space<vmem>>
          %dma_start3A_280 = arith.constant 0 : i32
          %dma_start3A_281 = tpu.memref_slice %arg3[%dma_start3A_280, %mul3A_267] : memref<1x819200xi32, #tpu.memory_space<hbm>> -> memref<1x128xi32, #tpu.memory_space<hbm>>
          tpu.enqueue_dma source(%dma_start3A_281 : memref<1x128xi32, #tpu.memory_space<hbm>>) target(%dma_start3A_279 : memref<1x128xi32, #tpu.memory_space<vmem>>) target_semaphore(%dma_start3A_275 : memref<!tpu.dma_semaphore, #tpu.memory_space<semaphore_mem>>)
          "tpu.trace_stop"() : () -> ()
        } else {
        }
        %and3A_163 = arith.constant true
        %and3A_164 = arith.andi %and3A, %and3A_163 : i1
        %add3A_165 = arith.constant 1 : i32
        %add3A_166 = arith.addi %scan3A_122, %add3A_165 : i32
        %select_n3A_167 = arith.select %and3A_164, %add3A_166, %scan3A_122 : i32
        %ne3A_168 = arith.cmpi ne, %add3A_131, %add3A_149 : i32
        %or3A_169 = arith.constant false
        %or3A_170 = arith.ori %or3A_169, %ne3A_168 : i1
        %or3A_171 = arith.constant false
        %or3A_172 = arith.ori %or3A_170, %or3A_171 : i1
        %ge3A_173 = arith.constant 199 : i32
        %ge3A_174 = arith.cmpi sge, %scan3A_121, %ge3A_173 : i32
        %not3A_175 = arith.constant true
        %not3A_176 = arith.xori %ge3A_174, %not3A_175 : i1
        %and3A_177 = arith.andi %or3A_172, %not3A_176 : i1
        %ne3A_178 = arith.cmpi ne, %add3A_131, %add3A_140 : i32
        %or3A_179 = arith.constant false
        %or3A_180 = arith.ori %or3A_179, %ne3A_178 : i1
        %or3A_181 = arith.ori %or3A_180, %eq3A_128 : i1
        %convert_element_type3A_182 = arith.extui %or3A_181 : i1 to i32
        %cond3A_183 = arith.constant 0 : i32
        %cond3A_184 = arith.cmpi ne, %convert_element_type3A_182, %cond3A_183 : i32
        scf.if %cond3A_184 {
          "tpu.trace_start"() <{level = 10 : i32, message = "ep_wait_in"}> : () -> ()
          %mul3A_264 = arith.constant 128 : i32
          %mul3A_265 = arith.muli %mul3A_264, %add3A_131 : i32
          %rem3A_266 = arith.constant 2 : i32
          %rem3A_267 = arith.remui %scan3A_123, %rem3A_266 : i32
          %dma_wait3A_268 = arith.constant 0 : i32
          %dma_wait3A_269 = arith.constant 0 : i32
          %dma_wait3A_270 = tpu.memref_slice %run_scoped3A[%rem3A_267, %dma_wait3A_268, %dma_wait3A_269] : memref<2x1x128xi32, #tpu.memory_space<vmem>> -> memref<1x1x128xi32, #tpu.memory_space<vmem>>
          %dma_wait3A_271 = tpu.memref_squeeze %dma_wait3A_270 : memref<1x1x128xi32, #tpu.memory_space<vmem>> -> memref<1x128xi32, #tpu.memory_space<vmem>>
          %dma_wait3A_272 = arith.constant 0 : i32
          %dma_wait3A_273 = tpu.memref_slice %arg3[%dma_wait3A_272, %mul3A_265] : memref<1x819200xi32, #tpu.memory_space<hbm>> -> memref<1x128xi32, #tpu.memory_space<hbm>>
          %dma_wait3A_274 = tpu.memref_slice %run_scoped3A_7[%rem3A_267] : memref<2x!tpu.dma_semaphore, #tpu.memory_space<semaphore_mem>> -> memref<1x!tpu.dma_semaphore, #tpu.memory_space<semaphore_mem>>
          %dma_wait3A_275 = tpu.memref_squeeze %dma_wait3A_274 : memref<1x!tpu.dma_semaphore, #tpu.memory_space<semaphore_mem>> -> memref<!tpu.dma_semaphore, #tpu.memory_space<semaphore_mem>>
          %dma_wait3A_276 = arith.constant 0 : i32
          %dma_wait3A_277 = arith.constant 0 : i32
          %dma_wait3A_278 = tpu.memref_slice %run_scoped3A[%rem3A_267, %dma_wait3A_276, %dma_wait3A_277] : memref<2x1x128xi32, #tpu.memory_space<vmem>> -> memref<1x1x128xi32, #tpu.memory_space<vmem>>
          %dma_wait3A_279 = tpu.memref_squeeze %dma_wait3A_278 : memref<1x1x128xi32, #tpu.memory_space<vmem>> -> memref<1x128xi32, #tpu.memory_space<vmem>>
          %dma_wait3A_280 = arith.constant 0 : i32
          %dma_wait3A_281 = tpu.memref_slice %arg3[%dma_wait3A_280, %mul3A_265] : memref<1x819200xi32, #tpu.memory_space<hbm>> -> memref<1x128xi32, #tpu.memory_space<hbm>>
          tpu.wait_dma2 semaphore(%dma_wait3A_275 : memref<!tpu.dma_semaphore, #tpu.memory_space<semaphore_mem>>) src(%dma_wait3A_281 : memref<1x128xi32, #tpu.memory_space<hbm>>) dst(%dma_wait3A_279 : memref<1x128xi32, #tpu.memory_space<vmem>>)
          "tpu.trace_stop"() : () -> ()
        } else {
        }
        %ne3A_185 = arith.cmpi ne, %add3A_131, %add3A_140 : i32
        %or3A_186 = arith.constant false
        %or3A_187 = arith.ori %or3A_186, %ne3A_185 : i1
        %or3A_188 = arith.constant false
        %or3A_189 = arith.ori %or3A_187, %or3A_188 : i1
        %or3A_190 = arith.ori %or3A_189, %eq3A_128 : i1
        %convert_element_type3A_191 = arith.extui %or3A_190 : i1 to i32
        %cond3A_192 = arith.constant 0 : i32
        %cond3A_193 = arith.cmpi ne, %convert_element_type3A_191, %cond3A_192 : i32
        scf.if %cond3A_193 {
        } else {
        }
        %rem3A_194 = arith.constant 2 : i32
        %rem3A_195 = arith.remui %scan3A_123, %rem3A_194 : i32
        %rem3A_196 = arith.constant 2 : i32
        %rem3A_197 = arith.remui %scan3A_124, %rem3A_196 : i32
        %run_scoped3A_198 = arith.constant 0 : i32
        "tpu.trace_start"() <{level = 10 : i32, message = "ep_run_kernel"}> : () -> ()
        "tpu.region"() ({
          %run_scoped3A_264 = tpu.sem_alloc : memref<!tpu.dma_semaphore, #tpu.memory_space<semaphore_mem>>
          %dma_start3A_265 = arith.constant 0 : i32
          %dma_start3A_266 = arith.constant 0 : i32
          %dma_start3A_267 = tpu.memref_slice %run_scoped3A_8[%rem3A_197, %dma_start3A_265, %dma_start3A_266] : memref<2x128x32xbf16, #tpu.memory_space<vmem>> -> memref<1x128x32xbf16, #tpu.memory_space<vmem>>
          %dma_start3A_268 = tpu.memref_squeeze %dma_start3A_267 : memref<1x128x32xbf16, #tpu.memory_space<vmem>> -> memref<128x32xbf16, #tpu.memory_space<vmem>>
          %dma_start3A_269 = arith.constant 0 : i32
          %dma_start3A_270 = arith.constant 0 : i32
          %dma_start3A_271 = tpu.memref_slice %run_scoped3A[%rem3A_195, %dma_start3A_269, %dma_start3A_270] : memref<2x1x128xi32, #tpu.memory_space<vmem>> -> memref<1x1x128xi32, #tpu.memory_space<vmem>>
          %dma_start3A_272 = tpu.memref_squeeze %dma_start3A_271 : memref<1x1x128xi32, #tpu.memory_space<vmem>> -> memref<1x128xi32, #tpu.memory_space<vmem>>
          %dma_start3A_273 = arith.constant 0 : i32
          %dma_start3A_274 = tpu.memref_slice %dma_start3A_272[%run_scoped3A_198, %dma_start3A_273] : memref<1x128xi32, #tpu.memory_space<vmem>> -> memref<1x128xi32, #tpu.memory_space<vmem>>
          %dma_start3A_275 = tpu.memref_squeeze %dma_start3A_274 : memref<1x128xi32, #tpu.memory_space<vmem>> -> memref<128xi32, #tpu.memory_space<vmem>>
          %dma_start3A_276 = arith.constant 0 : i32
          %dma_start3A_277 = arith.constant 0 : i32
          %dma_start3A_278 = tpu.memref_slice %arg2[%dma_start3A_276, %dma_start3A_277] : memref<100000x32xbf16, #tpu.memory_space<hbm>> -> memref<100000x32xbf16, #tpu.memory_space<hbm>>
          tpu.enqueue_indirect_dma source(%dma_start3A_278 : memref<100000x32xbf16, #tpu.memory_space<hbm>>) target(%dma_start3A_268 : memref<128x32xbf16, #tpu.memory_space<vmem>>) offsets(%dma_start3A_275 : memref<128xi32, #tpu.memory_space<vmem>>) semaphore(%run_scoped3A_264 : memref<!tpu.dma_semaphore, #tpu.memory_space<semaphore_mem>>)
          %dma_wait3A_279 = arith.constant 0 : i32
          %dma_wait3A_280 = arith.constant 0 : i32
          %dma_wait3A_281 = tpu.memref_slice %run_scoped3A_8[%rem3A_197, %dma_wait3A_279, %dma_wait3A_280] : memref<2x128x32xbf16, #tpu.memory_space<vmem>> -> memref<1x128x32xbf16, #tpu.memory_space<vmem>>
          %dma_wait3A_282 = tpu.memref_squeeze %dma_wait3A_281 : memref<1x128x32xbf16, #tpu.memory_space<vmem>> -> memref<128x32xbf16, #tpu.memory_space<vmem>>
          %dma_wait3A_283 = arith.constant 0 : i32
          %dma_wait3A_284 = arith.constant 0 : i32
          %dma_wait3A_285 = tpu.memref_slice %run_scoped3A[%rem3A_195, %dma_wait3A_283, %dma_wait3A_284] : memref<2x1x128xi32, #tpu.memory_space<vmem>> -> memref<1x1x128xi32, #tpu.memory_space<vmem>>
          %dma_wait3A_286 = tpu.memref_squeeze %dma_wait3A_285 : memref<1x1x128xi32, #tpu.memory_space<vmem>> -> memref<1x128xi32, #tpu.memory_space<vmem>>
          %dma_wait3A_287 = arith.constant 0 : i32
          %dma_wait3A_288 = tpu.memref_slice %dma_wait3A_286[%run_scoped3A_198, %dma_wait3A_287] : memref<1x128xi32, #tpu.memory_space<vmem>> -> memref<1x128xi32, #tpu.memory_space<vmem>>
          %dma_wait3A_289 = tpu.memref_squeeze %dma_wait3A_288 : memref<1x128xi32, #tpu.memory_space<vmem>> -> memref<128xi32, #tpu.memory_space<vmem>>
          %dma_wait3A_290 = arith.constant 0 : i32
          %dma_wait3A_291 = arith.constant 0 : i32
          %dma_wait3A_292 = tpu.memref_slice %arg2[%dma_wait3A_290, %dma_wait3A_291] : memref<100000x32xbf16, #tpu.memory_space<hbm>> -> memref<100000x32xbf16, #tpu.memory_space<hbm>>
          tpu.wait_indirect_dma semaphore(%run_scoped3A_264 : memref<!tpu.dma_semaphore, #tpu.memory_space<semaphore_mem>>) src(%dma_wait3A_292 : memref<100000x32xbf16, #tpu.memory_space<hbm>>) dst(%dma_wait3A_282 : memref<128x32xbf16, #tpu.memory_space<vmem>>)
          tpu.yield
        }) : () -> ()
        "tpu.trace_stop"() : () -> ()
        %ne3A_199 = arith.cmpi ne, %add3A_131, %add3A_149 : i32
        %or3A_200 = arith.constant false
        %or3A_201 = arith.ori %or3A_200, %ne3A_199 : i1
        %or3A_202 = arith.ori %or3A_201, %eq3A_130 : i1
        %convert_element_type3A_203 = arith.extui %or3A_202 : i1 to i32
        %cond3A_204 = arith.constant 0 : i32
        %cond3A_205 = arith.cmpi ne, %convert_element_type3A_203, %cond3A_204 : i32
        scf.if %cond3A_205 {
        } else {
        }
        %and3A_206 = arith.constant false
        %and3A_207 = arith.andi %or3A_202, %and3A_206 : i1
        %ne3A_208 = arith.cmpi ne, %add3A_131, %add3A_149 : i32
        %or3A_209 = arith.constant false
        %or3A_210 = arith.ori %or3A_209, %ne3A_208 : i1
        %or3A_211 = arith.constant false
        %or3A_212 = arith.ori %or3A_210, %or3A_211 : i1
        %or3A_213 = arith.ori %or3A_212, %eq3A_130 : i1
        %convert_element_type3A_214 = arith.extui %or3A_213 : i1 to i32
        %cond3A_215 = arith.constant 0 : i32
        %cond3A_216 = arith.cmpi ne, %convert_element_type3A_214, %cond3A_215 : i32
        scf.if %cond3A_216 {
          "tpu.trace_start"() <{level = 10 : i32, message = "ep_copy_out"}> : () -> ()
          %rem3A_264 = arith.constant 2 : i32
          %rem3A_265 = arith.remui %scan3A_124, %rem3A_264 : i32
          %mul3A_266 = arith.constant 128 : i32
          %mul3A_267 = arith.muli %mul3A_266, %add3A_131 : i32
          %dma_start3A_268 = arith.constant 0 : i32
          %dma_start3A_269 = arith.constant 0 : i32
          %dma_start3A_270 = tpu.memref_slice %run_scoped3A_8[%rem3A_265, %dma_start3A_268, %dma_start3A_269] : memref<2x128x32xbf16, #tpu.memory_space<vmem>> -> memref<1x128x32xbf16, #tpu.memory_space<vmem>>
          %dma_start3A_271 = tpu.memref_squeeze %dma_start3A_270 : memref<1x128x32xbf16, #tpu.memory_space<vmem>> -> memref<128x32xbf16, #tpu.memory_space<vmem>>
          %dma_start3A_272 = arith.constant 0 : i32
          %dma_start3A_273 = tpu.memref_slice %arg4[%mul3A_267, %dma_start3A_272] : memref<819200x32xbf16, #tpu.memory_space<hbm>> -> memref<128x32xbf16, #tpu.memory_space<hbm>>
          %dma_start3A_274 = tpu.memref_slice %run_scoped3A_9[%rem3A_265] : memref<2x!tpu.dma_semaphore, #tpu.memory_space<semaphore_mem>> -> memref<1x!tpu.dma_semaphore, #tpu.memory_space<semaphore_mem>>
          %dma_start3A_275 = tpu.memref_squeeze %dma_start3A_274 : memref<1x!tpu.dma_semaphore, #tpu.memory_space<semaphore_mem>> -> memref<!tpu.dma_semaphore, #tpu.memory_space<semaphore_mem>>
          %dma_start3A_276 = arith.constant 0 : i32
          %dma_start3A_277 = tpu.memref_slice %arg4[%mul3A_267, %dma_start3A_276] : memref<819200x32xbf16, #tpu.memory_space<hbm>> -> memref<128x32xbf16, #tpu.memory_space<hbm>>
          %dma_start3A_278 = arith.constant 0 : i32
          %dma_start3A_279 = arith.constant 0 : i32
          %dma_start3A_280 = tpu.memref_slice %run_scoped3A_8[%rem3A_265, %dma_start3A_278, %dma_start3A_279] : memref<2x128x32xbf16, #tpu.memory_space<vmem>> -> memref<1x128x32xbf16, #tpu.memory_space<vmem>>
          %dma_start3A_281 = tpu.memref_squeeze %dma_start3A_280 : memref<1x128x32xbf16, #tpu.memory_space<vmem>> -> memref<128x32xbf16, #tpu.memory_space<vmem>>
          tpu.enqueue_dma source(%dma_start3A_281 : memref<128x32xbf16, #tpu.memory_space<vmem>>) target(%dma_start3A_277 : memref<128x32xbf16, #tpu.memory_space<hbm>>) target_semaphore(%dma_start3A_275 : memref<!tpu.dma_semaphore, #tpu.memory_space<semaphore_mem>>)
          "tpu.trace_stop"() : () -> ()
        } else {
        }
        %and3A_217 = arith.constant true
        %and3A_218 = arith.andi %or3A_213, %and3A_217 : i1
        %add3A_219 = arith.constant 1 : i32
        %add3A_220 = arith.addi %scan3A_124, %add3A_219 : i32
        %select_n3A_221 = arith.select %and3A_218, %add3A_220, %scan3A_124 : i32
        %ne3A_222 = arith.cmpi ne, %add3A_131, %add3A_140 : i32
        %or3A_223 = arith.constant false
        %or3A_224 = arith.ori %or3A_223, %ne3A_222 : i1
        %not3A_225 = arith.constant true
        %not3A_226 = arith.xori %eq3A_128, %not3A_225 : i1
        %and3A_227 = arith.andi %or3A_224, %not3A_226 : i1
        %convert_element_type3A_228 = arith.extui %and3A_227 : i1 to i32
        %cond3A_229 = arith.constant 0 : i32
        %cond3A_230 = arith.cmpi ne, %convert_element_type3A_228, %cond3A_229 : i32
        scf.if %cond3A_230 {
        } else {
        }
        %and3A_231 = arith.constant false
        %and3A_232 = arith.andi %and3A_227, %and3A_231 : i1
        %ne3A_233 = arith.cmpi ne, %add3A_131, %add3A_140 : i32
        %or3A_234 = arith.constant false
        %or3A_235 = arith.ori %or3A_234, %ne3A_233 : i1
        %or3A_236 = arith.constant false
        %or3A_237 = arith.ori %or3A_235, %or3A_236 : i1
        %not3A_238 = arith.constant true
        %not3A_239 = arith.xori %eq3A_128, %not3A_238 : i1
        %and3A_240 = arith.andi %or3A_237, %not3A_239 : i1
        %convert_element_type3A_241 = arith.extui %and3A_240 : i1 to i32
        %cond3A_242 = arith.constant 0 : i32
        %cond3A_243 = arith.cmpi ne, %convert_element_type3A_241, %cond3A_242 : i32
        scf.if %cond3A_243 {
          "tpu.trace_start"() <{level = 10 : i32, message = "ep_wait_out"}> : () -> ()
          %rem3A_264 = arith.constant 2 : i32
          %rem3A_265 = arith.remui %scan3A_125, %rem3A_264 : i32
          %mul3A_266 = arith.constant 128 : i32
          %mul3A_267 = arith.muli %mul3A_266, %add3A_140 : i32
          %dma_wait3A_268 = arith.constant 0 : i32
          %dma_wait3A_269 = arith.constant 0 : i32
          %dma_wait3A_270 = tpu.memref_slice %run_scoped3A_8[%rem3A_265, %dma_wait3A_268, %dma_wait3A_269] : memref<2x128x32xbf16, #tpu.memory_space<vmem>> -> memref<1x128x32xbf16, #tpu.memory_space<vmem>>
          %dma_wait3A_271 = tpu.memref_squeeze %dma_wait3A_270 : memref<1x128x32xbf16, #tpu.memory_space<vmem>> -> memref<128x32xbf16, #tpu.memory_space<vmem>>
          %dma_wait3A_272 = arith.constant 0 : i32
          %dma_wait3A_273 = tpu.memref_slice %arg4[%mul3A_267, %dma_wait3A_272] : memref<819200x32xbf16, #tpu.memory_space<hbm>> -> memref<128x32xbf16, #tpu.memory_space<hbm>>
          %dma_wait3A_274 = tpu.memref_slice %run_scoped3A_9[%rem3A_265] : memref<2x!tpu.dma_semaphore, #tpu.memory_space<semaphore_mem>> -> memref<1x!tpu.dma_semaphore, #tpu.memory_space<semaphore_mem>>
          %dma_wait3A_275 = tpu.memref_squeeze %dma_wait3A_274 : memref<1x!tpu.dma_semaphore, #tpu.memory_space<semaphore_mem>> -> memref<!tpu.dma_semaphore, #tpu.memory_space<semaphore_mem>>
          %dma_wait3A_276 = arith.constant 0 : i32
          %dma_wait3A_277 = tpu.memref_slice %arg4[%mul3A_267, %dma_wait3A_276] : memref<819200x32xbf16, #tpu.memory_space<hbm>> -> memref<128x32xbf16, #tpu.memory_space<hbm>>
          %dma_wait3A_278 = arith.constant 0 : i32
          %dma_wait3A_279 = arith.constant 0 : i32
          %dma_wait3A_280 = tpu.memref_slice %run_scoped3A_8[%rem3A_265, %dma_wait3A_278, %dma_wait3A_279] : memref<2x128x32xbf16, #tpu.memory_space<vmem>> -> memref<1x128x32xbf16, #tpu.memory_space<vmem>>
          %dma_wait3A_281 = tpu.memref_squeeze %dma_wait3A_280 : memref<1x128x32xbf16, #tpu.memory_space<vmem>> -> memref<128x32xbf16, #tpu.memory_space<vmem>>
          tpu.wait_dma2 semaphore(%dma_wait3A_275 : memref<!tpu.dma_semaphore, #tpu.memory_space<semaphore_mem>>) src(%dma_wait3A_281 : memref<128x32xbf16, #tpu.memory_space<vmem>>) dst(%dma_wait3A_277 : memref<128x32xbf16, #tpu.memory_space<hbm>>)
          "tpu.trace_stop"() : () -> ()
        } else {
        }
        %and3A_244 = arith.constant true
        %and3A_245 = arith.andi %and3A_240, %and3A_244 : i1
        %add3A_246 = arith.constant 1 : i32
        %add3A_247 = arith.addi %scan3A_125, %add3A_246 : i32
        %select_n3A_248 = arith.select %and3A_245, %add3A_247, %scan3A_125 : i32
        %ne3A_249 = arith.cmpi ne, %add3A_131, %add3A_149 : i32
        %or3A_250 = arith.constant false
        %or3A_251 = arith.ori %or3A_250, %ne3A_249 : i1
        %or3A_252 = arith.ori %or3A_251, %eq3A_130 : i1
        %add3A_253 = arith.constant 1 : i32
        %add3A_254 = arith.addi %scan3A_123, %add3A_253 : i32
        %select_n3A_255 = arith.select %or3A_252, %add3A_254, %scan3A_123 : i32
        %add3A_256 = arith.constant 1 : i32
        %add3A_257 = arith.addi %scan3A_126, %add3A_256 : i32
        %select_n3A_258 = arith.constant true
        %select_n3A_259 = arith.select %select_n3A_258, %add3A_257, %scan3A_126 : i32
        %eq3A_260 = arith.constant 200 : i32
        %eq3A_261 = arith.cmpi eq, %select_n3A_259, %eq3A_260 : i32
        %select_n3A_262 = arith.constant 0 : i32
        %select_n3A_263 = arith.select %eq3A_261, %select_n3A_262, %select_n3A_259 : i32
        scf.yield %select_n3A_167, %select_n3A_255, %select_n3A_221, %select_n3A_248, %select_n3A_263 : i32, i32, i32, i32, i32
      }
      %scan3A_68 = arith.constant 200 : i32
      %sub3A = arith.constant 1 : i32
      %sub3A_69 = arith.subi %scan3A_67#4, %sub3A : i32
      %select_n3A_70 = arith.constant true
      %select_n3A_71 = arith.select %select_n3A_70, %sub3A_69, %scan3A_67#4 : i32
      %eq3A_72 = arith.constant -1 : i32
      %eq3A_73 = arith.cmpi eq, %select_n3A_71, %eq3A_72 : i32
      %select_n3A_74 = arith.constant 199 : i32
      %select_n3A_75 = arith.select %eq3A_73, %select_n3A_74, %select_n3A_71 : i32
      %add3A_76 = arith.addi %select_n3A_75, %mul3A_6 : i32
      %sub3A_77 = arith.constant 1 : i32
      %sub3A_78 = arith.subi %select_n3A_75, %sub3A_77 : i32
      %select_n3A_79 = arith.constant true
      %select_n3A_80 = arith.select %select_n3A_79, %sub3A_78, %select_n3A_75 : i32
      %eq3A_81 = arith.constant -1 : i32
      %eq3A_82 = arith.cmpi eq, %select_n3A_80, %eq3A_81 : i32
      %select_n3A_83 = arith.constant 199 : i32
      %select_n3A_84 = arith.select %eq3A_82, %select_n3A_83, %select_n3A_80 : i32
      %add3A_85 = arith.addi %select_n3A_84, %mul3A_6 : i32
      %add3A_86 = arith.constant 1 : i32
      %add3A_87 = arith.addi %select_n3A_75, %add3A_86 : i32
      %select_n3A_88 = arith.constant true
      %select_n3A_89 = arith.select %select_n3A_88, %add3A_87, %select_n3A_75 : i32
      %eq3A_90 = arith.constant 200 : i32
      %eq3A_91 = arith.cmpi eq, %select_n3A_89, %eq3A_90 : i32
      %select_n3A_92 = arith.constant 0 : i32
      %select_n3A_93 = arith.select %eq3A_91, %select_n3A_92, %select_n3A_89 : i32
      %add3A_94 = arith.addi %select_n3A_93, %mul3A_6 : i32
      %add3A_95 = arith.constant 1 : i32
      %add3A_96 = arith.addi %select_n3A_93, %add3A_95 : i32
      %select_n3A_97 = arith.constant true
      %select_n3A_98 = arith.select %select_n3A_97, %add3A_96, %select_n3A_93 : i32
      %eq3A_99 = arith.constant 200 : i32
      %eq3A_100 = arith.cmpi eq, %select_n3A_98, %eq3A_99 : i32
      %select_n3A_101 = arith.constant 0 : i32
      %select_n3A_102 = arith.select %eq3A_100, %select_n3A_101, %select_n3A_98 : i32
      %add3A_103 = arith.addi %select_n3A_102, %mul3A_6 : i32
      "tpu.trace_start"() <{level = 10 : i32, message = "ep_finalize"}> : () -> ()
      %rem3A_104 = arith.constant 2 : i32
      %rem3A_105 = arith.remui %scan3A_67#3, %rem3A_104 : i32
      %mul3A_106 = arith.constant 128 : i32
      %mul3A_107 = arith.muli %mul3A_106, %add3A_76 : i32
      %dma_wait3A = arith.constant 0 : i32
      %dma_wait3A_108 = arith.constant 0 : i32
      %dma_wait3A_109 = tpu.memref_slice %run_scoped3A_8[%rem3A_105, %dma_wait3A, %dma_wait3A_108] : memref<2x128x32xbf16, #tpu.memory_space<vmem>> -> memref<1x128x32xbf16, #tpu.memory_space<vmem>>
      %dma_wait3A_110 = tpu.memref_squeeze %dma_wait3A_109 : memref<1x128x32xbf16, #tpu.memory_space<vmem>> -> memref<128x32xbf16, #tpu.memory_space<vmem>>
      %dma_wait3A_111 = arith.constant 0 : i32
      %dma_wait3A_112 = tpu.memref_slice %arg4[%mul3A_107, %dma_wait3A_111] : memref<819200x32xbf16, #tpu.memory_space<hbm>> -> memref<128x32xbf16, #tpu.memory_space<hbm>>
      %dma_wait3A_113 = tpu.memref_slice %run_scoped3A_9[%rem3A_105] : memref<2x!tpu.dma_semaphore, #tpu.memory_space<semaphore_mem>> -> memref<1x!tpu.dma_semaphore, #tpu.memory_space<semaphore_mem>>
      %dma_wait3A_114 = tpu.memref_squeeze %dma_wait3A_113 : memref<1x!tpu.dma_semaphore, #tpu.memory_space<semaphore_mem>> -> memref<!tpu.dma_semaphore, #tpu.memory_space<semaphore_mem>>
      %dma_wait3A_115 = arith.constant 0 : i32
      %dma_wait3A_116 = tpu.memref_slice %arg4[%mul3A_107, %dma_wait3A_115] : memref<819200x32xbf16, #tpu.memory_space<hbm>> -> memref<128x32xbf16, #tpu.memory_space<hbm>>
      %dma_wait3A_117 = arith.constant 0 : i32
      %dma_wait3A_118 = arith.constant 0 : i32
      %dma_wait3A_119 = tpu.memref_slice %run_scoped3A_8[%rem3A_105, %dma_wait3A_117, %dma_wait3A_118] : memref<2x128x32xbf16, #tpu.memory_space<vmem>> -> memref<1x128x32xbf16, #tpu.memory_space<vmem>>
      %dma_wait3A_120 = tpu.memref_squeeze %dma_wait3A_119 : memref<1x128x32xbf16, #tpu.memory_space<vmem>> -> memref<128x32xbf16, #tpu.memory_space<vmem>>
      tpu.wait_dma2 semaphore(%dma_wait3A_114 : memref<!tpu.dma_semaphore, #tpu.memory_space<semaphore_mem>>) src(%dma_wait3A_120 : memref<128x32xbf16, #tpu.memory_space<vmem>>) dst(%dma_wait3A_116 : memref<128x32xbf16, #tpu.memory_space<hbm>>)
      "tpu.trace_stop"() : () -> ()
      tpu.yield
    }) : () -> ()
    return
  }
}

module attributes {stable_mosaic.version = 14 : i64} {
  func.func @_tc_body(%arg0: i32, %arg1: memref<12800x32xbf16, #tpu.memory_space<vmem>>, %arg2: memref<3x32x100xf32, #tpu.memory_space<vmem>>, %arg3: memref<1x1x100xf32, #tpu.memory_space<vmem>>, %arg4: memref<100x100xf32, #tpu.memory_space<vmem>>, %arg5: memref<1x100xf32, #tpu.memory_space<vmem>>, %arg6: memref<3x100x100xf32, #tpu.memory_space<vmem>>, %arg7: memref<1x1x100xf32, #tpu.memory_space<vmem>>, %arg8: memref<3x100x100xf32, #tpu.memory_space<vmem>>, %arg9: memref<1x1x100xf32, #tpu.memory_space<vmem>>, %arg10: memref<100x100xf32, #tpu.memory_space<vmem>>, %arg11: memref<100x100xf32, #tpu.memory_space<vmem>>, %arg12: memref<1x1x100xf32, #tpu.memory_space<vmem>>, %arg13: memref<100x1xf32, #tpu.memory_space<vmem>>, %arg14: memref<1x1xf32, #tpu.memory_space<vmem>>, %arg15: memref<64x200xf32, #tpu.memory_space<vmem>>) attributes {dimension_semantics = [#tpu.dimension_semantics<arbitrary>], iteration_bounds = array<i64: 64>, scalar_prefetch = 0 : i64, scratch_operands = 0 : i64, tpu.core_type = #tpu.core_type<tc>, window_params = [{transform_indices = @transform_0, window_bounds = array<i64: 12800, 32>}, {pipeline_mode = #tpu.pipeline_mode<synchronous>, transform_indices = @transform_1, window_bounds = array<i64: 3, 32, 100>}, {pipeline_mode = #tpu.pipeline_mode<synchronous>, transform_indices = @transform_2, window_bounds = array<i64: 1, 1, 100>}, {pipeline_mode = #tpu.pipeline_mode<synchronous>, transform_indices = @transform_3, window_bounds = array<i64: 100, 100>}, {pipeline_mode = #tpu.pipeline_mode<synchronous>, transform_indices = @transform_4, window_bounds = array<i64: 1, 100>}, {pipeline_mode = #tpu.pipeline_mode<synchronous>, transform_indices = @transform_5, window_bounds = array<i64: 3, 100, 100>}, {pipeline_mode = #tpu.pipeline_mode<synchronous>, transform_indices = @transform_6, window_bounds = array<i64: 1, 1, 100>}, {pipeline_mode = #tpu.pipeline_mode<synchronous>, transform_indices = @transform_7, window_bounds = array<i64: 3, 100, 100>}, {pipeline_mode = #tpu.pipeline_mode<synchronous>, transform_indices = @transform_8, window_bounds = array<i64: 1, 1, 100>}, {pipeline_mode = #tpu.pipeline_mode<synchronous>, transform_indices = @transform_9, window_bounds = array<i64: 100, 100>}, {pipeline_mode = #tpu.pipeline_mode<synchronous>, transform_indices = @transform_10, window_bounds = array<i64: 100, 100>}, {pipeline_mode = #tpu.pipeline_mode<synchronous>, transform_indices = @transform_11, window_bounds = array<i64: 1, 1, 100>}, {pipeline_mode = #tpu.pipeline_mode<synchronous>, transform_indices = @transform_12, window_bounds = array<i64: 100, 1>}, {pipeline_mode = #tpu.pipeline_mode<synchronous>, transform_indices = @transform_13, window_bounds = array<i64: 1, 1>}, {transform_indices = @transform_14, window_bounds = array<i64: 64, 200>}]} {
    %get3A = arith.constant 0 : index
    %get3A_0 = arith.constant 0 : index
    %get3A_1 = vector.load %arg1[%get3A, %get3A_0] : memref<12800x32xbf16, #tpu.memory_space<vmem>>, vector<12800x32xbf16>
    %get3A_2 = arith.constant 0 : index
    %get3A_3 = arith.constant 0 : index
    %get3A_4 = arith.constant 0 : index
    %get3A_5 = vector.load %arg2[%get3A_2, %get3A_3, %get3A_4] : memref<3x32x100xf32, #tpu.memory_space<vmem>>, vector<3x32x100xf32>
    %get3A_6 = arith.constant 0 : index
    %get3A_7 = arith.constant 0 : index
    %get3A_8 = arith.constant 0 : index
    %get3A_9 = vector.load %arg3[%get3A_6, %get3A_7, %get3A_8] : memref<1x1x100xf32, #tpu.memory_space<vmem>>, vector<1x1x100xf32>
    %reshape3A = vector.shape_cast %get3A_1 : vector<12800x32xbf16> to vector<64x200x32xbf16>
    %broadcast_in_dim3A = arith.constant 0.000000e+00 : bf16
    %broadcast_in_dim3A_10 = vector.broadcast %broadcast_in_dim3A : bf16 to vector<64x1x32xbf16>
    %slice3A = vector.extract_strided_slice %reshape3A {offsets = [0, 0, 0], sizes = [64, 199, 32], strides = [1, 1, 1]} : vector<64x200x32xbf16> to vector<64x199x32xbf16>
    %concatenate3A = tpu.concatenate %broadcast_in_dim3A_10, %slice3A in 1 : vector<64x1x32xbf16>, vector<64x199x32xbf16> -> vector<64x200x32xbf16>
    %slice3A_11 = vector.extract_strided_slice %reshape3A {offsets = [0, 1, 0], sizes = [64, 199, 32], strides = [1, 1, 1]} : vector<64x200x32xbf16> to vector<64x199x32xbf16>
    %concatenate3A_12 = tpu.concatenate %slice3A_11, %broadcast_in_dim3A_10 in 1 : vector<64x199x32xbf16>, vector<64x1x32xbf16> -> vector<64x200x32xbf16>
    %convert_element_type3A = arith.truncf %get3A_5 : vector<3x32x100xf32> to vector<3x32x100xbf16>
    %concatenate3A_13 = tpu.concatenate %concatenate3A, %reshape3A, %concatenate3A_12 in 2 : vector<64x200x32xbf16>, vector<64x200x32xbf16>, vector<64x200x32xbf16> -> vector<64x200x96xbf16>
    %slice3A_14 = vector.extract_strided_slice %convert_element_type3A {offsets = [0, 0, 0], sizes = [1, 32, 100], strides = [1, 1, 1]} : vector<3x32x100xbf16> to vector<1x32x100xbf16>
    %squeeze3A = vector.shape_cast %slice3A_14 : vector<1x32x100xbf16> to vector<32x100xbf16>
    %slice3A_15 = vector.extract_strided_slice %convert_element_type3A {offsets = [1, 0, 0], sizes = [1, 32, 100], strides = [1, 1, 1]} : vector<3x32x100xbf16> to vector<1x32x100xbf16>
    %squeeze3A_16 = vector.shape_cast %slice3A_15 : vector<1x32x100xbf16> to vector<32x100xbf16>
    %slice3A_17 = vector.extract_strided_slice %convert_element_type3A {offsets = [2, 0, 0], sizes = [1, 32, 100], strides = [1, 1, 1]} : vector<3x32x100xbf16> to vector<1x32x100xbf16>
    %squeeze3A_18 = vector.shape_cast %slice3A_17 : vector<1x32x100xbf16> to vector<32x100xbf16>
    %concatenate3A_19 = tpu.concatenate %squeeze3A, %squeeze3A_16, %squeeze3A_18 in 0 : vector<32x100xbf16>, vector<32x100xbf16>, vector<32x100xbf16> -> vector<96x100xbf16>
    %reshape3A_20 = vector.shape_cast %concatenate3A_13 : vector<64x200x96xbf16> to vector<12800x96xbf16>
    %dot_general3A = arith.constant dense<0.000000e+00> : vector<12800x100xf32>
    %dot_general3A_21 = tpu.matmul %reshape3A_20, %concatenate3A_19, %dot_general3A {dimension_numbers = #tpu.dot_dimension_numbers<[1], [0], [0], [1], [0, 0, 1, 1], [], []>, transpose_lhs_hint = false} : vector<12800x96xbf16>, vector<96x100xbf16>, vector<12800x100xf32> -> vector<12800x100xf32>
    %reshape3A_22 = vector.shape_cast %dot_general3A_21 : vector<12800x100xf32> to vector<64x200x100xf32>
    %add3A = vector.broadcast %get3A_9 : vector<1x1x100xf32> to vector<64x200x100xf32>
    %add3A_23 = arith.addf %reshape3A_22, %add3A : vector<64x200x100xf32>
    %max3A = arith.constant 0.000000e+00 : f32
    %max3A_24 = vector.broadcast %max3A : f32 to vector<64x200x100xf32>
    %max3A_25 = arith.maximumf %add3A_23, %max3A_24 : vector<64x200x100xf32>
    %broadcast_in_dim3A_26 = arith.constant 0.000000e+00 : f32
    %broadcast_in_dim3A_27 = vector.broadcast %broadcast_in_dim3A_26 : f32 to vector<64x100xf32>
    %slice3A_28 = vector.extract_strided_slice %max3A_25 {offsets = [0, 0, 0], sizes = [64, 1, 100], strides = [1, 1, 1]} : vector<64x200x100xf32> to vector<64x1x100xf32>
    %squeeze3A_29 = vector.shape_cast %slice3A_28 : vector<64x1x100xf32> to vector<64x100xf32>
    %add3A_30 = arith.addf %broadcast_in_dim3A_27, %squeeze3A_29 : vector<64x100xf32>
    %slice3A_31 = vector.extract_strided_slice %max3A_25 {offsets = [0, 1, 0], sizes = [64, 1, 100], strides = [1, 1, 1]} : vector<64x200x100xf32> to vector<64x1x100xf32>
    %squeeze3A_32 = vector.shape_cast %slice3A_31 : vector<64x1x100xf32> to vector<64x100xf32>
    %add3A_33 = arith.addf %add3A_30, %squeeze3A_32 : vector<64x100xf32>
    %slice3A_34 = vector.extract_strided_slice %max3A_25 {offsets = [0, 2, 0], sizes = [64, 1, 100], strides = [1, 1, 1]} : vector<64x200x100xf32> to vector<64x1x100xf32>
    %squeeze3A_35 = vector.shape_cast %slice3A_34 : vector<64x1x100xf32> to vector<64x100xf32>
    %add3A_36 = arith.addf %add3A_33, %squeeze3A_35 : vector<64x100xf32>
    %slice3A_37 = vector.extract_strided_slice %max3A_25 {offsets = [0, 3, 0], sizes = [64, 1, 100], strides = [1, 1, 1]} : vector<64x200x100xf32> to vector<64x1x100xf32>
    %squeeze3A_38 = vector.shape_cast %slice3A_37 : vector<64x1x100xf32> to vector<64x100xf32>
    %add3A_39 = arith.addf %add3A_36, %squeeze3A_38 : vector<64x100xf32>
    %slice3A_40 = vector.extract_strided_slice %max3A_25 {offsets = [0, 4, 0], sizes = [64, 1, 100], strides = [1, 1, 1]} : vector<64x200x100xf32> to vector<64x1x100xf32>
    %squeeze3A_41 = vector.shape_cast %slice3A_40 : vector<64x1x100xf32> to vector<64x100xf32>
    %add3A_42 = arith.addf %add3A_39, %squeeze3A_41 : vector<64x100xf32>
    %slice3A_43 = vector.extract_strided_slice %max3A_25 {offsets = [0, 5, 0], sizes = [64, 1, 100], strides = [1, 1, 1]} : vector<64x200x100xf32> to vector<64x1x100xf32>
    %squeeze3A_44 = vector.shape_cast %slice3A_43 : vector<64x1x100xf32> to vector<64x100xf32>
    %add3A_45 = arith.addf %add3A_42, %squeeze3A_44 : vector<64x100xf32>
    %slice3A_46 = vector.extract_strided_slice %max3A_25 {offsets = [0, 6, 0], sizes = [64, 1, 100], strides = [1, 1, 1]} : vector<64x200x100xf32> to vector<64x1x100xf32>
    %squeeze3A_47 = vector.shape_cast %slice3A_46 : vector<64x1x100xf32> to vector<64x100xf32>
    %add3A_48 = arith.addf %add3A_45, %squeeze3A_47 : vector<64x100xf32>
    %slice3A_49 = vector.extract_strided_slice %max3A_25 {offsets = [0, 7, 0], sizes = [64, 1, 100], strides = [1, 1, 1]} : vector<64x200x100xf32> to vector<64x1x100xf32>
    %squeeze3A_50 = vector.shape_cast %slice3A_49 : vector<64x1x100xf32> to vector<64x100xf32>
    %add3A_51 = arith.addf %add3A_48, %squeeze3A_50 : vector<64x100xf32>
    %slice3A_52 = vector.extract_strided_slice %max3A_25 {offsets = [0, 8, 0], sizes = [64, 1, 100], strides = [1, 1, 1]} : vector<64x200x100xf32> to vector<64x1x100xf32>
    %squeeze3A_53 = vector.shape_cast %slice3A_52 : vector<64x1x100xf32> to vector<64x100xf32>
    %add3A_54 = arith.addf %add3A_51, %squeeze3A_53 : vector<64x100xf32>
    %slice3A_55 = vector.extract_strided_slice %max3A_25 {offsets = [0, 9, 0], sizes = [64, 1, 100], strides = [1, 1, 1]} : vector<64x200x100xf32> to vector<64x1x100xf32>
    %squeeze3A_56 = vector.shape_cast %slice3A_55 : vector<64x1x100xf32> to vector<64x100xf32>
    %add3A_57 = arith.addf %add3A_54, %squeeze3A_56 : vector<64x100xf32>
    %slice3A_58 = vector.extract_strided_slice %max3A_25 {offsets = [0, 10, 0], sizes = [64, 1, 100], strides = [1, 1, 1]} : vector<64x200x100xf32> to vector<64x1x100xf32>
    %squeeze3A_59 = vector.shape_cast %slice3A_58 : vector<64x1x100xf32> to vector<64x100xf32>
    %add3A_60 = arith.addf %add3A_57, %squeeze3A_59 : vector<64x100xf32>
    %slice3A_61 = vector.extract_strided_slice %max3A_25 {offsets = [0, 11, 0], sizes = [64, 1, 100], strides = [1, 1, 1]} : vector<64x200x100xf32> to vector<64x1x100xf32>
    %squeeze3A_62 = vector.shape_cast %slice3A_61 : vector<64x1x100xf32> to vector<64x100xf32>
    %add3A_63 = arith.addf %add3A_60, %squeeze3A_62 : vector<64x100xf32>
    %slice3A_64 = vector.extract_strided_slice %max3A_25 {offsets = [0, 12, 0], sizes = [64, 1, 100], strides = [1, 1, 1]} : vector<64x200x100xf32> to vector<64x1x100xf32>
    %squeeze3A_65 = vector.shape_cast %slice3A_64 : vector<64x1x100xf32> to vector<64x100xf32>
    %add3A_66 = arith.addf %add3A_63, %squeeze3A_65 : vector<64x100xf32>
    %slice3A_67 = vector.extract_strided_slice %max3A_25 {offsets = [0, 13, 0], sizes = [64, 1, 100], strides = [1, 1, 1]} : vector<64x200x100xf32> to vector<64x1x100xf32>
    %squeeze3A_68 = vector.shape_cast %slice3A_67 : vector<64x1x100xf32> to vector<64x100xf32>
    %add3A_69 = arith.addf %add3A_66, %squeeze3A_68 : vector<64x100xf32>
    %slice3A_70 = vector.extract_strided_slice %max3A_25 {offsets = [0, 14, 0], sizes = [64, 1, 100], strides = [1, 1, 1]} : vector<64x200x100xf32> to vector<64x1x100xf32>
    %squeeze3A_71 = vector.shape_cast %slice3A_70 : vector<64x1x100xf32> to vector<64x100xf32>
    %add3A_72 = arith.addf %add3A_69, %squeeze3A_71 : vector<64x100xf32>
    %slice3A_73 = vector.extract_strided_slice %max3A_25 {offsets = [0, 15, 0], sizes = [64, 1, 100], strides = [1, 1, 1]} : vector<64x200x100xf32> to vector<64x1x100xf32>
    %squeeze3A_74 = vector.shape_cast %slice3A_73 : vector<64x1x100xf32> to vector<64x100xf32>
    %add3A_75 = arith.addf %add3A_72, %squeeze3A_74 : vector<64x100xf32>
    %slice3A_76 = vector.extract_strided_slice %max3A_25 {offsets = [0, 16, 0], sizes = [64, 1, 100], strides = [1, 1, 1]} : vector<64x200x100xf32> to vector<64x1x100xf32>
    %squeeze3A_77 = vector.shape_cast %slice3A_76 : vector<64x1x100xf32> to vector<64x100xf32>
    %add3A_78 = arith.addf %add3A_75, %squeeze3A_77 : vector<64x100xf32>
    %slice3A_79 = vector.extract_strided_slice %max3A_25 {offsets = [0, 17, 0], sizes = [64, 1, 100], strides = [1, 1, 1]} : vector<64x200x100xf32> to vector<64x1x100xf32>
    %squeeze3A_80 = vector.shape_cast %slice3A_79 : vector<64x1x100xf32> to vector<64x100xf32>
    %add3A_81 = arith.addf %add3A_78, %squeeze3A_80 : vector<64x100xf32>
    %slice3A_82 = vector.extract_strided_slice %max3A_25 {offsets = [0, 18, 0], sizes = [64, 1, 100], strides = [1, 1, 1]} : vector<64x200x100xf32> to vector<64x1x100xf32>
    %squeeze3A_83 = vector.shape_cast %slice3A_82 : vector<64x1x100xf32> to vector<64x100xf32>
    %add3A_84 = arith.addf %add3A_81, %squeeze3A_83 : vector<64x100xf32>
    %slice3A_85 = vector.extract_strided_slice %max3A_25 {offsets = [0, 19, 0], sizes = [64, 1, 100], strides = [1, 1, 1]} : vector<64x200x100xf32> to vector<64x1x100xf32>
    %squeeze3A_86 = vector.shape_cast %slice3A_85 : vector<64x1x100xf32> to vector<64x100xf32>
    %add3A_87 = arith.addf %add3A_84, %squeeze3A_86 : vector<64x100xf32>
    %slice3A_88 = vector.extract_strided_slice %max3A_25 {offsets = [0, 20, 0], sizes = [64, 1, 100], strides = [1, 1, 1]} : vector<64x200x100xf32> to vector<64x1x100xf32>
    %squeeze3A_89 = vector.shape_cast %slice3A_88 : vector<64x1x100xf32> to vector<64x100xf32>
    %add3A_90 = arith.addf %add3A_87, %squeeze3A_89 : vector<64x100xf32>
    %slice3A_91 = vector.extract_strided_slice %max3A_25 {offsets = [0, 21, 0], sizes = [64, 1, 100], strides = [1, 1, 1]} : vector<64x200x100xf32> to vector<64x1x100xf32>
    %squeeze3A_92 = vector.shape_cast %slice3A_91 : vector<64x1x100xf32> to vector<64x100xf32>
    %add3A_93 = arith.addf %add3A_90, %squeeze3A_92 : vector<64x100xf32>
    %slice3A_94 = vector.extract_strided_slice %max3A_25 {offsets = [0, 22, 0], sizes = [64, 1, 100], strides = [1, 1, 1]} : vector<64x200x100xf32> to vector<64x1x100xf32>
    %squeeze3A_95 = vector.shape_cast %slice3A_94 : vector<64x1x100xf32> to vector<64x100xf32>
    %add3A_96 = arith.addf %add3A_93, %squeeze3A_95 : vector<64x100xf32>
    %slice3A_97 = vector.extract_strided_slice %max3A_25 {offsets = [0, 23, 0], sizes = [64, 1, 100], strides = [1, 1, 1]} : vector<64x200x100xf32> to vector<64x1x100xf32>
    %squeeze3A_98 = vector.shape_cast %slice3A_97 : vector<64x1x100xf32> to vector<64x100xf32>
    %add3A_99 = arith.addf %add3A_96, %squeeze3A_98 : vector<64x100xf32>
    %slice3A_100 = vector.extract_strided_slice %max3A_25 {offsets = [0, 24, 0], sizes = [64, 1, 100], strides = [1, 1, 1]} : vector<64x200x100xf32> to vector<64x1x100xf32>
    %squeeze3A_101 = vector.shape_cast %slice3A_100 : vector<64x1x100xf32> to vector<64x100xf32>
    %add3A_102 = arith.addf %add3A_99, %squeeze3A_101 : vector<64x100xf32>
    %slice3A_103 = vector.extract_strided_slice %max3A_25 {offsets = [0, 25, 0], sizes = [64, 1, 100], strides = [1, 1, 1]} : vector<64x200x100xf32> to vector<64x1x100xf32>
    %squeeze3A_104 = vector.shape_cast %slice3A_103 : vector<64x1x100xf32> to vector<64x100xf32>
    %add3A_105 = arith.addf %add3A_102, %squeeze3A_104 : vector<64x100xf32>
    %slice3A_106 = vector.extract_strided_slice %max3A_25 {offsets = [0, 26, 0], sizes = [64, 1, 100], strides = [1, 1, 1]} : vector<64x200x100xf32> to vector<64x1x100xf32>
    %squeeze3A_107 = vector.shape_cast %slice3A_106 : vector<64x1x100xf32> to vector<64x100xf32>
    %add3A_108 = arith.addf %add3A_105, %squeeze3A_107 : vector<64x100xf32>
    %slice3A_109 = vector.extract_strided_slice %max3A_25 {offsets = [0, 27, 0], sizes = [64, 1, 100], strides = [1, 1, 1]} : vector<64x200x100xf32> to vector<64x1x100xf32>
    %squeeze3A_110 = vector.shape_cast %slice3A_109 : vector<64x1x100xf32> to vector<64x100xf32>
    %add3A_111 = arith.addf %add3A_108, %squeeze3A_110 : vector<64x100xf32>
    %slice3A_112 = vector.extract_strided_slice %max3A_25 {offsets = [0, 28, 0], sizes = [64, 1, 100], strides = [1, 1, 1]} : vector<64x200x100xf32> to vector<64x1x100xf32>
    %squeeze3A_113 = vector.shape_cast %slice3A_112 : vector<64x1x100xf32> to vector<64x100xf32>
    %add3A_114 = arith.addf %add3A_111, %squeeze3A_113 : vector<64x100xf32>
    %slice3A_115 = vector.extract_strided_slice %max3A_25 {offsets = [0, 29, 0], sizes = [64, 1, 100], strides = [1, 1, 1]} : vector<64x200x100xf32> to vector<64x1x100xf32>
    %squeeze3A_116 = vector.shape_cast %slice3A_115 : vector<64x1x100xf32> to vector<64x100xf32>
    %add3A_117 = arith.addf %add3A_114, %squeeze3A_116 : vector<64x100xf32>
    %slice3A_118 = vector.extract_strided_slice %max3A_25 {offsets = [0, 30, 0], sizes = [64, 1, 100], strides = [1, 1, 1]} : vector<64x200x100xf32> to vector<64x1x100xf32>
    %squeeze3A_119 = vector.shape_cast %slice3A_118 : vector<64x1x100xf32> to vector<64x100xf32>
    %add3A_120 = arith.addf %add3A_117, %squeeze3A_119 : vector<64x100xf32>
    %slice3A_121 = vector.extract_strided_slice %max3A_25 {offsets = [0, 31, 0], sizes = [64, 1, 100], strides = [1, 1, 1]} : vector<64x200x100xf32> to vector<64x1x100xf32>
    %squeeze3A_122 = vector.shape_cast %slice3A_121 : vector<64x1x100xf32> to vector<64x100xf32>
    %add3A_123 = arith.addf %add3A_120, %squeeze3A_122 : vector<64x100xf32>
    %slice3A_124 = vector.extract_strided_slice %max3A_25 {offsets = [0, 32, 0], sizes = [64, 1, 100], strides = [1, 1, 1]} : vector<64x200x100xf32> to vector<64x1x100xf32>
    %squeeze3A_125 = vector.shape_cast %slice3A_124 : vector<64x1x100xf32> to vector<64x100xf32>
    %add3A_126 = arith.addf %add3A_123, %squeeze3A_125 : vector<64x100xf32>
    %slice3A_127 = vector.extract_strided_slice %max3A_25 {offsets = [0, 33, 0], sizes = [64, 1, 100], strides = [1, 1, 1]} : vector<64x200x100xf32> to vector<64x1x100xf32>
    %squeeze3A_128 = vector.shape_cast %slice3A_127 : vector<64x1x100xf32> to vector<64x100xf32>
    %add3A_129 = arith.addf %add3A_126, %squeeze3A_128 : vector<64x100xf32>
    %slice3A_130 = vector.extract_strided_slice %max3A_25 {offsets = [0, 34, 0], sizes = [64, 1, 100], strides = [1, 1, 1]} : vector<64x200x100xf32> to vector<64x1x100xf32>
    %squeeze3A_131 = vector.shape_cast %slice3A_130 : vector<64x1x100xf32> to vector<64x100xf32>
    %add3A_132 = arith.addf %add3A_129, %squeeze3A_131 : vector<64x100xf32>
    %slice3A_133 = vector.extract_strided_slice %max3A_25 {offsets = [0, 35, 0], sizes = [64, 1, 100], strides = [1, 1, 1]} : vector<64x200x100xf32> to vector<64x1x100xf32>
    %squeeze3A_134 = vector.shape_cast %slice3A_133 : vector<64x1x100xf32> to vector<64x100xf32>
    %add3A_135 = arith.addf %add3A_132, %squeeze3A_134 : vector<64x100xf32>
    %slice3A_136 = vector.extract_strided_slice %max3A_25 {offsets = [0, 36, 0], sizes = [64, 1, 100], strides = [1, 1, 1]} : vector<64x200x100xf32> to vector<64x1x100xf32>
    %squeeze3A_137 = vector.shape_cast %slice3A_136 : vector<64x1x100xf32> to vector<64x100xf32>
    %add3A_138 = arith.addf %add3A_135, %squeeze3A_137 : vector<64x100xf32>
    %slice3A_139 = vector.extract_strided_slice %max3A_25 {offsets = [0, 37, 0], sizes = [64, 1, 100], strides = [1, 1, 1]} : vector<64x200x100xf32> to vector<64x1x100xf32>
    %squeeze3A_140 = vector.shape_cast %slice3A_139 : vector<64x1x100xf32> to vector<64x100xf32>
    %add3A_141 = arith.addf %add3A_138, %squeeze3A_140 : vector<64x100xf32>
    %slice3A_142 = vector.extract_strided_slice %max3A_25 {offsets = [0, 38, 0], sizes = [64, 1, 100], strides = [1, 1, 1]} : vector<64x200x100xf32> to vector<64x1x100xf32>
    %squeeze3A_143 = vector.shape_cast %slice3A_142 : vector<64x1x100xf32> to vector<64x100xf32>
    %add3A_144 = arith.addf %add3A_141, %squeeze3A_143 : vector<64x100xf32>
    %slice3A_145 = vector.extract_strided_slice %max3A_25 {offsets = [0, 39, 0], sizes = [64, 1, 100], strides = [1, 1, 1]} : vector<64x200x100xf32> to vector<64x1x100xf32>
    %squeeze3A_146 = vector.shape_cast %slice3A_145 : vector<64x1x100xf32> to vector<64x100xf32>
    %add3A_147 = arith.addf %add3A_144, %squeeze3A_146 : vector<64x100xf32>
    %slice3A_148 = vector.extract_strided_slice %max3A_25 {offsets = [0, 40, 0], sizes = [64, 1, 100], strides = [1, 1, 1]} : vector<64x200x100xf32> to vector<64x1x100xf32>
    %squeeze3A_149 = vector.shape_cast %slice3A_148 : vector<64x1x100xf32> to vector<64x100xf32>
    %add3A_150 = arith.addf %add3A_147, %squeeze3A_149 : vector<64x100xf32>
    %slice3A_151 = vector.extract_strided_slice %max3A_25 {offsets = [0, 41, 0], sizes = [64, 1, 100], strides = [1, 1, 1]} : vector<64x200x100xf32> to vector<64x1x100xf32>
    %squeeze3A_152 = vector.shape_cast %slice3A_151 : vector<64x1x100xf32> to vector<64x100xf32>
    %add3A_153 = arith.addf %add3A_150, %squeeze3A_152 : vector<64x100xf32>
    %slice3A_154 = vector.extract_strided_slice %max3A_25 {offsets = [0, 42, 0], sizes = [64, 1, 100], strides = [1, 1, 1]} : vector<64x200x100xf32> to vector<64x1x100xf32>
    %squeeze3A_155 = vector.shape_cast %slice3A_154 : vector<64x1x100xf32> to vector<64x100xf32>
    %add3A_156 = arith.addf %add3A_153, %squeeze3A_155 : vector<64x100xf32>
    %slice3A_157 = vector.extract_strided_slice %max3A_25 {offsets = [0, 43, 0], sizes = [64, 1, 100], strides = [1, 1, 1]} : vector<64x200x100xf32> to vector<64x1x100xf32>
    %squeeze3A_158 = vector.shape_cast %slice3A_157 : vector<64x1x100xf32> to vector<64x100xf32>
    %add3A_159 = arith.addf %add3A_156, %squeeze3A_158 : vector<64x100xf32>
    %slice3A_160 = vector.extract_strided_slice %max3A_25 {offsets = [0, 44, 0], sizes = [64, 1, 100], strides = [1, 1, 1]} : vector<64x200x100xf32> to vector<64x1x100xf32>
    %squeeze3A_161 = vector.shape_cast %slice3A_160 : vector<64x1x100xf32> to vector<64x100xf32>
    %add3A_162 = arith.addf %add3A_159, %squeeze3A_161 : vector<64x100xf32>
    %slice3A_163 = vector.extract_strided_slice %max3A_25 {offsets = [0, 45, 0], sizes = [64, 1, 100], strides = [1, 1, 1]} : vector<64x200x100xf32> to vector<64x1x100xf32>
    %squeeze3A_164 = vector.shape_cast %slice3A_163 : vector<64x1x100xf32> to vector<64x100xf32>
    %add3A_165 = arith.addf %add3A_162, %squeeze3A_164 : vector<64x100xf32>
    %slice3A_166 = vector.extract_strided_slice %max3A_25 {offsets = [0, 46, 0], sizes = [64, 1, 100], strides = [1, 1, 1]} : vector<64x200x100xf32> to vector<64x1x100xf32>
    %squeeze3A_167 = vector.shape_cast %slice3A_166 : vector<64x1x100xf32> to vector<64x100xf32>
    %add3A_168 = arith.addf %add3A_165, %squeeze3A_167 : vector<64x100xf32>
    %slice3A_169 = vector.extract_strided_slice %max3A_25 {offsets = [0, 47, 0], sizes = [64, 1, 100], strides = [1, 1, 1]} : vector<64x200x100xf32> to vector<64x1x100xf32>
    %squeeze3A_170 = vector.shape_cast %slice3A_169 : vector<64x1x100xf32> to vector<64x100xf32>
    %add3A_171 = arith.addf %add3A_168, %squeeze3A_170 : vector<64x100xf32>
    %slice3A_172 = vector.extract_strided_slice %max3A_25 {offsets = [0, 48, 0], sizes = [64, 1, 100], strides = [1, 1, 1]} : vector<64x200x100xf32> to vector<64x1x100xf32>
    %squeeze3A_173 = vector.shape_cast %slice3A_172 : vector<64x1x100xf32> to vector<64x100xf32>
    %add3A_174 = arith.addf %add3A_171, %squeeze3A_173 : vector<64x100xf32>
    %slice3A_175 = vector.extract_strided_slice %max3A_25 {offsets = [0, 49, 0], sizes = [64, 1, 100], strides = [1, 1, 1]} : vector<64x200x100xf32> to vector<64x1x100xf32>
    %squeeze3A_176 = vector.shape_cast %slice3A_175 : vector<64x1x100xf32> to vector<64x100xf32>
    %add3A_177 = arith.addf %add3A_174, %squeeze3A_176 : vector<64x100xf32>
    %slice3A_178 = vector.extract_strided_slice %max3A_25 {offsets = [0, 50, 0], sizes = [64, 1, 100], strides = [1, 1, 1]} : vector<64x200x100xf32> to vector<64x1x100xf32>
    %squeeze3A_179 = vector.shape_cast %slice3A_178 : vector<64x1x100xf32> to vector<64x100xf32>
    %add3A_180 = arith.addf %add3A_177, %squeeze3A_179 : vector<64x100xf32>
    %slice3A_181 = vector.extract_strided_slice %max3A_25 {offsets = [0, 51, 0], sizes = [64, 1, 100], strides = [1, 1, 1]} : vector<64x200x100xf32> to vector<64x1x100xf32>
    %squeeze3A_182 = vector.shape_cast %slice3A_181 : vector<64x1x100xf32> to vector<64x100xf32>
    %add3A_183 = arith.addf %add3A_180, %squeeze3A_182 : vector<64x100xf32>
    %slice3A_184 = vector.extract_strided_slice %max3A_25 {offsets = [0, 52, 0], sizes = [64, 1, 100], strides = [1, 1, 1]} : vector<64x200x100xf32> to vector<64x1x100xf32>
    %squeeze3A_185 = vector.shape_cast %slice3A_184 : vector<64x1x100xf32> to vector<64x100xf32>
    %add3A_186 = arith.addf %add3A_183, %squeeze3A_185 : vector<64x100xf32>
    %slice3A_187 = vector.extract_strided_slice %max3A_25 {offsets = [0, 53, 0], sizes = [64, 1, 100], strides = [1, 1, 1]} : vector<64x200x100xf32> to vector<64x1x100xf32>
    %squeeze3A_188 = vector.shape_cast %slice3A_187 : vector<64x1x100xf32> to vector<64x100xf32>
    %add3A_189 = arith.addf %add3A_186, %squeeze3A_188 : vector<64x100xf32>
    %slice3A_190 = vector.extract_strided_slice %max3A_25 {offsets = [0, 54, 0], sizes = [64, 1, 100], strides = [1, 1, 1]} : vector<64x200x100xf32> to vector<64x1x100xf32>
    %squeeze3A_191 = vector.shape_cast %slice3A_190 : vector<64x1x100xf32> to vector<64x100xf32>
    %add3A_192 = arith.addf %add3A_189, %squeeze3A_191 : vector<64x100xf32>
    %slice3A_193 = vector.extract_strided_slice %max3A_25 {offsets = [0, 55, 0], sizes = [64, 1, 100], strides = [1, 1, 1]} : vector<64x200x100xf32> to vector<64x1x100xf32>
    %squeeze3A_194 = vector.shape_cast %slice3A_193 : vector<64x1x100xf32> to vector<64x100xf32>
    %add3A_195 = arith.addf %add3A_192, %squeeze3A_194 : vector<64x100xf32>
    %slice3A_196 = vector.extract_strided_slice %max3A_25 {offsets = [0, 56, 0], sizes = [64, 1, 100], strides = [1, 1, 1]} : vector<64x200x100xf32> to vector<64x1x100xf32>
    %squeeze3A_197 = vector.shape_cast %slice3A_196 : vector<64x1x100xf32> to vector<64x100xf32>
    %add3A_198 = arith.addf %add3A_195, %squeeze3A_197 : vector<64x100xf32>
    %slice3A_199 = vector.extract_strided_slice %max3A_25 {offsets = [0, 57, 0], sizes = [64, 1, 100], strides = [1, 1, 1]} : vector<64x200x100xf32> to vector<64x1x100xf32>
    %squeeze3A_200 = vector.shape_cast %slice3A_199 : vector<64x1x100xf32> to vector<64x100xf32>
    %add3A_201 = arith.addf %add3A_198, %squeeze3A_200 : vector<64x100xf32>
    %slice3A_202 = vector.extract_strided_slice %max3A_25 {offsets = [0, 58, 0], sizes = [64, 1, 100], strides = [1, 1, 1]} : vector<64x200x100xf32> to vector<64x1x100xf32>
    %squeeze3A_203 = vector.shape_cast %slice3A_202 : vector<64x1x100xf32> to vector<64x100xf32>
    %add3A_204 = arith.addf %add3A_201, %squeeze3A_203 : vector<64x100xf32>
    %slice3A_205 = vector.extract_strided_slice %max3A_25 {offsets = [0, 59, 0], sizes = [64, 1, 100], strides = [1, 1, 1]} : vector<64x200x100xf32> to vector<64x1x100xf32>
    %squeeze3A_206 = vector.shape_cast %slice3A_205 : vector<64x1x100xf32> to vector<64x100xf32>
    %add3A_207 = arith.addf %add3A_204, %squeeze3A_206 : vector<64x100xf32>
    %slice3A_208 = vector.extract_strided_slice %max3A_25 {offsets = [0, 60, 0], sizes = [64, 1, 100], strides = [1, 1, 1]} : vector<64x200x100xf32> to vector<64x1x100xf32>
    %squeeze3A_209 = vector.shape_cast %slice3A_208 : vector<64x1x100xf32> to vector<64x100xf32>
    %add3A_210 = arith.addf %add3A_207, %squeeze3A_209 : vector<64x100xf32>
    %slice3A_211 = vector.extract_strided_slice %max3A_25 {offsets = [0, 61, 0], sizes = [64, 1, 100], strides = [1, 1, 1]} : vector<64x200x100xf32> to vector<64x1x100xf32>
    %squeeze3A_212 = vector.shape_cast %slice3A_211 : vector<64x1x100xf32> to vector<64x100xf32>
    %add3A_213 = arith.addf %add3A_210, %squeeze3A_212 : vector<64x100xf32>
    %slice3A_214 = vector.extract_strided_slice %max3A_25 {offsets = [0, 62, 0], sizes = [64, 1, 100], strides = [1, 1, 1]} : vector<64x200x100xf32> to vector<64x1x100xf32>
    %squeeze3A_215 = vector.shape_cast %slice3A_214 : vector<64x1x100xf32> to vector<64x100xf32>
    %add3A_216 = arith.addf %add3A_213, %squeeze3A_215 : vector<64x100xf32>
    %slice3A_217 = vector.extract_strided_slice %max3A_25 {offsets = [0, 63, 0], sizes = [64, 1, 100], strides = [1, 1, 1]} : vector<64x200x100xf32> to vector<64x1x100xf32>
    %squeeze3A_218 = vector.shape_cast %slice3A_217 : vector<64x1x100xf32> to vector<64x100xf32>
    %add3A_219 = arith.addf %add3A_216, %squeeze3A_218 : vector<64x100xf32>
    %slice3A_220 = vector.extract_strided_slice %max3A_25 {offsets = [0, 64, 0], sizes = [64, 1, 100], strides = [1, 1, 1]} : vector<64x200x100xf32> to vector<64x1x100xf32>
    %squeeze3A_221 = vector.shape_cast %slice3A_220 : vector<64x1x100xf32> to vector<64x100xf32>
    %add3A_222 = arith.addf %add3A_219, %squeeze3A_221 : vector<64x100xf32>
    %slice3A_223 = vector.extract_strided_slice %max3A_25 {offsets = [0, 65, 0], sizes = [64, 1, 100], strides = [1, 1, 1]} : vector<64x200x100xf32> to vector<64x1x100xf32>
    %squeeze3A_224 = vector.shape_cast %slice3A_223 : vector<64x1x100xf32> to vector<64x100xf32>
    %add3A_225 = arith.addf %add3A_222, %squeeze3A_224 : vector<64x100xf32>
    %slice3A_226 = vector.extract_strided_slice %max3A_25 {offsets = [0, 66, 0], sizes = [64, 1, 100], strides = [1, 1, 1]} : vector<64x200x100xf32> to vector<64x1x100xf32>
    %squeeze3A_227 = vector.shape_cast %slice3A_226 : vector<64x1x100xf32> to vector<64x100xf32>
    %add3A_228 = arith.addf %add3A_225, %squeeze3A_227 : vector<64x100xf32>
    %slice3A_229 = vector.extract_strided_slice %max3A_25 {offsets = [0, 67, 0], sizes = [64, 1, 100], strides = [1, 1, 1]} : vector<64x200x100xf32> to vector<64x1x100xf32>
    %squeeze3A_230 = vector.shape_cast %slice3A_229 : vector<64x1x100xf32> to vector<64x100xf32>
    %add3A_231 = arith.addf %add3A_228, %squeeze3A_230 : vector<64x100xf32>
    %slice3A_232 = vector.extract_strided_slice %max3A_25 {offsets = [0, 68, 0], sizes = [64, 1, 100], strides = [1, 1, 1]} : vector<64x200x100xf32> to vector<64x1x100xf32>
    %squeeze3A_233 = vector.shape_cast %slice3A_232 : vector<64x1x100xf32> to vector<64x100xf32>
    %add3A_234 = arith.addf %add3A_231, %squeeze3A_233 : vector<64x100xf32>
    %slice3A_235 = vector.extract_strided_slice %max3A_25 {offsets = [0, 69, 0], sizes = [64, 1, 100], strides = [1, 1, 1]} : vector<64x200x100xf32> to vector<64x1x100xf32>
    %squeeze3A_236 = vector.shape_cast %slice3A_235 : vector<64x1x100xf32> to vector<64x100xf32>
    %add3A_237 = arith.addf %add3A_234, %squeeze3A_236 : vector<64x100xf32>
    %slice3A_238 = vector.extract_strided_slice %max3A_25 {offsets = [0, 70, 0], sizes = [64, 1, 100], strides = [1, 1, 1]} : vector<64x200x100xf32> to vector<64x1x100xf32>
    %squeeze3A_239 = vector.shape_cast %slice3A_238 : vector<64x1x100xf32> to vector<64x100xf32>
    %add3A_240 = arith.addf %add3A_237, %squeeze3A_239 : vector<64x100xf32>
    %slice3A_241 = vector.extract_strided_slice %max3A_25 {offsets = [0, 71, 0], sizes = [64, 1, 100], strides = [1, 1, 1]} : vector<64x200x100xf32> to vector<64x1x100xf32>
    %squeeze3A_242 = vector.shape_cast %slice3A_241 : vector<64x1x100xf32> to vector<64x100xf32>
    %add3A_243 = arith.addf %add3A_240, %squeeze3A_242 : vector<64x100xf32>
    %slice3A_244 = vector.extract_strided_slice %max3A_25 {offsets = [0, 72, 0], sizes = [64, 1, 100], strides = [1, 1, 1]} : vector<64x200x100xf32> to vector<64x1x100xf32>
    %squeeze3A_245 = vector.shape_cast %slice3A_244 : vector<64x1x100xf32> to vector<64x100xf32>
    %add3A_246 = arith.addf %add3A_243, %squeeze3A_245 : vector<64x100xf32>
    %slice3A_247 = vector.extract_strided_slice %max3A_25 {offsets = [0, 73, 0], sizes = [64, 1, 100], strides = [1, 1, 1]} : vector<64x200x100xf32> to vector<64x1x100xf32>
    %squeeze3A_248 = vector.shape_cast %slice3A_247 : vector<64x1x100xf32> to vector<64x100xf32>
    %add3A_249 = arith.addf %add3A_246, %squeeze3A_248 : vector<64x100xf32>
    %slice3A_250 = vector.extract_strided_slice %max3A_25 {offsets = [0, 74, 0], sizes = [64, 1, 100], strides = [1, 1, 1]} : vector<64x200x100xf32> to vector<64x1x100xf32>
    %squeeze3A_251 = vector.shape_cast %slice3A_250 : vector<64x1x100xf32> to vector<64x100xf32>
    %add3A_252 = arith.addf %add3A_249, %squeeze3A_251 : vector<64x100xf32>
    %slice3A_253 = vector.extract_strided_slice %max3A_25 {offsets = [0, 75, 0], sizes = [64, 1, 100], strides = [1, 1, 1]} : vector<64x200x100xf32> to vector<64x1x100xf32>
    %squeeze3A_254 = vector.shape_cast %slice3A_253 : vector<64x1x100xf32> to vector<64x100xf32>
    %add3A_255 = arith.addf %add3A_252, %squeeze3A_254 : vector<64x100xf32>
    %slice3A_256 = vector.extract_strided_slice %max3A_25 {offsets = [0, 76, 0], sizes = [64, 1, 100], strides = [1, 1, 1]} : vector<64x200x100xf32> to vector<64x1x100xf32>
    %squeeze3A_257 = vector.shape_cast %slice3A_256 : vector<64x1x100xf32> to vector<64x100xf32>
    %add3A_258 = arith.addf %add3A_255, %squeeze3A_257 : vector<64x100xf32>
    %slice3A_259 = vector.extract_strided_slice %max3A_25 {offsets = [0, 77, 0], sizes = [64, 1, 100], strides = [1, 1, 1]} : vector<64x200x100xf32> to vector<64x1x100xf32>
    %squeeze3A_260 = vector.shape_cast %slice3A_259 : vector<64x1x100xf32> to vector<64x100xf32>
    %add3A_261 = arith.addf %add3A_258, %squeeze3A_260 : vector<64x100xf32>
    %slice3A_262 = vector.extract_strided_slice %max3A_25 {offsets = [0, 78, 0], sizes = [64, 1, 100], strides = [1, 1, 1]} : vector<64x200x100xf32> to vector<64x1x100xf32>
    %squeeze3A_263 = vector.shape_cast %slice3A_262 : vector<64x1x100xf32> to vector<64x100xf32>
    %add3A_264 = arith.addf %add3A_261, %squeeze3A_263 : vector<64x100xf32>
    %slice3A_265 = vector.extract_strided_slice %max3A_25 {offsets = [0, 79, 0], sizes = [64, 1, 100], strides = [1, 1, 1]} : vector<64x200x100xf32> to vector<64x1x100xf32>
    %squeeze3A_266 = vector.shape_cast %slice3A_265 : vector<64x1x100xf32> to vector<64x100xf32>
    %add3A_267 = arith.addf %add3A_264, %squeeze3A_266 : vector<64x100xf32>
    %slice3A_268 = vector.extract_strided_slice %max3A_25 {offsets = [0, 80, 0], sizes = [64, 1, 100], strides = [1, 1, 1]} : vector<64x200x100xf32> to vector<64x1x100xf32>
    %squeeze3A_269 = vector.shape_cast %slice3A_268 : vector<64x1x100xf32> to vector<64x100xf32>
    %add3A_270 = arith.addf %add3A_267, %squeeze3A_269 : vector<64x100xf32>
    %slice3A_271 = vector.extract_strided_slice %max3A_25 {offsets = [0, 81, 0], sizes = [64, 1, 100], strides = [1, 1, 1]} : vector<64x200x100xf32> to vector<64x1x100xf32>
    %squeeze3A_272 = vector.shape_cast %slice3A_271 : vector<64x1x100xf32> to vector<64x100xf32>
    %add3A_273 = arith.addf %add3A_270, %squeeze3A_272 : vector<64x100xf32>
    %slice3A_274 = vector.extract_strided_slice %max3A_25 {offsets = [0, 82, 0], sizes = [64, 1, 100], strides = [1, 1, 1]} : vector<64x200x100xf32> to vector<64x1x100xf32>
    %squeeze3A_275 = vector.shape_cast %slice3A_274 : vector<64x1x100xf32> to vector<64x100xf32>
    %add3A_276 = arith.addf %add3A_273, %squeeze3A_275 : vector<64x100xf32>
    %slice3A_277 = vector.extract_strided_slice %max3A_25 {offsets = [0, 83, 0], sizes = [64, 1, 100], strides = [1, 1, 1]} : vector<64x200x100xf32> to vector<64x1x100xf32>
    %squeeze3A_278 = vector.shape_cast %slice3A_277 : vector<64x1x100xf32> to vector<64x100xf32>
    %add3A_279 = arith.addf %add3A_276, %squeeze3A_278 : vector<64x100xf32>
    %slice3A_280 = vector.extract_strided_slice %max3A_25 {offsets = [0, 84, 0], sizes = [64, 1, 100], strides = [1, 1, 1]} : vector<64x200x100xf32> to vector<64x1x100xf32>
    %squeeze3A_281 = vector.shape_cast %slice3A_280 : vector<64x1x100xf32> to vector<64x100xf32>
    %add3A_282 = arith.addf %add3A_279, %squeeze3A_281 : vector<64x100xf32>
    %slice3A_283 = vector.extract_strided_slice %max3A_25 {offsets = [0, 85, 0], sizes = [64, 1, 100], strides = [1, 1, 1]} : vector<64x200x100xf32> to vector<64x1x100xf32>
    %squeeze3A_284 = vector.shape_cast %slice3A_283 : vector<64x1x100xf32> to vector<64x100xf32>
    %add3A_285 = arith.addf %add3A_282, %squeeze3A_284 : vector<64x100xf32>
    %slice3A_286 = vector.extract_strided_slice %max3A_25 {offsets = [0, 86, 0], sizes = [64, 1, 100], strides = [1, 1, 1]} : vector<64x200x100xf32> to vector<64x1x100xf32>
    %squeeze3A_287 = vector.shape_cast %slice3A_286 : vector<64x1x100xf32> to vector<64x100xf32>
    %add3A_288 = arith.addf %add3A_285, %squeeze3A_287 : vector<64x100xf32>
    %slice3A_289 = vector.extract_strided_slice %max3A_25 {offsets = [0, 87, 0], sizes = [64, 1, 100], strides = [1, 1, 1]} : vector<64x200x100xf32> to vector<64x1x100xf32>
    %squeeze3A_290 = vector.shape_cast %slice3A_289 : vector<64x1x100xf32> to vector<64x100xf32>
    %add3A_291 = arith.addf %add3A_288, %squeeze3A_290 : vector<64x100xf32>
    %slice3A_292 = vector.extract_strided_slice %max3A_25 {offsets = [0, 88, 0], sizes = [64, 1, 100], strides = [1, 1, 1]} : vector<64x200x100xf32> to vector<64x1x100xf32>
    %squeeze3A_293 = vector.shape_cast %slice3A_292 : vector<64x1x100xf32> to vector<64x100xf32>
    %add3A_294 = arith.addf %add3A_291, %squeeze3A_293 : vector<64x100xf32>
    %slice3A_295 = vector.extract_strided_slice %max3A_25 {offsets = [0, 89, 0], sizes = [64, 1, 100], strides = [1, 1, 1]} : vector<64x200x100xf32> to vector<64x1x100xf32>
    %squeeze3A_296 = vector.shape_cast %slice3A_295 : vector<64x1x100xf32> to vector<64x100xf32>
    %add3A_297 = arith.addf %add3A_294, %squeeze3A_296 : vector<64x100xf32>
    %slice3A_298 = vector.extract_strided_slice %max3A_25 {offsets = [0, 90, 0], sizes = [64, 1, 100], strides = [1, 1, 1]} : vector<64x200x100xf32> to vector<64x1x100xf32>
    %squeeze3A_299 = vector.shape_cast %slice3A_298 : vector<64x1x100xf32> to vector<64x100xf32>
    %add3A_300 = arith.addf %add3A_297, %squeeze3A_299 : vector<64x100xf32>
    %slice3A_301 = vector.extract_strided_slice %max3A_25 {offsets = [0, 91, 0], sizes = [64, 1, 100], strides = [1, 1, 1]} : vector<64x200x100xf32> to vector<64x1x100xf32>
    %squeeze3A_302 = vector.shape_cast %slice3A_301 : vector<64x1x100xf32> to vector<64x100xf32>
    %add3A_303 = arith.addf %add3A_300, %squeeze3A_302 : vector<64x100xf32>
    %slice3A_304 = vector.extract_strided_slice %max3A_25 {offsets = [0, 92, 0], sizes = [64, 1, 100], strides = [1, 1, 1]} : vector<64x200x100xf32> to vector<64x1x100xf32>
    %squeeze3A_305 = vector.shape_cast %slice3A_304 : vector<64x1x100xf32> to vector<64x100xf32>
    %add3A_306 = arith.addf %add3A_303, %squeeze3A_305 : vector<64x100xf32>
    %slice3A_307 = vector.extract_strided_slice %max3A_25 {offsets = [0, 93, 0], sizes = [64, 1, 100], strides = [1, 1, 1]} : vector<64x200x100xf32> to vector<64x1x100xf32>
    %squeeze3A_308 = vector.shape_cast %slice3A_307 : vector<64x1x100xf32> to vector<64x100xf32>
    %add3A_309 = arith.addf %add3A_306, %squeeze3A_308 : vector<64x100xf32>
    %slice3A_310 = vector.extract_strided_slice %max3A_25 {offsets = [0, 94, 0], sizes = [64, 1, 100], strides = [1, 1, 1]} : vector<64x200x100xf32> to vector<64x1x100xf32>
    %squeeze3A_311 = vector.shape_cast %slice3A_310 : vector<64x1x100xf32> to vector<64x100xf32>
    %add3A_312 = arith.addf %add3A_309, %squeeze3A_311 : vector<64x100xf32>
    %slice3A_313 = vector.extract_strided_slice %max3A_25 {offsets = [0, 95, 0], sizes = [64, 1, 100], strides = [1, 1, 1]} : vector<64x200x100xf32> to vector<64x1x100xf32>
    %squeeze3A_314 = vector.shape_cast %slice3A_313 : vector<64x1x100xf32> to vector<64x100xf32>
    %add3A_315 = arith.addf %add3A_312, %squeeze3A_314 : vector<64x100xf32>
    %slice3A_316 = vector.extract_strided_slice %max3A_25 {offsets = [0, 96, 0], sizes = [64, 1, 100], strides = [1, 1, 1]} : vector<64x200x100xf32> to vector<64x1x100xf32>
    %squeeze3A_317 = vector.shape_cast %slice3A_316 : vector<64x1x100xf32> to vector<64x100xf32>
    %add3A_318 = arith.addf %add3A_315, %squeeze3A_317 : vector<64x100xf32>
    %slice3A_319 = vector.extract_strided_slice %max3A_25 {offsets = [0, 97, 0], sizes = [64, 1, 100], strides = [1, 1, 1]} : vector<64x200x100xf32> to vector<64x1x100xf32>
    %squeeze3A_320 = vector.shape_cast %slice3A_319 : vector<64x1x100xf32> to vector<64x100xf32>
    %add3A_321 = arith.addf %add3A_318, %squeeze3A_320 : vector<64x100xf32>
    %slice3A_322 = vector.extract_strided_slice %max3A_25 {offsets = [0, 98, 0], sizes = [64, 1, 100], strides = [1, 1, 1]} : vector<64x200x100xf32> to vector<64x1x100xf32>
    %squeeze3A_323 = vector.shape_cast %slice3A_322 : vector<64x1x100xf32> to vector<64x100xf32>
    %add3A_324 = arith.addf %add3A_321, %squeeze3A_323 : vector<64x100xf32>
    %slice3A_325 = vector.extract_strided_slice %max3A_25 {offsets = [0, 99, 0], sizes = [64, 1, 100], strides = [1, 1, 1]} : vector<64x200x100xf32> to vector<64x1x100xf32>
    %squeeze3A_326 = vector.shape_cast %slice3A_325 : vector<64x1x100xf32> to vector<64x100xf32>
    %add3A_327 = arith.addf %add3A_324, %squeeze3A_326 : vector<64x100xf32>
    %slice3A_328 = vector.extract_strided_slice %max3A_25 {offsets = [0, 100, 0], sizes = [64, 1, 100], strides = [1, 1, 1]} : vector<64x200x100xf32> to vector<64x1x100xf32>
    %squeeze3A_329 = vector.shape_cast %slice3A_328 : vector<64x1x100xf32> to vector<64x100xf32>
    %add3A_330 = arith.addf %add3A_327, %squeeze3A_329 : vector<64x100xf32>
    %slice3A_331 = vector.extract_strided_slice %max3A_25 {offsets = [0, 101, 0], sizes = [64, 1, 100], strides = [1, 1, 1]} : vector<64x200x100xf32> to vector<64x1x100xf32>
    %squeeze3A_332 = vector.shape_cast %slice3A_331 : vector<64x1x100xf32> to vector<64x100xf32>
    %add3A_333 = arith.addf %add3A_330, %squeeze3A_332 : vector<64x100xf32>
    %slice3A_334 = vector.extract_strided_slice %max3A_25 {offsets = [0, 102, 0], sizes = [64, 1, 100], strides = [1, 1, 1]} : vector<64x200x100xf32> to vector<64x1x100xf32>
    %squeeze3A_335 = vector.shape_cast %slice3A_334 : vector<64x1x100xf32> to vector<64x100xf32>
    %add3A_336 = arith.addf %add3A_333, %squeeze3A_335 : vector<64x100xf32>
    %slice3A_337 = vector.extract_strided_slice %max3A_25 {offsets = [0, 103, 0], sizes = [64, 1, 100], strides = [1, 1, 1]} : vector<64x200x100xf32> to vector<64x1x100xf32>
    %squeeze3A_338 = vector.shape_cast %slice3A_337 : vector<64x1x100xf32> to vector<64x100xf32>
    %add3A_339 = arith.addf %add3A_336, %squeeze3A_338 : vector<64x100xf32>
    %slice3A_340 = vector.extract_strided_slice %max3A_25 {offsets = [0, 104, 0], sizes = [64, 1, 100], strides = [1, 1, 1]} : vector<64x200x100xf32> to vector<64x1x100xf32>
    %squeeze3A_341 = vector.shape_cast %slice3A_340 : vector<64x1x100xf32> to vector<64x100xf32>
    %add3A_342 = arith.addf %add3A_339, %squeeze3A_341 : vector<64x100xf32>
    %slice3A_343 = vector.extract_strided_slice %max3A_25 {offsets = [0, 105, 0], sizes = [64, 1, 100], strides = [1, 1, 1]} : vector<64x200x100xf32> to vector<64x1x100xf32>
    %squeeze3A_344 = vector.shape_cast %slice3A_343 : vector<64x1x100xf32> to vector<64x100xf32>
    %add3A_345 = arith.addf %add3A_342, %squeeze3A_344 : vector<64x100xf32>
    %slice3A_346 = vector.extract_strided_slice %max3A_25 {offsets = [0, 106, 0], sizes = [64, 1, 100], strides = [1, 1, 1]} : vector<64x200x100xf32> to vector<64x1x100xf32>
    %squeeze3A_347 = vector.shape_cast %slice3A_346 : vector<64x1x100xf32> to vector<64x100xf32>
    %add3A_348 = arith.addf %add3A_345, %squeeze3A_347 : vector<64x100xf32>
    %slice3A_349 = vector.extract_strided_slice %max3A_25 {offsets = [0, 107, 0], sizes = [64, 1, 100], strides = [1, 1, 1]} : vector<64x200x100xf32> to vector<64x1x100xf32>
    %squeeze3A_350 = vector.shape_cast %slice3A_349 : vector<64x1x100xf32> to vector<64x100xf32>
    %add3A_351 = arith.addf %add3A_348, %squeeze3A_350 : vector<64x100xf32>
    %slice3A_352 = vector.extract_strided_slice %max3A_25 {offsets = [0, 108, 0], sizes = [64, 1, 100], strides = [1, 1, 1]} : vector<64x200x100xf32> to vector<64x1x100xf32>
    %squeeze3A_353 = vector.shape_cast %slice3A_352 : vector<64x1x100xf32> to vector<64x100xf32>
    %add3A_354 = arith.addf %add3A_351, %squeeze3A_353 : vector<64x100xf32>
    %slice3A_355 = vector.extract_strided_slice %max3A_25 {offsets = [0, 109, 0], sizes = [64, 1, 100], strides = [1, 1, 1]} : vector<64x200x100xf32> to vector<64x1x100xf32>
    %squeeze3A_356 = vector.shape_cast %slice3A_355 : vector<64x1x100xf32> to vector<64x100xf32>
    %add3A_357 = arith.addf %add3A_354, %squeeze3A_356 : vector<64x100xf32>
    %slice3A_358 = vector.extract_strided_slice %max3A_25 {offsets = [0, 110, 0], sizes = [64, 1, 100], strides = [1, 1, 1]} : vector<64x200x100xf32> to vector<64x1x100xf32>
    %squeeze3A_359 = vector.shape_cast %slice3A_358 : vector<64x1x100xf32> to vector<64x100xf32>
    %add3A_360 = arith.addf %add3A_357, %squeeze3A_359 : vector<64x100xf32>
    %slice3A_361 = vector.extract_strided_slice %max3A_25 {offsets = [0, 111, 0], sizes = [64, 1, 100], strides = [1, 1, 1]} : vector<64x200x100xf32> to vector<64x1x100xf32>
    %squeeze3A_362 = vector.shape_cast %slice3A_361 : vector<64x1x100xf32> to vector<64x100xf32>
    %add3A_363 = arith.addf %add3A_360, %squeeze3A_362 : vector<64x100xf32>
    %slice3A_364 = vector.extract_strided_slice %max3A_25 {offsets = [0, 112, 0], sizes = [64, 1, 100], strides = [1, 1, 1]} : vector<64x200x100xf32> to vector<64x1x100xf32>
    %squeeze3A_365 = vector.shape_cast %slice3A_364 : vector<64x1x100xf32> to vector<64x100xf32>
    %add3A_366 = arith.addf %add3A_363, %squeeze3A_365 : vector<64x100xf32>
    %slice3A_367 = vector.extract_strided_slice %max3A_25 {offsets = [0, 113, 0], sizes = [64, 1, 100], strides = [1, 1, 1]} : vector<64x200x100xf32> to vector<64x1x100xf32>
    %squeeze3A_368 = vector.shape_cast %slice3A_367 : vector<64x1x100xf32> to vector<64x100xf32>
    %add3A_369 = arith.addf %add3A_366, %squeeze3A_368 : vector<64x100xf32>
    %slice3A_370 = vector.extract_strided_slice %max3A_25 {offsets = [0, 114, 0], sizes = [64, 1, 100], strides = [1, 1, 1]} : vector<64x200x100xf32> to vector<64x1x100xf32>
    %squeeze3A_371 = vector.shape_cast %slice3A_370 : vector<64x1x100xf32> to vector<64x100xf32>
    %add3A_372 = arith.addf %add3A_369, %squeeze3A_371 : vector<64x100xf32>
    %slice3A_373 = vector.extract_strided_slice %max3A_25 {offsets = [0, 115, 0], sizes = [64, 1, 100], strides = [1, 1, 1]} : vector<64x200x100xf32> to vector<64x1x100xf32>
    %squeeze3A_374 = vector.shape_cast %slice3A_373 : vector<64x1x100xf32> to vector<64x100xf32>
    %add3A_375 = arith.addf %add3A_372, %squeeze3A_374 : vector<64x100xf32>
    %slice3A_376 = vector.extract_strided_slice %max3A_25 {offsets = [0, 116, 0], sizes = [64, 1, 100], strides = [1, 1, 1]} : vector<64x200x100xf32> to vector<64x1x100xf32>
    %squeeze3A_377 = vector.shape_cast %slice3A_376 : vector<64x1x100xf32> to vector<64x100xf32>
    %add3A_378 = arith.addf %add3A_375, %squeeze3A_377 : vector<64x100xf32>
    %slice3A_379 = vector.extract_strided_slice %max3A_25 {offsets = [0, 117, 0], sizes = [64, 1, 100], strides = [1, 1, 1]} : vector<64x200x100xf32> to vector<64x1x100xf32>
    %squeeze3A_380 = vector.shape_cast %slice3A_379 : vector<64x1x100xf32> to vector<64x100xf32>
    %add3A_381 = arith.addf %add3A_378, %squeeze3A_380 : vector<64x100xf32>
    %slice3A_382 = vector.extract_strided_slice %max3A_25 {offsets = [0, 118, 0], sizes = [64, 1, 100], strides = [1, 1, 1]} : vector<64x200x100xf32> to vector<64x1x100xf32>
    %squeeze3A_383 = vector.shape_cast %slice3A_382 : vector<64x1x100xf32> to vector<64x100xf32>
    %add3A_384 = arith.addf %add3A_381, %squeeze3A_383 : vector<64x100xf32>
    %slice3A_385 = vector.extract_strided_slice %max3A_25 {offsets = [0, 119, 0], sizes = [64, 1, 100], strides = [1, 1, 1]} : vector<64x200x100xf32> to vector<64x1x100xf32>
    %squeeze3A_386 = vector.shape_cast %slice3A_385 : vector<64x1x100xf32> to vector<64x100xf32>
    %add3A_387 = arith.addf %add3A_384, %squeeze3A_386 : vector<64x100xf32>
    %slice3A_388 = vector.extract_strided_slice %max3A_25 {offsets = [0, 120, 0], sizes = [64, 1, 100], strides = [1, 1, 1]} : vector<64x200x100xf32> to vector<64x1x100xf32>
    %squeeze3A_389 = vector.shape_cast %slice3A_388 : vector<64x1x100xf32> to vector<64x100xf32>
    %add3A_390 = arith.addf %add3A_387, %squeeze3A_389 : vector<64x100xf32>
    %slice3A_391 = vector.extract_strided_slice %max3A_25 {offsets = [0, 121, 0], sizes = [64, 1, 100], strides = [1, 1, 1]} : vector<64x200x100xf32> to vector<64x1x100xf32>
    %squeeze3A_392 = vector.shape_cast %slice3A_391 : vector<64x1x100xf32> to vector<64x100xf32>
    %add3A_393 = arith.addf %add3A_390, %squeeze3A_392 : vector<64x100xf32>
    %slice3A_394 = vector.extract_strided_slice %max3A_25 {offsets = [0, 122, 0], sizes = [64, 1, 100], strides = [1, 1, 1]} : vector<64x200x100xf32> to vector<64x1x100xf32>
    %squeeze3A_395 = vector.shape_cast %slice3A_394 : vector<64x1x100xf32> to vector<64x100xf32>
    %add3A_396 = arith.addf %add3A_393, %squeeze3A_395 : vector<64x100xf32>
    %slice3A_397 = vector.extract_strided_slice %max3A_25 {offsets = [0, 123, 0], sizes = [64, 1, 100], strides = [1, 1, 1]} : vector<64x200x100xf32> to vector<64x1x100xf32>
    %squeeze3A_398 = vector.shape_cast %slice3A_397 : vector<64x1x100xf32> to vector<64x100xf32>
    %add3A_399 = arith.addf %add3A_396, %squeeze3A_398 : vector<64x100xf32>
    %slice3A_400 = vector.extract_strided_slice %max3A_25 {offsets = [0, 124, 0], sizes = [64, 1, 100], strides = [1, 1, 1]} : vector<64x200x100xf32> to vector<64x1x100xf32>
    %squeeze3A_401 = vector.shape_cast %slice3A_400 : vector<64x1x100xf32> to vector<64x100xf32>
    %add3A_402 = arith.addf %add3A_399, %squeeze3A_401 : vector<64x100xf32>
    %slice3A_403 = vector.extract_strided_slice %max3A_25 {offsets = [0, 125, 0], sizes = [64, 1, 100], strides = [1, 1, 1]} : vector<64x200x100xf32> to vector<64x1x100xf32>
    %squeeze3A_404 = vector.shape_cast %slice3A_403 : vector<64x1x100xf32> to vector<64x100xf32>
    %add3A_405 = arith.addf %add3A_402, %squeeze3A_404 : vector<64x100xf32>
    %slice3A_406 = vector.extract_strided_slice %max3A_25 {offsets = [0, 126, 0], sizes = [64, 1, 100], strides = [1, 1, 1]} : vector<64x200x100xf32> to vector<64x1x100xf32>
    %squeeze3A_407 = vector.shape_cast %slice3A_406 : vector<64x1x100xf32> to vector<64x100xf32>
    %add3A_408 = arith.addf %add3A_405, %squeeze3A_407 : vector<64x100xf32>
    %slice3A_409 = vector.extract_strided_slice %max3A_25 {offsets = [0, 127, 0], sizes = [64, 1, 100], strides = [1, 1, 1]} : vector<64x200x100xf32> to vector<64x1x100xf32>
    %squeeze3A_410 = vector.shape_cast %slice3A_409 : vector<64x1x100xf32> to vector<64x100xf32>
    %add3A_411 = arith.addf %add3A_408, %squeeze3A_410 : vector<64x100xf32>
    %slice3A_412 = vector.extract_strided_slice %max3A_25 {offsets = [0, 128, 0], sizes = [64, 1, 100], strides = [1, 1, 1]} : vector<64x200x100xf32> to vector<64x1x100xf32>
    %squeeze3A_413 = vector.shape_cast %slice3A_412 : vector<64x1x100xf32> to vector<64x100xf32>
    %add3A_414 = arith.addf %add3A_411, %squeeze3A_413 : vector<64x100xf32>
    %slice3A_415 = vector.extract_strided_slice %max3A_25 {offsets = [0, 129, 0], sizes = [64, 1, 100], strides = [1, 1, 1]} : vector<64x200x100xf32> to vector<64x1x100xf32>
    %squeeze3A_416 = vector.shape_cast %slice3A_415 : vector<64x1x100xf32> to vector<64x100xf32>
    %add3A_417 = arith.addf %add3A_414, %squeeze3A_416 : vector<64x100xf32>
    %slice3A_418 = vector.extract_strided_slice %max3A_25 {offsets = [0, 130, 0], sizes = [64, 1, 100], strides = [1, 1, 1]} : vector<64x200x100xf32> to vector<64x1x100xf32>
    %squeeze3A_419 = vector.shape_cast %slice3A_418 : vector<64x1x100xf32> to vector<64x100xf32>
    %add3A_420 = arith.addf %add3A_417, %squeeze3A_419 : vector<64x100xf32>
    %slice3A_421 = vector.extract_strided_slice %max3A_25 {offsets = [0, 131, 0], sizes = [64, 1, 100], strides = [1, 1, 1]} : vector<64x200x100xf32> to vector<64x1x100xf32>
    %squeeze3A_422 = vector.shape_cast %slice3A_421 : vector<64x1x100xf32> to vector<64x100xf32>
    %add3A_423 = arith.addf %add3A_420, %squeeze3A_422 : vector<64x100xf32>
    %slice3A_424 = vector.extract_strided_slice %max3A_25 {offsets = [0, 132, 0], sizes = [64, 1, 100], strides = [1, 1, 1]} : vector<64x200x100xf32> to vector<64x1x100xf32>
    %squeeze3A_425 = vector.shape_cast %slice3A_424 : vector<64x1x100xf32> to vector<64x100xf32>
    %add3A_426 = arith.addf %add3A_423, %squeeze3A_425 : vector<64x100xf32>
    %slice3A_427 = vector.extract_strided_slice %max3A_25 {offsets = [0, 133, 0], sizes = [64, 1, 100], strides = [1, 1, 1]} : vector<64x200x100xf32> to vector<64x1x100xf32>
    %squeeze3A_428 = vector.shape_cast %slice3A_427 : vector<64x1x100xf32> to vector<64x100xf32>
    %add3A_429 = arith.addf %add3A_426, %squeeze3A_428 : vector<64x100xf32>
    %slice3A_430 = vector.extract_strided_slice %max3A_25 {offsets = [0, 134, 0], sizes = [64, 1, 100], strides = [1, 1, 1]} : vector<64x200x100xf32> to vector<64x1x100xf32>
    %squeeze3A_431 = vector.shape_cast %slice3A_430 : vector<64x1x100xf32> to vector<64x100xf32>
    %add3A_432 = arith.addf %add3A_429, %squeeze3A_431 : vector<64x100xf32>
    %slice3A_433 = vector.extract_strided_slice %max3A_25 {offsets = [0, 135, 0], sizes = [64, 1, 100], strides = [1, 1, 1]} : vector<64x200x100xf32> to vector<64x1x100xf32>
    %squeeze3A_434 = vector.shape_cast %slice3A_433 : vector<64x1x100xf32> to vector<64x100xf32>
    %add3A_435 = arith.addf %add3A_432, %squeeze3A_434 : vector<64x100xf32>
    %slice3A_436 = vector.extract_strided_slice %max3A_25 {offsets = [0, 136, 0], sizes = [64, 1, 100], strides = [1, 1, 1]} : vector<64x200x100xf32> to vector<64x1x100xf32>
    %squeeze3A_437 = vector.shape_cast %slice3A_436 : vector<64x1x100xf32> to vector<64x100xf32>
    %add3A_438 = arith.addf %add3A_435, %squeeze3A_437 : vector<64x100xf32>
    %slice3A_439 = vector.extract_strided_slice %max3A_25 {offsets = [0, 137, 0], sizes = [64, 1, 100], strides = [1, 1, 1]} : vector<64x200x100xf32> to vector<64x1x100xf32>
    %squeeze3A_440 = vector.shape_cast %slice3A_439 : vector<64x1x100xf32> to vector<64x100xf32>
    %add3A_441 = arith.addf %add3A_438, %squeeze3A_440 : vector<64x100xf32>
    %slice3A_442 = vector.extract_strided_slice %max3A_25 {offsets = [0, 138, 0], sizes = [64, 1, 100], strides = [1, 1, 1]} : vector<64x200x100xf32> to vector<64x1x100xf32>
    %squeeze3A_443 = vector.shape_cast %slice3A_442 : vector<64x1x100xf32> to vector<64x100xf32>
    %add3A_444 = arith.addf %add3A_441, %squeeze3A_443 : vector<64x100xf32>
    %slice3A_445 = vector.extract_strided_slice %max3A_25 {offsets = [0, 139, 0], sizes = [64, 1, 100], strides = [1, 1, 1]} : vector<64x200x100xf32> to vector<64x1x100xf32>
    %squeeze3A_446 = vector.shape_cast %slice3A_445 : vector<64x1x100xf32> to vector<64x100xf32>
    %add3A_447 = arith.addf %add3A_444, %squeeze3A_446 : vector<64x100xf32>
    %slice3A_448 = vector.extract_strided_slice %max3A_25 {offsets = [0, 140, 0], sizes = [64, 1, 100], strides = [1, 1, 1]} : vector<64x200x100xf32> to vector<64x1x100xf32>
    %squeeze3A_449 = vector.shape_cast %slice3A_448 : vector<64x1x100xf32> to vector<64x100xf32>
    %add3A_450 = arith.addf %add3A_447, %squeeze3A_449 : vector<64x100xf32>
    %slice3A_451 = vector.extract_strided_slice %max3A_25 {offsets = [0, 141, 0], sizes = [64, 1, 100], strides = [1, 1, 1]} : vector<64x200x100xf32> to vector<64x1x100xf32>
    %squeeze3A_452 = vector.shape_cast %slice3A_451 : vector<64x1x100xf32> to vector<64x100xf32>
    %add3A_453 = arith.addf %add3A_450, %squeeze3A_452 : vector<64x100xf32>
    %slice3A_454 = vector.extract_strided_slice %max3A_25 {offsets = [0, 142, 0], sizes = [64, 1, 100], strides = [1, 1, 1]} : vector<64x200x100xf32> to vector<64x1x100xf32>
    %squeeze3A_455 = vector.shape_cast %slice3A_454 : vector<64x1x100xf32> to vector<64x100xf32>
    %add3A_456 = arith.addf %add3A_453, %squeeze3A_455 : vector<64x100xf32>
    %slice3A_457 = vector.extract_strided_slice %max3A_25 {offsets = [0, 143, 0], sizes = [64, 1, 100], strides = [1, 1, 1]} : vector<64x200x100xf32> to vector<64x1x100xf32>
    %squeeze3A_458 = vector.shape_cast %slice3A_457 : vector<64x1x100xf32> to vector<64x100xf32>
    %add3A_459 = arith.addf %add3A_456, %squeeze3A_458 : vector<64x100xf32>
    %slice3A_460 = vector.extract_strided_slice %max3A_25 {offsets = [0, 144, 0], sizes = [64, 1, 100], strides = [1, 1, 1]} : vector<64x200x100xf32> to vector<64x1x100xf32>
    %squeeze3A_461 = vector.shape_cast %slice3A_460 : vector<64x1x100xf32> to vector<64x100xf32>
    %add3A_462 = arith.addf %add3A_459, %squeeze3A_461 : vector<64x100xf32>
    %slice3A_463 = vector.extract_strided_slice %max3A_25 {offsets = [0, 145, 0], sizes = [64, 1, 100], strides = [1, 1, 1]} : vector<64x200x100xf32> to vector<64x1x100xf32>
    %squeeze3A_464 = vector.shape_cast %slice3A_463 : vector<64x1x100xf32> to vector<64x100xf32>
    %add3A_465 = arith.addf %add3A_462, %squeeze3A_464 : vector<64x100xf32>
    %slice3A_466 = vector.extract_strided_slice %max3A_25 {offsets = [0, 146, 0], sizes = [64, 1, 100], strides = [1, 1, 1]} : vector<64x200x100xf32> to vector<64x1x100xf32>
    %squeeze3A_467 = vector.shape_cast %slice3A_466 : vector<64x1x100xf32> to vector<64x100xf32>
    %add3A_468 = arith.addf %add3A_465, %squeeze3A_467 : vector<64x100xf32>
    %slice3A_469 = vector.extract_strided_slice %max3A_25 {offsets = [0, 147, 0], sizes = [64, 1, 100], strides = [1, 1, 1]} : vector<64x200x100xf32> to vector<64x1x100xf32>
    %squeeze3A_470 = vector.shape_cast %slice3A_469 : vector<64x1x100xf32> to vector<64x100xf32>
    %add3A_471 = arith.addf %add3A_468, %squeeze3A_470 : vector<64x100xf32>
    %slice3A_472 = vector.extract_strided_slice %max3A_25 {offsets = [0, 148, 0], sizes = [64, 1, 100], strides = [1, 1, 1]} : vector<64x200x100xf32> to vector<64x1x100xf32>
    %squeeze3A_473 = vector.shape_cast %slice3A_472 : vector<64x1x100xf32> to vector<64x100xf32>
    %add3A_474 = arith.addf %add3A_471, %squeeze3A_473 : vector<64x100xf32>
    %slice3A_475 = vector.extract_strided_slice %max3A_25 {offsets = [0, 149, 0], sizes = [64, 1, 100], strides = [1, 1, 1]} : vector<64x200x100xf32> to vector<64x1x100xf32>
    %squeeze3A_476 = vector.shape_cast %slice3A_475 : vector<64x1x100xf32> to vector<64x100xf32>
    %add3A_477 = arith.addf %add3A_474, %squeeze3A_476 : vector<64x100xf32>
    %slice3A_478 = vector.extract_strided_slice %max3A_25 {offsets = [0, 150, 0], sizes = [64, 1, 100], strides = [1, 1, 1]} : vector<64x200x100xf32> to vector<64x1x100xf32>
    %squeeze3A_479 = vector.shape_cast %slice3A_478 : vector<64x1x100xf32> to vector<64x100xf32>
    %add3A_480 = arith.addf %add3A_477, %squeeze3A_479 : vector<64x100xf32>
    %slice3A_481 = vector.extract_strided_slice %max3A_25 {offsets = [0, 151, 0], sizes = [64, 1, 100], strides = [1, 1, 1]} : vector<64x200x100xf32> to vector<64x1x100xf32>
    %squeeze3A_482 = vector.shape_cast %slice3A_481 : vector<64x1x100xf32> to vector<64x100xf32>
    %add3A_483 = arith.addf %add3A_480, %squeeze3A_482 : vector<64x100xf32>
    %slice3A_484 = vector.extract_strided_slice %max3A_25 {offsets = [0, 152, 0], sizes = [64, 1, 100], strides = [1, 1, 1]} : vector<64x200x100xf32> to vector<64x1x100xf32>
    %squeeze3A_485 = vector.shape_cast %slice3A_484 : vector<64x1x100xf32> to vector<64x100xf32>
    %add3A_486 = arith.addf %add3A_483, %squeeze3A_485 : vector<64x100xf32>
    %slice3A_487 = vector.extract_strided_slice %max3A_25 {offsets = [0, 153, 0], sizes = [64, 1, 100], strides = [1, 1, 1]} : vector<64x200x100xf32> to vector<64x1x100xf32>
    %squeeze3A_488 = vector.shape_cast %slice3A_487 : vector<64x1x100xf32> to vector<64x100xf32>
    %add3A_489 = arith.addf %add3A_486, %squeeze3A_488 : vector<64x100xf32>
    %slice3A_490 = vector.extract_strided_slice %max3A_25 {offsets = [0, 154, 0], sizes = [64, 1, 100], strides = [1, 1, 1]} : vector<64x200x100xf32> to vector<64x1x100xf32>
    %squeeze3A_491 = vector.shape_cast %slice3A_490 : vector<64x1x100xf32> to vector<64x100xf32>
    %add3A_492 = arith.addf %add3A_489, %squeeze3A_491 : vector<64x100xf32>
    %slice3A_493 = vector.extract_strided_slice %max3A_25 {offsets = [0, 155, 0], sizes = [64, 1, 100], strides = [1, 1, 1]} : vector<64x200x100xf32> to vector<64x1x100xf32>
    %squeeze3A_494 = vector.shape_cast %slice3A_493 : vector<64x1x100xf32> to vector<64x100xf32>
    %add3A_495 = arith.addf %add3A_492, %squeeze3A_494 : vector<64x100xf32>
    %slice3A_496 = vector.extract_strided_slice %max3A_25 {offsets = [0, 156, 0], sizes = [64, 1, 100], strides = [1, 1, 1]} : vector<64x200x100xf32> to vector<64x1x100xf32>
    %squeeze3A_497 = vector.shape_cast %slice3A_496 : vector<64x1x100xf32> to vector<64x100xf32>
    %add3A_498 = arith.addf %add3A_495, %squeeze3A_497 : vector<64x100xf32>
    %slice3A_499 = vector.extract_strided_slice %max3A_25 {offsets = [0, 157, 0], sizes = [64, 1, 100], strides = [1, 1, 1]} : vector<64x200x100xf32> to vector<64x1x100xf32>
    %squeeze3A_500 = vector.shape_cast %slice3A_499 : vector<64x1x100xf32> to vector<64x100xf32>
    %add3A_501 = arith.addf %add3A_498, %squeeze3A_500 : vector<64x100xf32>
    %slice3A_502 = vector.extract_strided_slice %max3A_25 {offsets = [0, 158, 0], sizes = [64, 1, 100], strides = [1, 1, 1]} : vector<64x200x100xf32> to vector<64x1x100xf32>
    %squeeze3A_503 = vector.shape_cast %slice3A_502 : vector<64x1x100xf32> to vector<64x100xf32>
    %add3A_504 = arith.addf %add3A_501, %squeeze3A_503 : vector<64x100xf32>
    %slice3A_505 = vector.extract_strided_slice %max3A_25 {offsets = [0, 159, 0], sizes = [64, 1, 100], strides = [1, 1, 1]} : vector<64x200x100xf32> to vector<64x1x100xf32>
    %squeeze3A_506 = vector.shape_cast %slice3A_505 : vector<64x1x100xf32> to vector<64x100xf32>
    %add3A_507 = arith.addf %add3A_504, %squeeze3A_506 : vector<64x100xf32>
    %slice3A_508 = vector.extract_strided_slice %max3A_25 {offsets = [0, 160, 0], sizes = [64, 1, 100], strides = [1, 1, 1]} : vector<64x200x100xf32> to vector<64x1x100xf32>
    %squeeze3A_509 = vector.shape_cast %slice3A_508 : vector<64x1x100xf32> to vector<64x100xf32>
    %add3A_510 = arith.addf %add3A_507, %squeeze3A_509 : vector<64x100xf32>
    %slice3A_511 = vector.extract_strided_slice %max3A_25 {offsets = [0, 161, 0], sizes = [64, 1, 100], strides = [1, 1, 1]} : vector<64x200x100xf32> to vector<64x1x100xf32>
    %squeeze3A_512 = vector.shape_cast %slice3A_511 : vector<64x1x100xf32> to vector<64x100xf32>
    %add3A_513 = arith.addf %add3A_510, %squeeze3A_512 : vector<64x100xf32>
    %slice3A_514 = vector.extract_strided_slice %max3A_25 {offsets = [0, 162, 0], sizes = [64, 1, 100], strides = [1, 1, 1]} : vector<64x200x100xf32> to vector<64x1x100xf32>
    %squeeze3A_515 = vector.shape_cast %slice3A_514 : vector<64x1x100xf32> to vector<64x100xf32>
    %add3A_516 = arith.addf %add3A_513, %squeeze3A_515 : vector<64x100xf32>
    %slice3A_517 = vector.extract_strided_slice %max3A_25 {offsets = [0, 163, 0], sizes = [64, 1, 100], strides = [1, 1, 1]} : vector<64x200x100xf32> to vector<64x1x100xf32>
    %squeeze3A_518 = vector.shape_cast %slice3A_517 : vector<64x1x100xf32> to vector<64x100xf32>
    %add3A_519 = arith.addf %add3A_516, %squeeze3A_518 : vector<64x100xf32>
    %slice3A_520 = vector.extract_strided_slice %max3A_25 {offsets = [0, 164, 0], sizes = [64, 1, 100], strides = [1, 1, 1]} : vector<64x200x100xf32> to vector<64x1x100xf32>
    %squeeze3A_521 = vector.shape_cast %slice3A_520 : vector<64x1x100xf32> to vector<64x100xf32>
    %add3A_522 = arith.addf %add3A_519, %squeeze3A_521 : vector<64x100xf32>
    %slice3A_523 = vector.extract_strided_slice %max3A_25 {offsets = [0, 165, 0], sizes = [64, 1, 100], strides = [1, 1, 1]} : vector<64x200x100xf32> to vector<64x1x100xf32>
    %squeeze3A_524 = vector.shape_cast %slice3A_523 : vector<64x1x100xf32> to vector<64x100xf32>
    %add3A_525 = arith.addf %add3A_522, %squeeze3A_524 : vector<64x100xf32>
    %slice3A_526 = vector.extract_strided_slice %max3A_25 {offsets = [0, 166, 0], sizes = [64, 1, 100], strides = [1, 1, 1]} : vector<64x200x100xf32> to vector<64x1x100xf32>
    %squeeze3A_527 = vector.shape_cast %slice3A_526 : vector<64x1x100xf32> to vector<64x100xf32>
    %add3A_528 = arith.addf %add3A_525, %squeeze3A_527 : vector<64x100xf32>
    %slice3A_529 = vector.extract_strided_slice %max3A_25 {offsets = [0, 167, 0], sizes = [64, 1, 100], strides = [1, 1, 1]} : vector<64x200x100xf32> to vector<64x1x100xf32>
    %squeeze3A_530 = vector.shape_cast %slice3A_529 : vector<64x1x100xf32> to vector<64x100xf32>
    %add3A_531 = arith.addf %add3A_528, %squeeze3A_530 : vector<64x100xf32>
    %slice3A_532 = vector.extract_strided_slice %max3A_25 {offsets = [0, 168, 0], sizes = [64, 1, 100], strides = [1, 1, 1]} : vector<64x200x100xf32> to vector<64x1x100xf32>
    %squeeze3A_533 = vector.shape_cast %slice3A_532 : vector<64x1x100xf32> to vector<64x100xf32>
    %add3A_534 = arith.addf %add3A_531, %squeeze3A_533 : vector<64x100xf32>
    %slice3A_535 = vector.extract_strided_slice %max3A_25 {offsets = [0, 169, 0], sizes = [64, 1, 100], strides = [1, 1, 1]} : vector<64x200x100xf32> to vector<64x1x100xf32>
    %squeeze3A_536 = vector.shape_cast %slice3A_535 : vector<64x1x100xf32> to vector<64x100xf32>
    %add3A_537 = arith.addf %add3A_534, %squeeze3A_536 : vector<64x100xf32>
    %slice3A_538 = vector.extract_strided_slice %max3A_25 {offsets = [0, 170, 0], sizes = [64, 1, 100], strides = [1, 1, 1]} : vector<64x200x100xf32> to vector<64x1x100xf32>
    %squeeze3A_539 = vector.shape_cast %slice3A_538 : vector<64x1x100xf32> to vector<64x100xf32>
    %add3A_540 = arith.addf %add3A_537, %squeeze3A_539 : vector<64x100xf32>
    %slice3A_541 = vector.extract_strided_slice %max3A_25 {offsets = [0, 171, 0], sizes = [64, 1, 100], strides = [1, 1, 1]} : vector<64x200x100xf32> to vector<64x1x100xf32>
    %squeeze3A_542 = vector.shape_cast %slice3A_541 : vector<64x1x100xf32> to vector<64x100xf32>
    %add3A_543 = arith.addf %add3A_540, %squeeze3A_542 : vector<64x100xf32>
    %slice3A_544 = vector.extract_strided_slice %max3A_25 {offsets = [0, 172, 0], sizes = [64, 1, 100], strides = [1, 1, 1]} : vector<64x200x100xf32> to vector<64x1x100xf32>
    %squeeze3A_545 = vector.shape_cast %slice3A_544 : vector<64x1x100xf32> to vector<64x100xf32>
    %add3A_546 = arith.addf %add3A_543, %squeeze3A_545 : vector<64x100xf32>
    %slice3A_547 = vector.extract_strided_slice %max3A_25 {offsets = [0, 173, 0], sizes = [64, 1, 100], strides = [1, 1, 1]} : vector<64x200x100xf32> to vector<64x1x100xf32>
    %squeeze3A_548 = vector.shape_cast %slice3A_547 : vector<64x1x100xf32> to vector<64x100xf32>
    %add3A_549 = arith.addf %add3A_546, %squeeze3A_548 : vector<64x100xf32>
    %slice3A_550 = vector.extract_strided_slice %max3A_25 {offsets = [0, 174, 0], sizes = [64, 1, 100], strides = [1, 1, 1]} : vector<64x200x100xf32> to vector<64x1x100xf32>
    %squeeze3A_551 = vector.shape_cast %slice3A_550 : vector<64x1x100xf32> to vector<64x100xf32>
    %add3A_552 = arith.addf %add3A_549, %squeeze3A_551 : vector<64x100xf32>
    %slice3A_553 = vector.extract_strided_slice %max3A_25 {offsets = [0, 175, 0], sizes = [64, 1, 100], strides = [1, 1, 1]} : vector<64x200x100xf32> to vector<64x1x100xf32>
    %squeeze3A_554 = vector.shape_cast %slice3A_553 : vector<64x1x100xf32> to vector<64x100xf32>
    %add3A_555 = arith.addf %add3A_552, %squeeze3A_554 : vector<64x100xf32>
    %slice3A_556 = vector.extract_strided_slice %max3A_25 {offsets = [0, 176, 0], sizes = [64, 1, 100], strides = [1, 1, 1]} : vector<64x200x100xf32> to vector<64x1x100xf32>
    %squeeze3A_557 = vector.shape_cast %slice3A_556 : vector<64x1x100xf32> to vector<64x100xf32>
    %add3A_558 = arith.addf %add3A_555, %squeeze3A_557 : vector<64x100xf32>
    %slice3A_559 = vector.extract_strided_slice %max3A_25 {offsets = [0, 177, 0], sizes = [64, 1, 100], strides = [1, 1, 1]} : vector<64x200x100xf32> to vector<64x1x100xf32>
    %squeeze3A_560 = vector.shape_cast %slice3A_559 : vector<64x1x100xf32> to vector<64x100xf32>
    %add3A_561 = arith.addf %add3A_558, %squeeze3A_560 : vector<64x100xf32>
    %slice3A_562 = vector.extract_strided_slice %max3A_25 {offsets = [0, 178, 0], sizes = [64, 1, 100], strides = [1, 1, 1]} : vector<64x200x100xf32> to vector<64x1x100xf32>
    %squeeze3A_563 = vector.shape_cast %slice3A_562 : vector<64x1x100xf32> to vector<64x100xf32>
    %add3A_564 = arith.addf %add3A_561, %squeeze3A_563 : vector<64x100xf32>
    %slice3A_565 = vector.extract_strided_slice %max3A_25 {offsets = [0, 179, 0], sizes = [64, 1, 100], strides = [1, 1, 1]} : vector<64x200x100xf32> to vector<64x1x100xf32>
    %squeeze3A_566 = vector.shape_cast %slice3A_565 : vector<64x1x100xf32> to vector<64x100xf32>
    %add3A_567 = arith.addf %add3A_564, %squeeze3A_566 : vector<64x100xf32>
    %slice3A_568 = vector.extract_strided_slice %max3A_25 {offsets = [0, 180, 0], sizes = [64, 1, 100], strides = [1, 1, 1]} : vector<64x200x100xf32> to vector<64x1x100xf32>
    %squeeze3A_569 = vector.shape_cast %slice3A_568 : vector<64x1x100xf32> to vector<64x100xf32>
    %add3A_570 = arith.addf %add3A_567, %squeeze3A_569 : vector<64x100xf32>
    %slice3A_571 = vector.extract_strided_slice %max3A_25 {offsets = [0, 181, 0], sizes = [64, 1, 100], strides = [1, 1, 1]} : vector<64x200x100xf32> to vector<64x1x100xf32>
    %squeeze3A_572 = vector.shape_cast %slice3A_571 : vector<64x1x100xf32> to vector<64x100xf32>
    %add3A_573 = arith.addf %add3A_570, %squeeze3A_572 : vector<64x100xf32>
    %slice3A_574 = vector.extract_strided_slice %max3A_25 {offsets = [0, 182, 0], sizes = [64, 1, 100], strides = [1, 1, 1]} : vector<64x200x100xf32> to vector<64x1x100xf32>
    %squeeze3A_575 = vector.shape_cast %slice3A_574 : vector<64x1x100xf32> to vector<64x100xf32>
    %add3A_576 = arith.addf %add3A_573, %squeeze3A_575 : vector<64x100xf32>
    %slice3A_577 = vector.extract_strided_slice %max3A_25 {offsets = [0, 183, 0], sizes = [64, 1, 100], strides = [1, 1, 1]} : vector<64x200x100xf32> to vector<64x1x100xf32>
    %squeeze3A_578 = vector.shape_cast %slice3A_577 : vector<64x1x100xf32> to vector<64x100xf32>
    %add3A_579 = arith.addf %add3A_576, %squeeze3A_578 : vector<64x100xf32>
    %slice3A_580 = vector.extract_strided_slice %max3A_25 {offsets = [0, 184, 0], sizes = [64, 1, 100], strides = [1, 1, 1]} : vector<64x200x100xf32> to vector<64x1x100xf32>
    %squeeze3A_581 = vector.shape_cast %slice3A_580 : vector<64x1x100xf32> to vector<64x100xf32>
    %add3A_582 = arith.addf %add3A_579, %squeeze3A_581 : vector<64x100xf32>
    %slice3A_583 = vector.extract_strided_slice %max3A_25 {offsets = [0, 185, 0], sizes = [64, 1, 100], strides = [1, 1, 1]} : vector<64x200x100xf32> to vector<64x1x100xf32>
    %squeeze3A_584 = vector.shape_cast %slice3A_583 : vector<64x1x100xf32> to vector<64x100xf32>
    %add3A_585 = arith.addf %add3A_582, %squeeze3A_584 : vector<64x100xf32>
    %slice3A_586 = vector.extract_strided_slice %max3A_25 {offsets = [0, 186, 0], sizes = [64, 1, 100], strides = [1, 1, 1]} : vector<64x200x100xf32> to vector<64x1x100xf32>
    %squeeze3A_587 = vector.shape_cast %slice3A_586 : vector<64x1x100xf32> to vector<64x100xf32>
    %add3A_588 = arith.addf %add3A_585, %squeeze3A_587 : vector<64x100xf32>
    %slice3A_589 = vector.extract_strided_slice %max3A_25 {offsets = [0, 187, 0], sizes = [64, 1, 100], strides = [1, 1, 1]} : vector<64x200x100xf32> to vector<64x1x100xf32>
    %squeeze3A_590 = vector.shape_cast %slice3A_589 : vector<64x1x100xf32> to vector<64x100xf32>
    %add3A_591 = arith.addf %add3A_588, %squeeze3A_590 : vector<64x100xf32>
    %slice3A_592 = vector.extract_strided_slice %max3A_25 {offsets = [0, 188, 0], sizes = [64, 1, 100], strides = [1, 1, 1]} : vector<64x200x100xf32> to vector<64x1x100xf32>
    %squeeze3A_593 = vector.shape_cast %slice3A_592 : vector<64x1x100xf32> to vector<64x100xf32>
    %add3A_594 = arith.addf %add3A_591, %squeeze3A_593 : vector<64x100xf32>
    %slice3A_595 = vector.extract_strided_slice %max3A_25 {offsets = [0, 189, 0], sizes = [64, 1, 100], strides = [1, 1, 1]} : vector<64x200x100xf32> to vector<64x1x100xf32>
    %squeeze3A_596 = vector.shape_cast %slice3A_595 : vector<64x1x100xf32> to vector<64x100xf32>
    %add3A_597 = arith.addf %add3A_594, %squeeze3A_596 : vector<64x100xf32>
    %slice3A_598 = vector.extract_strided_slice %max3A_25 {offsets = [0, 190, 0], sizes = [64, 1, 100], strides = [1, 1, 1]} : vector<64x200x100xf32> to vector<64x1x100xf32>
    %squeeze3A_599 = vector.shape_cast %slice3A_598 : vector<64x1x100xf32> to vector<64x100xf32>
    %add3A_600 = arith.addf %add3A_597, %squeeze3A_599 : vector<64x100xf32>
    %slice3A_601 = vector.extract_strided_slice %max3A_25 {offsets = [0, 191, 0], sizes = [64, 1, 100], strides = [1, 1, 1]} : vector<64x200x100xf32> to vector<64x1x100xf32>
    %squeeze3A_602 = vector.shape_cast %slice3A_601 : vector<64x1x100xf32> to vector<64x100xf32>
    %add3A_603 = arith.addf %add3A_600, %squeeze3A_602 : vector<64x100xf32>
    %slice3A_604 = vector.extract_strided_slice %max3A_25 {offsets = [0, 192, 0], sizes = [64, 1, 100], strides = [1, 1, 1]} : vector<64x200x100xf32> to vector<64x1x100xf32>
    %squeeze3A_605 = vector.shape_cast %slice3A_604 : vector<64x1x100xf32> to vector<64x100xf32>
    %add3A_606 = arith.addf %add3A_603, %squeeze3A_605 : vector<64x100xf32>
    %slice3A_607 = vector.extract_strided_slice %max3A_25 {offsets = [0, 193, 0], sizes = [64, 1, 100], strides = [1, 1, 1]} : vector<64x200x100xf32> to vector<64x1x100xf32>
    %squeeze3A_608 = vector.shape_cast %slice3A_607 : vector<64x1x100xf32> to vector<64x100xf32>
    %add3A_609 = arith.addf %add3A_606, %squeeze3A_608 : vector<64x100xf32>
    %slice3A_610 = vector.extract_strided_slice %max3A_25 {offsets = [0, 194, 0], sizes = [64, 1, 100], strides = [1, 1, 1]} : vector<64x200x100xf32> to vector<64x1x100xf32>
    %squeeze3A_611 = vector.shape_cast %slice3A_610 : vector<64x1x100xf32> to vector<64x100xf32>
    %add3A_612 = arith.addf %add3A_609, %squeeze3A_611 : vector<64x100xf32>
    %slice3A_613 = vector.extract_strided_slice %max3A_25 {offsets = [0, 195, 0], sizes = [64, 1, 100], strides = [1, 1, 1]} : vector<64x200x100xf32> to vector<64x1x100xf32>
    %squeeze3A_614 = vector.shape_cast %slice3A_613 : vector<64x1x100xf32> to vector<64x100xf32>
    %add3A_615 = arith.addf %add3A_612, %squeeze3A_614 : vector<64x100xf32>
    %slice3A_616 = vector.extract_strided_slice %max3A_25 {offsets = [0, 196, 0], sizes = [64, 1, 100], strides = [1, 1, 1]} : vector<64x200x100xf32> to vector<64x1x100xf32>
    %squeeze3A_617 = vector.shape_cast %slice3A_616 : vector<64x1x100xf32> to vector<64x100xf32>
    %add3A_618 = arith.addf %add3A_615, %squeeze3A_617 : vector<64x100xf32>
    %slice3A_619 = vector.extract_strided_slice %max3A_25 {offsets = [0, 197, 0], sizes = [64, 1, 100], strides = [1, 1, 1]} : vector<64x200x100xf32> to vector<64x1x100xf32>
    %squeeze3A_620 = vector.shape_cast %slice3A_619 : vector<64x1x100xf32> to vector<64x100xf32>
    %add3A_621 = arith.addf %add3A_618, %squeeze3A_620 : vector<64x100xf32>
    %slice3A_622 = vector.extract_strided_slice %max3A_25 {offsets = [0, 198, 0], sizes = [64, 1, 100], strides = [1, 1, 1]} : vector<64x200x100xf32> to vector<64x1x100xf32>
    %squeeze3A_623 = vector.shape_cast %slice3A_622 : vector<64x1x100xf32> to vector<64x100xf32>
    %add3A_624 = arith.addf %add3A_621, %squeeze3A_623 : vector<64x100xf32>
    %slice3A_625 = vector.extract_strided_slice %max3A_25 {offsets = [0, 199, 0], sizes = [64, 1, 100], strides = [1, 1, 1]} : vector<64x200x100xf32> to vector<64x1x100xf32>
    %squeeze3A_626 = vector.shape_cast %slice3A_625 : vector<64x1x100xf32> to vector<64x100xf32>
    %add3A_627 = arith.addf %add3A_624, %squeeze3A_626 : vector<64x100xf32>
    %mul3A = arith.constant 5.000000e-03 : f32
    %mul3A_628 = vector.broadcast %mul3A : f32 to vector<64x100xf32>
    %mul3A_629 = arith.mulf %add3A_627, %mul3A_628 : vector<64x100xf32>
    %get3A_630 = arith.constant 0 : index
    %get3A_631 = arith.constant 0 : index
    %get3A_632 = vector.load %arg4[%get3A_630, %get3A_631] : memref<100x100xf32, #tpu.memory_space<vmem>>, vector<100x100xf32>
    %convert_element_type3A_633 = arith.truncf %mul3A_629 : vector<64x100xf32> to vector<64x100xbf16>
    %convert_element_type3A_634 = arith.truncf %get3A_632 : vector<100x100xf32> to vector<100x100xbf16>
    %dot_general3A_635 = arith.constant dense<0.000000e+00> : vector<64x100xf32>
    %dot_general3A_636 = tpu.matmul %convert_element_type3A_633, %convert_element_type3A_634, %dot_general3A_635 {dimension_numbers = #tpu.dot_dimension_numbers<[1], [0], [0], [1], [0, 0, 1, 1], [], []>, transpose_lhs_hint = false} : vector<64x100xbf16>, vector<100x100xbf16>, vector<64x100xf32> -> vector<64x100xf32>
    %get3A_637 = arith.constant 0 : index
    %get3A_638 = arith.constant 0 : index
    %get3A_639 = vector.load %arg5[%get3A_637, %get3A_638] : memref<1x100xf32, #tpu.memory_space<vmem>>, vector<1x100xf32>
    %add3A_640 = vector.broadcast %get3A_639 : vector<1x100xf32> to vector<64x100xf32>
    %add3A_641 = arith.addf %dot_general3A_636, %add3A_640 : vector<64x100xf32>
    %max3A_642 = arith.constant 0.000000e+00 : f32
    %max3A_643 = vector.broadcast %max3A_642 : f32 to vector<64x100xf32>
    %max3A_644 = arith.maximumf %add3A_641, %max3A_643 : vector<64x100xf32>
    %reshape3A_645 = vector.shape_cast %max3A_25 : vector<64x200x100xf32> to vector<12800x100xf32>
    %get3A_646 = arith.constant 0 : index
    %get3A_647 = arith.constant 0 : index
    %get3A_648 = arith.constant 0 : index
    %get3A_649 = vector.load %arg6[%get3A_646, %get3A_647, %get3A_648] : memref<3x100x100xf32, #tpu.memory_space<vmem>>, vector<3x100x100xf32>
    %get3A_650 = arith.constant 0 : index
    %get3A_651 = arith.constant 0 : index
    %get3A_652 = arith.constant 0 : index
    %get3A_653 = vector.load %arg7[%get3A_650, %get3A_651, %get3A_652] : memref<1x1x100xf32, #tpu.memory_space<vmem>>, vector<1x1x100xf32>
    %convert_element_type3A_654 = arith.truncf %reshape3A_645 : vector<12800x100xf32> to vector<12800x100xbf16>
    %reshape3A_655 = vector.shape_cast %convert_element_type3A_654 : vector<12800x100xbf16> to vector<64x200x100xbf16>
    %broadcast_in_dim3A_656 = arith.constant 0.000000e+00 : bf16
    %broadcast_in_dim3A_657 = vector.broadcast %broadcast_in_dim3A_656 : bf16 to vector<64x1x100xbf16>
    %slice3A_658 = vector.extract_strided_slice %reshape3A_655 {offsets = [0, 0, 0], sizes = [64, 199, 100], strides = [1, 1, 1]} : vector<64x200x100xbf16> to vector<64x199x100xbf16>
    %concatenate3A_659 = tpu.concatenate %broadcast_in_dim3A_657, %slice3A_658 in 1 : vector<64x1x100xbf16>, vector<64x199x100xbf16> -> vector<64x200x100xbf16>
    %slice3A_660 = vector.extract_strided_slice %reshape3A_655 {offsets = [0, 1, 0], sizes = [64, 199, 100], strides = [1, 1, 1]} : vector<64x200x100xbf16> to vector<64x199x100xbf16>
    %concatenate3A_661 = tpu.concatenate %slice3A_660, %broadcast_in_dim3A_657 in 1 : vector<64x199x100xbf16>, vector<64x1x100xbf16> -> vector<64x200x100xbf16>
    %convert_element_type3A_662 = arith.truncf %get3A_649 : vector<3x100x100xf32> to vector<3x100x100xbf16>
    %broadcast_in_dim3A_663 = arith.constant 0.000000e+00 : bf16
    %broadcast_in_dim3A_664 = vector.broadcast %broadcast_in_dim3A_663 : bf16 to vector<64x200x4xbf16>
    %broadcast_in_dim3A_665 = arith.constant 0.000000e+00 : bf16
    %broadcast_in_dim3A_666 = vector.broadcast %broadcast_in_dim3A_665 : bf16 to vector<4x100xbf16>
    %concatenate3A_667 = tpu.concatenate %concatenate3A_659, %broadcast_in_dim3A_664, %reshape3A_655, %broadcast_in_dim3A_664, %concatenate3A_661, %broadcast_in_dim3A_664 in 2 : vector<64x200x100xbf16>, vector<64x200x4xbf16>, vector<64x200x100xbf16>, vector<64x200x4xbf16>, vector<64x200x100xbf16>, vector<64x200x4xbf16> -> vector<64x200x312xbf16>
    %slice3A_668 = vector.extract_strided_slice %convert_element_type3A_662 {offsets = [0, 0, 0], sizes = [1, 100, 100], strides = [1, 1, 1]} : vector<3x100x100xbf16> to vector<1x100x100xbf16>
    %squeeze3A_669 = vector.shape_cast %slice3A_668 : vector<1x100x100xbf16> to vector<100x100xbf16>
    %slice3A_670 = vector.extract_strided_slice %convert_element_type3A_662 {offsets = [1, 0, 0], sizes = [1, 100, 100], strides = [1, 1, 1]} : vector<3x100x100xbf16> to vector<1x100x100xbf16>
    %squeeze3A_671 = vector.shape_cast %slice3A_670 : vector<1x100x100xbf16> to vector<100x100xbf16>
    %slice3A_672 = vector.extract_strided_slice %convert_element_type3A_662 {offsets = [2, 0, 0], sizes = [1, 100, 100], strides = [1, 1, 1]} : vector<3x100x100xbf16> to vector<1x100x100xbf16>
    %squeeze3A_673 = vector.shape_cast %slice3A_672 : vector<1x100x100xbf16> to vector<100x100xbf16>
    %concatenate3A_674 = tpu.concatenate %squeeze3A_669, %broadcast_in_dim3A_666, %squeeze3A_671, %broadcast_in_dim3A_666, %squeeze3A_673, %broadcast_in_dim3A_666 in 0 : vector<100x100xbf16>, vector<4x100xbf16>, vector<100x100xbf16>, vector<4x100xbf16>, vector<100x100xbf16>, vector<4x100xbf16> -> vector<312x100xbf16>
    %reshape3A_675 = vector.shape_cast %concatenate3A_667 : vector<64x200x312xbf16> to vector<12800x312xbf16>
    %dot_general3A_676 = arith.constant dense<0.000000e+00> : vector<12800x100xf32>
    %dot_general3A_677 = tpu.matmul %reshape3A_675, %concatenate3A_674, %dot_general3A_676 {dimension_numbers = #tpu.dot_dimension_numbers<[1], [0], [0], [1], [0, 0, 1, 1], [], []>, transpose_lhs_hint = false} : vector<12800x312xbf16>, vector<312x100xbf16>, vector<12800x100xf32> -> vector<12800x100xf32>
    %reshape3A_678 = vector.shape_cast %dot_general3A_677 : vector<12800x100xf32> to vector<64x200x100xf32>
    %add3A_679 = vector.broadcast %get3A_653 : vector<1x1x100xf32> to vector<64x200x100xf32>
    %add3A_680 = arith.addf %reshape3A_678, %add3A_679 : vector<64x200x100xf32>
    %max3A_681 = arith.constant 0.000000e+00 : f32
    %max3A_682 = vector.broadcast %max3A_681 : f32 to vector<64x200x100xf32>
    %max3A_683 = arith.maximumf %add3A_680, %max3A_682 : vector<64x200x100xf32>
    %reshape3A_684 = vector.shape_cast %max3A_683 : vector<64x200x100xf32> to vector<12800x100xf32>
    %get3A_685 = arith.constant 0 : index
    %get3A_686 = arith.constant 0 : index
    %get3A_687 = arith.constant 0 : index
    %get3A_688 = vector.load %arg8[%get3A_685, %get3A_686, %get3A_687] : memref<3x100x100xf32, #tpu.memory_space<vmem>>, vector<3x100x100xf32>
    %get3A_689 = arith.constant 0 : index
    %get3A_690 = arith.constant 0 : index
    %get3A_691 = arith.constant 0 : index
    %get3A_692 = vector.load %arg9[%get3A_689, %get3A_690, %get3A_691] : memref<1x1x100xf32, #tpu.memory_space<vmem>>, vector<1x1x100xf32>
    %convert_element_type3A_693 = arith.truncf %reshape3A_684 : vector<12800x100xf32> to vector<12800x100xbf16>
    %reshape3A_694 = vector.shape_cast %convert_element_type3A_693 : vector<12800x100xbf16> to vector<64x200x100xbf16>
    %broadcast_in_dim3A_695 = arith.constant 0.000000e+00 : bf16
    %broadcast_in_dim3A_696 = vector.broadcast %broadcast_in_dim3A_695 : bf16 to vector<64x1x100xbf16>
    %slice3A_697 = vector.extract_strided_slice %reshape3A_694 {offsets = [0, 0, 0], sizes = [64, 199, 100], strides = [1, 1, 1]} : vector<64x200x100xbf16> to vector<64x199x100xbf16>
    %concatenate3A_698 = tpu.concatenate %broadcast_in_dim3A_696, %slice3A_697 in 1 : vector<64x1x100xbf16>, vector<64x199x100xbf16> -> vector<64x200x100xbf16>
    %slice3A_699 = vector.extract_strided_slice %reshape3A_694 {offsets = [0, 1, 0], sizes = [64, 199, 100], strides = [1, 1, 1]} : vector<64x200x100xbf16> to vector<64x199x100xbf16>
    %concatenate3A_700 = tpu.concatenate %slice3A_699, %broadcast_in_dim3A_696 in 1 : vector<64x199x100xbf16>, vector<64x1x100xbf16> -> vector<64x200x100xbf16>
    %convert_element_type3A_701 = arith.truncf %get3A_688 : vector<3x100x100xf32> to vector<3x100x100xbf16>
    %broadcast_in_dim3A_702 = arith.constant 0.000000e+00 : bf16
    %broadcast_in_dim3A_703 = vector.broadcast %broadcast_in_dim3A_702 : bf16 to vector<64x200x4xbf16>
    %broadcast_in_dim3A_704 = arith.constant 0.000000e+00 : bf16
    %broadcast_in_dim3A_705 = vector.broadcast %broadcast_in_dim3A_704 : bf16 to vector<4x100xbf16>
    %concatenate3A_706 = tpu.concatenate %concatenate3A_698, %broadcast_in_dim3A_703, %reshape3A_694, %broadcast_in_dim3A_703, %concatenate3A_700, %broadcast_in_dim3A_703 in 2 : vector<64x200x100xbf16>, vector<64x200x4xbf16>, vector<64x200x100xbf16>, vector<64x200x4xbf16>, vector<64x200x100xbf16>, vector<64x200x4xbf16> -> vector<64x200x312xbf16>
    %slice3A_707 = vector.extract_strided_slice %convert_element_type3A_701 {offsets = [0, 0, 0], sizes = [1, 100, 100], strides = [1, 1, 1]} : vector<3x100x100xbf16> to vector<1x100x100xbf16>
    %squeeze3A_708 = vector.shape_cast %slice3A_707 : vector<1x100x100xbf16> to vector<100x100xbf16>
    %slice3A_709 = vector.extract_strided_slice %convert_element_type3A_701 {offsets = [1, 0, 0], sizes = [1, 100, 100], strides = [1, 1, 1]} : vector<3x100x100xbf16> to vector<1x100x100xbf16>
    %squeeze3A_710 = vector.shape_cast %slice3A_709 : vector<1x100x100xbf16> to vector<100x100xbf16>
    %slice3A_711 = vector.extract_strided_slice %convert_element_type3A_701 {offsets = [2, 0, 0], sizes = [1, 100, 100], strides = [1, 1, 1]} : vector<3x100x100xbf16> to vector<1x100x100xbf16>
    %squeeze3A_712 = vector.shape_cast %slice3A_711 : vector<1x100x100xbf16> to vector<100x100xbf16>
    %concatenate3A_713 = tpu.concatenate %squeeze3A_708, %broadcast_in_dim3A_705, %squeeze3A_710, %broadcast_in_dim3A_705, %squeeze3A_712, %broadcast_in_dim3A_705 in 0 : vector<100x100xbf16>, vector<4x100xbf16>, vector<100x100xbf16>, vector<4x100xbf16>, vector<100x100xbf16>, vector<4x100xbf16> -> vector<312x100xbf16>
    %reshape3A_714 = vector.shape_cast %concatenate3A_706 : vector<64x200x312xbf16> to vector<12800x312xbf16>
    %dot_general3A_715 = arith.constant dense<0.000000e+00> : vector<12800x100xf32>
    %dot_general3A_716 = tpu.matmul %reshape3A_714, %concatenate3A_713, %dot_general3A_715 {dimension_numbers = #tpu.dot_dimension_numbers<[1], [0], [0], [1], [0, 0, 1, 1], [], []>, transpose_lhs_hint = false} : vector<12800x312xbf16>, vector<312x100xbf16>, vector<12800x100xf32> -> vector<12800x100xf32>
    %reshape3A_717 = vector.shape_cast %dot_general3A_716 : vector<12800x100xf32> to vector<64x200x100xf32>
    %add3A_718 = vector.broadcast %get3A_692 : vector<1x1x100xf32> to vector<64x200x100xf32>
    %add3A_719 = arith.addf %reshape3A_717, %add3A_718 : vector<64x200x100xf32>
    %max3A_720 = arith.constant 0.000000e+00 : f32
    %max3A_721 = vector.broadcast %max3A_720 : f32 to vector<64x200x100xf32>
    %max3A_722 = arith.maximumf %add3A_719, %max3A_721 : vector<64x200x100xf32>
    %reshape3A_723 = vector.shape_cast %max3A_644 : vector<64x100xf32> to vector<64x1x100xf32>
    %broadcast_in_dim3A_724 = vector.shape_cast %reshape3A_723 : vector<64x1x100xf32> to vector<64x1x100xf32>
    %broadcast_in_dim3A_725 = vector.broadcast %broadcast_in_dim3A_724 : vector<64x1x100xf32> to vector<64x200x100xf32>
    %concatenate3A_726 = tpu.concatenate %broadcast_in_dim3A_725, %max3A_722 in 2 : vector<64x200x100xf32>, vector<64x200x100xf32> -> vector<64x200x200xf32>
    %reshape3A_727 = vector.shape_cast %concatenate3A_726 : vector<64x200x200xf32> to vector<12800x200xf32>
    %get3A_728 = arith.constant 0 : index
    %get3A_729 = arith.constant 0 : index
    %get3A_730 = vector.load %arg11[%get3A_728, %get3A_729] : memref<100x100xf32, #tpu.memory_space<vmem>>, vector<100x100xf32>
    %get3A_731 = arith.constant 0 : index
    %get3A_732 = arith.constant 0 : index
    %get3A_733 = vector.load %arg10[%get3A_731, %get3A_732] : memref<100x100xf32, #tpu.memory_space<vmem>>, vector<100x100xf32>
    %concatenate3A_734 = tpu.concatenate %get3A_730, %get3A_733 in 0 : vector<100x100xf32>, vector<100x100xf32> -> vector<200x100xf32>
    %convert_element_type3A_735 = arith.truncf %reshape3A_727 : vector<12800x200xf32> to vector<12800x200xbf16>
    %convert_element_type3A_736 = arith.truncf %concatenate3A_734 : vector<200x100xf32> to vector<200x100xbf16>
    %dot_general3A_737 = arith.constant dense<0.000000e+00> : vector<12800x100xf32>
    %dot_general3A_738 = tpu.matmul %convert_element_type3A_735, %convert_element_type3A_736, %dot_general3A_737 {dimension_numbers = #tpu.dot_dimension_numbers<[1], [0], [0], [1], [0, 0, 1, 1], [], []>, transpose_lhs_hint = false} : vector<12800x200xbf16>, vector<200x100xbf16>, vector<12800x100xf32> -> vector<12800x100xf32>
    %reshape3A_739 = vector.shape_cast %dot_general3A_738 : vector<12800x100xf32> to vector<64x200x100xf32>
    %get3A_740 = arith.constant 0 : index
    %get3A_741 = arith.constant 0 : index
    %get3A_742 = arith.constant 0 : index
    %get3A_743 = vector.load %arg12[%get3A_740, %get3A_741, %get3A_742] : memref<1x1x100xf32, #tpu.memory_space<vmem>>, vector<1x1x100xf32>
    %add3A_744 = vector.broadcast %get3A_743 : vector<1x1x100xf32> to vector<64x200x100xf32>
    %add3A_745 = arith.addf %reshape3A_739, %add3A_744 : vector<64x200x100xf32>
    %max3A_746 = arith.constant 0.000000e+00 : f32
    %max3A_747 = vector.broadcast %max3A_746 : f32 to vector<64x200x100xf32>
    %max3A_748 = arith.maximumf %add3A_745, %max3A_747 : vector<64x200x100xf32>
    %reshape3A_749 = vector.shape_cast %max3A_748 : vector<64x200x100xf32> to vector<12800x100xf32>
    %get3A_750 = arith.constant 0 : index
    %get3A_751 = arith.constant 0 : index
    %get3A_752 = vector.load %arg13[%get3A_750, %get3A_751] : memref<100x1xf32, #tpu.memory_space<vmem>>, vector<100x1xf32>
    %convert_element_type3A_753 = arith.truncf %reshape3A_749 : vector<12800x100xf32> to vector<12800x100xbf16>
    %convert_element_type3A_754 = arith.truncf %get3A_752 : vector<100x1xf32> to vector<100x1xbf16>
    %dot_general3A_755 = arith.constant dense<0.000000e+00> : vector<12800x1xf32>
    %dot_general3A_756 = tpu.matmul %convert_element_type3A_753, %convert_element_type3A_754, %dot_general3A_755 {dimension_numbers = #tpu.dot_dimension_numbers<[1], [0], [0], [1], [0, 0, 1, 1], [], []>, transpose_lhs_hint = false} : vector<12800x100xbf16>, vector<100x1xbf16>, vector<12800x1xf32> -> vector<12800x1xf32>
    %reshape3A_757 = vector.shape_cast %dot_general3A_756 : vector<12800x1xf32> to vector<64x200xf32>
    %get3A_758 = arith.constant 0 : index
    %get3A_759 = arith.constant 0 : index
    %get3A_760 = vector.load %arg14[%get3A_758, %get3A_759] : memref<1x1xf32, #tpu.memory_space<vmem>>, vector<1x1xf32>
    %add3A_761 = vector.broadcast %get3A_760 : vector<1x1xf32> to vector<64x200xf32>
    %add3A_762 = arith.addf %reshape3A_757, %add3A_761 : vector<64x200xf32>
    %iota3A = tpu.iota {dimensions = array<i32: 1>} : vector<64x200xi32>
    %reduce_max3A = arith.constant dense<0xFF800000> : vector<64xf32>
    %reduce_max3A_763 = vector.multi_reduction <maximumf>, %add3A_762, %reduce_max3A [1] : vector<64x200xf32> to vector<64xf32>
    %broadcast_in_dim3A_764 = vector.shape_cast %reduce_max3A_763 : vector<64xf32> to vector<64x1xf32>
    %ge3A = vector.broadcast %broadcast_in_dim3A_764 : vector<64x1xf32> to vector<64x200xf32>
    %ge3A_765 = arith.cmpf oge, %add3A_762, %ge3A : vector<64x200xf32>
    %jit3A = arith.constant 200 : i32
    %broadcast_in_dim3A_766 = vector.broadcast %jit3A : i32 to vector<64x200xi32>
    %select_n3A = arith.select %ge3A_765, %iota3A, %broadcast_in_dim3A_766 : vector<64x200xi1>, vector<64x200xi32>
    %reduce_min3A = arith.constant dense<2147483647> : vector<64xi32>
    %reduce_min3A_767 = vector.multi_reduction <minsi>, %select_n3A, %reduce_min3A [1] : vector<64x200xi32> to vector<64xi32>
    %broadcast_in_dim3A_768 = vector.shape_cast %reduce_min3A_767 : vector<64xi32> to vector<64x1xi32>
    %eq3A = vector.broadcast %broadcast_in_dim3A_768 : vector<64x1xi32> to vector<64x200xi32>
    %eq3A_769 = arith.cmpi eq, %iota3A, %eq3A : vector<64x200xi32>
    %jit3A_770 = arith.constant -3.000000e+38 : f32
    %broadcast_in_dim3A_771 = vector.broadcast %jit3A_770 : f32 to vector<64x200xf32>
    %select_n3A_772 = arith.select %eq3A_769, %broadcast_in_dim3A_771, %add3A_762 : vector<64x200xi1>, vector<64x200xf32>
    %reduce_max3A_773 = arith.constant dense<0xFF800000> : vector<64xf32>
    %reduce_max3A_774 = vector.multi_reduction <maximumf>, %select_n3A_772, %reduce_max3A_773 [1] : vector<64x200xf32> to vector<64xf32>
    %broadcast_in_dim3A_775 = vector.shape_cast %reduce_max3A_774 : vector<64xf32> to vector<64x1xf32>
    %ge3A_776 = vector.broadcast %broadcast_in_dim3A_775 : vector<64x1xf32> to vector<64x200xf32>
    %ge3A_777 = arith.cmpf oge, %select_n3A_772, %ge3A_776 : vector<64x200xf32>
    %jit3A_778 = arith.constant 200 : i32
    %broadcast_in_dim3A_779 = vector.broadcast %jit3A_778 : i32 to vector<64x200xi32>
    %select_n3A_780 = arith.select %ge3A_777, %iota3A, %broadcast_in_dim3A_779 : vector<64x200xi1>, vector<64x200xi32>
    %reduce_min3A_781 = arith.constant dense<2147483647> : vector<64xi32>
    %reduce_min3A_782 = vector.multi_reduction <minsi>, %select_n3A_780, %reduce_min3A_781 [1] : vector<64x200xi32> to vector<64xi32>
    %broadcast_in_dim3A_783 = vector.shape_cast %reduce_min3A_782 : vector<64xi32> to vector<64x1xi32>
    %eq3A_784 = vector.broadcast %broadcast_in_dim3A_783 : vector<64x1xi32> to vector<64x200xi32>
    %eq3A_785 = arith.cmpi eq, %iota3A, %eq3A_784 : vector<64x200xi32>
    %jit3A_786 = arith.constant -3.000000e+38 : f32
    %broadcast_in_dim3A_787 = vector.broadcast %jit3A_786 : f32 to vector<64x200xf32>
    %select_n3A_788 = arith.select %eq3A_785, %broadcast_in_dim3A_787, %select_n3A_772 : vector<64x200xi1>, vector<64x200xf32>
    %reduce_max3A_789 = arith.constant dense<0xFF800000> : vector<64xf32>
    %reduce_max3A_790 = vector.multi_reduction <maximumf>, %select_n3A_788, %reduce_max3A_789 [1] : vector<64x200xf32> to vector<64xf32>
    %broadcast_in_dim3A_791 = vector.shape_cast %reduce_max3A_790 : vector<64xf32> to vector<64x1xf32>
    %ge3A_792 = vector.broadcast %broadcast_in_dim3A_791 : vector<64x1xf32> to vector<64x200xf32>
    %ge3A_793 = arith.cmpf oge, %select_n3A_788, %ge3A_792 : vector<64x200xf32>
    %jit3A_794 = arith.constant 200 : i32
    %broadcast_in_dim3A_795 = vector.broadcast %jit3A_794 : i32 to vector<64x200xi32>
    %select_n3A_796 = arith.select %ge3A_793, %iota3A, %broadcast_in_dim3A_795 : vector<64x200xi1>, vector<64x200xi32>
    %reduce_min3A_797 = arith.constant dense<2147483647> : vector<64xi32>
    %reduce_min3A_798 = vector.multi_reduction <minsi>, %select_n3A_796, %reduce_min3A_797 [1] : vector<64x200xi32> to vector<64xi32>
    %broadcast_in_dim3A_799 = vector.shape_cast %reduce_min3A_798 : vector<64xi32> to vector<64x1xi32>
    %eq3A_800 = vector.broadcast %broadcast_in_dim3A_799 : vector<64x1xi32> to vector<64x200xi32>
    %eq3A_801 = arith.cmpi eq, %iota3A, %eq3A_800 : vector<64x200xi32>
    %jit3A_802 = arith.constant -3.000000e+38 : f32
    %broadcast_in_dim3A_803 = vector.broadcast %jit3A_802 : f32 to vector<64x200xf32>
    %select_n3A_804 = arith.select %eq3A_801, %broadcast_in_dim3A_803, %select_n3A_788 : vector<64x200xi1>, vector<64x200xf32>
    %reduce_max3A_805 = arith.constant dense<0xFF800000> : vector<64xf32>
    %reduce_max3A_806 = vector.multi_reduction <maximumf>, %select_n3A_804, %reduce_max3A_805 [1] : vector<64x200xf32> to vector<64xf32>
    %broadcast_in_dim3A_807 = vector.shape_cast %reduce_max3A_806 : vector<64xf32> to vector<64x1xf32>
    %ge3A_808 = vector.broadcast %broadcast_in_dim3A_807 : vector<64x1xf32> to vector<64x200xf32>
    %ge3A_809 = arith.cmpf oge, %select_n3A_804, %ge3A_808 : vector<64x200xf32>
    %jit3A_810 = arith.constant 200 : i32
    %broadcast_in_dim3A_811 = vector.broadcast %jit3A_810 : i32 to vector<64x200xi32>
    %select_n3A_812 = arith.select %ge3A_809, %iota3A, %broadcast_in_dim3A_811 : vector<64x200xi1>, vector<64x200xi32>
    %reduce_min3A_813 = arith.constant dense<2147483647> : vector<64xi32>
    %reduce_min3A_814 = vector.multi_reduction <minsi>, %select_n3A_812, %reduce_min3A_813 [1] : vector<64x200xi32> to vector<64xi32>
    %broadcast_in_dim3A_815 = vector.shape_cast %reduce_min3A_814 : vector<64xi32> to vector<64x1xi32>
    %eq3A_816 = vector.broadcast %broadcast_in_dim3A_815 : vector<64x1xi32> to vector<64x200xi32>
    %eq3A_817 = arith.cmpi eq, %iota3A, %eq3A_816 : vector<64x200xi32>
    %jit3A_818 = arith.constant -3.000000e+38 : f32
    %broadcast_in_dim3A_819 = vector.broadcast %jit3A_818 : f32 to vector<64x200xf32>
    %select_n3A_820 = arith.select %eq3A_817, %broadcast_in_dim3A_819, %select_n3A_804 : vector<64x200xi1>, vector<64x200xf32>
    %reduce_max3A_821 = arith.constant dense<0xFF800000> : vector<64xf32>
    %reduce_max3A_822 = vector.multi_reduction <maximumf>, %select_n3A_820, %reduce_max3A_821 [1] : vector<64x200xf32> to vector<64xf32>
    %broadcast_in_dim3A_823 = vector.shape_cast %reduce_max3A_822 : vector<64xf32> to vector<64x1xf32>
    %ge3A_824 = vector.broadcast %broadcast_in_dim3A_823 : vector<64x1xf32> to vector<64x200xf32>
    %ge3A_825 = arith.cmpf oge, %select_n3A_820, %ge3A_824 : vector<64x200xf32>
    %jit3A_826 = arith.constant 200 : i32
    %broadcast_in_dim3A_827 = vector.broadcast %jit3A_826 : i32 to vector<64x200xi32>
    %select_n3A_828 = arith.select %ge3A_825, %iota3A, %broadcast_in_dim3A_827 : vector<64x200xi1>, vector<64x200xi32>
    %reduce_min3A_829 = arith.constant dense<2147483647> : vector<64xi32>
    %reduce_min3A_830 = vector.multi_reduction <minsi>, %select_n3A_828, %reduce_min3A_829 [1] : vector<64x200xi32> to vector<64xi32>
    %broadcast_in_dim3A_831 = vector.shape_cast %reduce_min3A_830 : vector<64xi32> to vector<64x1xi32>
    %eq3A_832 = vector.broadcast %broadcast_in_dim3A_831 : vector<64x1xi32> to vector<64x200xi32>
    %eq3A_833 = arith.cmpi eq, %iota3A, %eq3A_832 : vector<64x200xi32>
    %jit3A_834 = arith.constant -3.000000e+38 : f32
    %broadcast_in_dim3A_835 = vector.broadcast %jit3A_834 : f32 to vector<64x200xf32>
    %select_n3A_836 = arith.select %eq3A_833, %broadcast_in_dim3A_835, %select_n3A_820 : vector<64x200xi1>, vector<64x200xf32>
    %reduce_max3A_837 = arith.constant dense<0xFF800000> : vector<64xf32>
    %reduce_max3A_838 = vector.multi_reduction <maximumf>, %select_n3A_836, %reduce_max3A_837 [1] : vector<64x200xf32> to vector<64xf32>
    %broadcast_in_dim3A_839 = vector.shape_cast %reduce_max3A_838 : vector<64xf32> to vector<64x1xf32>
    %ge3A_840 = vector.broadcast %broadcast_in_dim3A_839 : vector<64x1xf32> to vector<64x200xf32>
    %ge3A_841 = arith.cmpf oge, %select_n3A_836, %ge3A_840 : vector<64x200xf32>
    %jit3A_842 = arith.constant 200 : i32
    %broadcast_in_dim3A_843 = vector.broadcast %jit3A_842 : i32 to vector<64x200xi32>
    %select_n3A_844 = arith.select %ge3A_841, %iota3A, %broadcast_in_dim3A_843 : vector<64x200xi1>, vector<64x200xi32>
    %reduce_min3A_845 = arith.constant dense<2147483647> : vector<64xi32>
    %reduce_min3A_846 = vector.multi_reduction <minsi>, %select_n3A_844, %reduce_min3A_845 [1] : vector<64x200xi32> to vector<64xi32>
    %broadcast_in_dim3A_847 = vector.shape_cast %reduce_min3A_846 : vector<64xi32> to vector<64x1xi32>
    %eq3A_848 = vector.broadcast %broadcast_in_dim3A_847 : vector<64x1xi32> to vector<64x200xi32>
    %eq3A_849 = arith.cmpi eq, %iota3A, %eq3A_848 : vector<64x200xi32>
    %jit3A_850 = arith.constant -3.000000e+38 : f32
    %broadcast_in_dim3A_851 = vector.broadcast %jit3A_850 : f32 to vector<64x200xf32>
    %select_n3A_852 = arith.select %eq3A_849, %broadcast_in_dim3A_851, %select_n3A_836 : vector<64x200xi1>, vector<64x200xf32>
    %reduce_max3A_853 = arith.constant dense<0xFF800000> : vector<64xf32>
    %reduce_max3A_854 = vector.multi_reduction <maximumf>, %select_n3A_852, %reduce_max3A_853 [1] : vector<64x200xf32> to vector<64xf32>
    %broadcast_in_dim3A_855 = vector.shape_cast %reduce_max3A_854 : vector<64xf32> to vector<64x1xf32>
    %ge3A_856 = vector.broadcast %broadcast_in_dim3A_855 : vector<64x1xf32> to vector<64x200xf32>
    %ge3A_857 = arith.cmpf oge, %select_n3A_852, %ge3A_856 : vector<64x200xf32>
    %jit3A_858 = arith.constant 200 : i32
    %broadcast_in_dim3A_859 = vector.broadcast %jit3A_858 : i32 to vector<64x200xi32>
    %select_n3A_860 = arith.select %ge3A_857, %iota3A, %broadcast_in_dim3A_859 : vector<64x200xi1>, vector<64x200xi32>
    %reduce_min3A_861 = arith.constant dense<2147483647> : vector<64xi32>
    %reduce_min3A_862 = vector.multi_reduction <minsi>, %select_n3A_860, %reduce_min3A_861 [1] : vector<64x200xi32> to vector<64xi32>
    %broadcast_in_dim3A_863 = vector.shape_cast %reduce_min3A_862 : vector<64xi32> to vector<64x1xi32>
    %eq3A_864 = vector.broadcast %broadcast_in_dim3A_863 : vector<64x1xi32> to vector<64x200xi32>
    %eq3A_865 = arith.cmpi eq, %iota3A, %eq3A_864 : vector<64x200xi32>
    %jit3A_866 = arith.constant -3.000000e+38 : f32
    %broadcast_in_dim3A_867 = vector.broadcast %jit3A_866 : f32 to vector<64x200xf32>
    %select_n3A_868 = arith.select %eq3A_865, %broadcast_in_dim3A_867, %select_n3A_852 : vector<64x200xi1>, vector<64x200xf32>
    %reduce_max3A_869 = arith.constant dense<0xFF800000> : vector<64xf32>
    %reduce_max3A_870 = vector.multi_reduction <maximumf>, %select_n3A_868, %reduce_max3A_869 [1] : vector<64x200xf32> to vector<64xf32>
    %broadcast_in_dim3A_871 = vector.shape_cast %reduce_max3A_870 : vector<64xf32> to vector<64x1xf32>
    %ge3A_872 = vector.broadcast %broadcast_in_dim3A_871 : vector<64x1xf32> to vector<64x200xf32>
    %ge3A_873 = arith.cmpf oge, %select_n3A_868, %ge3A_872 : vector<64x200xf32>
    %jit3A_874 = arith.constant 200 : i32
    %broadcast_in_dim3A_875 = vector.broadcast %jit3A_874 : i32 to vector<64x200xi32>
    %select_n3A_876 = arith.select %ge3A_873, %iota3A, %broadcast_in_dim3A_875 : vector<64x200xi1>, vector<64x200xi32>
    %reduce_min3A_877 = arith.constant dense<2147483647> : vector<64xi32>
    %reduce_min3A_878 = vector.multi_reduction <minsi>, %select_n3A_876, %reduce_min3A_877 [1] : vector<64x200xi32> to vector<64xi32>
    %broadcast_in_dim3A_879 = vector.shape_cast %reduce_min3A_878 : vector<64xi32> to vector<64x1xi32>
    %eq3A_880 = vector.broadcast %broadcast_in_dim3A_879 : vector<64x1xi32> to vector<64x200xi32>
    %eq3A_881 = arith.cmpi eq, %iota3A, %eq3A_880 : vector<64x200xi32>
    %jit3A_882 = arith.constant -3.000000e+38 : f32
    %broadcast_in_dim3A_883 = vector.broadcast %jit3A_882 : f32 to vector<64x200xf32>
    %select_n3A_884 = arith.select %eq3A_881, %broadcast_in_dim3A_883, %select_n3A_868 : vector<64x200xi1>, vector<64x200xf32>
    %reduce_max3A_885 = arith.constant dense<0xFF800000> : vector<64xf32>
    %reduce_max3A_886 = vector.multi_reduction <maximumf>, %select_n3A_884, %reduce_max3A_885 [1] : vector<64x200xf32> to vector<64xf32>
    %broadcast_in_dim3A_887 = vector.shape_cast %reduce_max3A_886 : vector<64xf32> to vector<64x1xf32>
    %ge3A_888 = vector.broadcast %broadcast_in_dim3A_887 : vector<64x1xf32> to vector<64x200xf32>
    %ge3A_889 = arith.cmpf oge, %select_n3A_884, %ge3A_888 : vector<64x200xf32>
    %jit3A_890 = arith.constant 200 : i32
    %broadcast_in_dim3A_891 = vector.broadcast %jit3A_890 : i32 to vector<64x200xi32>
    %select_n3A_892 = arith.select %ge3A_889, %iota3A, %broadcast_in_dim3A_891 : vector<64x200xi1>, vector<64x200xi32>
    %reduce_min3A_893 = arith.constant dense<2147483647> : vector<64xi32>
    %reduce_min3A_894 = vector.multi_reduction <minsi>, %select_n3A_892, %reduce_min3A_893 [1] : vector<64x200xi32> to vector<64xi32>
    %broadcast_in_dim3A_895 = vector.shape_cast %reduce_min3A_894 : vector<64xi32> to vector<64x1xi32>
    %eq3A_896 = vector.broadcast %broadcast_in_dim3A_895 : vector<64x1xi32> to vector<64x200xi32>
    %eq3A_897 = arith.cmpi eq, %iota3A, %eq3A_896 : vector<64x200xi32>
    %jit3A_898 = arith.constant -3.000000e+38 : f32
    %broadcast_in_dim3A_899 = vector.broadcast %jit3A_898 : f32 to vector<64x200xf32>
    %select_n3A_900 = arith.select %eq3A_897, %broadcast_in_dim3A_899, %select_n3A_884 : vector<64x200xi1>, vector<64x200xf32>
    %reduce_max3A_901 = arith.constant dense<0xFF800000> : vector<64xf32>
    %reduce_max3A_902 = vector.multi_reduction <maximumf>, %select_n3A_900, %reduce_max3A_901 [1] : vector<64x200xf32> to vector<64xf32>
    %broadcast_in_dim3A_903 = vector.shape_cast %reduce_max3A_902 : vector<64xf32> to vector<64x1xf32>
    %ge3A_904 = vector.broadcast %broadcast_in_dim3A_903 : vector<64x1xf32> to vector<64x200xf32>
    %ge3A_905 = arith.cmpf oge, %select_n3A_900, %ge3A_904 : vector<64x200xf32>
    %jit3A_906 = arith.constant 200 : i32
    %broadcast_in_dim3A_907 = vector.broadcast %jit3A_906 : i32 to vector<64x200xi32>
    %select_n3A_908 = arith.select %ge3A_905, %iota3A, %broadcast_in_dim3A_907 : vector<64x200xi1>, vector<64x200xi32>
    %reduce_min3A_909 = arith.constant dense<2147483647> : vector<64xi32>
    %reduce_min3A_910 = vector.multi_reduction <minsi>, %select_n3A_908, %reduce_min3A_909 [1] : vector<64x200xi32> to vector<64xi32>
    %broadcast_in_dim3A_911 = vector.shape_cast %reduce_min3A_910 : vector<64xi32> to vector<64x1xi32>
    %eq3A_912 = vector.broadcast %broadcast_in_dim3A_911 : vector<64x1xi32> to vector<64x200xi32>
    %eq3A_913 = arith.cmpi eq, %iota3A, %eq3A_912 : vector<64x200xi32>
    %jit3A_914 = arith.constant -3.000000e+38 : f32
    %broadcast_in_dim3A_915 = vector.broadcast %jit3A_914 : f32 to vector<64x200xf32>
    %select_n3A_916 = arith.select %eq3A_913, %broadcast_in_dim3A_915, %select_n3A_900 : vector<64x200xi1>, vector<64x200xf32>
    %reduce_max3A_917 = arith.constant dense<0xFF800000> : vector<64xf32>
    %reduce_max3A_918 = vector.multi_reduction <maximumf>, %select_n3A_916, %reduce_max3A_917 [1] : vector<64x200xf32> to vector<64xf32>
    %broadcast_in_dim3A_919 = vector.shape_cast %reduce_max3A_918 : vector<64xf32> to vector<64x1xf32>
    %ge3A_920 = vector.broadcast %broadcast_in_dim3A_919 : vector<64x1xf32> to vector<64x200xf32>
    %ge3A_921 = arith.cmpf oge, %select_n3A_916, %ge3A_920 : vector<64x200xf32>
    %jit3A_922 = arith.constant 200 : i32
    %broadcast_in_dim3A_923 = vector.broadcast %jit3A_922 : i32 to vector<64x200xi32>
    %select_n3A_924 = arith.select %ge3A_921, %iota3A, %broadcast_in_dim3A_923 : vector<64x200xi1>, vector<64x200xi32>
    %reduce_min3A_925 = arith.constant dense<2147483647> : vector<64xi32>
    %reduce_min3A_926 = vector.multi_reduction <minsi>, %select_n3A_924, %reduce_min3A_925 [1] : vector<64x200xi32> to vector<64xi32>
    %broadcast_in_dim3A_927 = vector.shape_cast %reduce_min3A_926 : vector<64xi32> to vector<64x1xi32>
    %eq3A_928 = vector.broadcast %broadcast_in_dim3A_927 : vector<64x1xi32> to vector<64x200xi32>
    %eq3A_929 = arith.cmpi eq, %iota3A, %eq3A_928 : vector<64x200xi32>
    %jit3A_930 = arith.constant -3.000000e+38 : f32
    %broadcast_in_dim3A_931 = vector.broadcast %jit3A_930 : f32 to vector<64x200xf32>
    %select_n3A_932 = arith.select %eq3A_929, %broadcast_in_dim3A_931, %select_n3A_916 : vector<64x200xi1>, vector<64x200xf32>
    %reduce_max3A_933 = arith.constant dense<0xFF800000> : vector<64xf32>
    %reduce_max3A_934 = vector.multi_reduction <maximumf>, %select_n3A_932, %reduce_max3A_933 [1] : vector<64x200xf32> to vector<64xf32>
    %broadcast_in_dim3A_935 = vector.shape_cast %reduce_max3A_934 : vector<64xf32> to vector<64x1xf32>
    %ge3A_936 = vector.broadcast %broadcast_in_dim3A_935 : vector<64x1xf32> to vector<64x200xf32>
    %ge3A_937 = arith.cmpf oge, %select_n3A_932, %ge3A_936 : vector<64x200xf32>
    %jit3A_938 = arith.constant 200 : i32
    %broadcast_in_dim3A_939 = vector.broadcast %jit3A_938 : i32 to vector<64x200xi32>
    %select_n3A_940 = arith.select %ge3A_937, %iota3A, %broadcast_in_dim3A_939 : vector<64x200xi1>, vector<64x200xi32>
    %reduce_min3A_941 = arith.constant dense<2147483647> : vector<64xi32>
    %reduce_min3A_942 = vector.multi_reduction <minsi>, %select_n3A_940, %reduce_min3A_941 [1] : vector<64x200xi32> to vector<64xi32>
    %broadcast_in_dim3A_943 = vector.shape_cast %reduce_min3A_942 : vector<64xi32> to vector<64x1xi32>
    %eq3A_944 = vector.broadcast %broadcast_in_dim3A_943 : vector<64x1xi32> to vector<64x200xi32>
    %eq3A_945 = arith.cmpi eq, %iota3A, %eq3A_944 : vector<64x200xi32>
    %jit3A_946 = arith.constant -3.000000e+38 : f32
    %broadcast_in_dim3A_947 = vector.broadcast %jit3A_946 : f32 to vector<64x200xf32>
    %select_n3A_948 = arith.select %eq3A_945, %broadcast_in_dim3A_947, %select_n3A_932 : vector<64x200xi1>, vector<64x200xf32>
    %reduce_max3A_949 = arith.constant dense<0xFF800000> : vector<64xf32>
    %reduce_max3A_950 = vector.multi_reduction <maximumf>, %select_n3A_948, %reduce_max3A_949 [1] : vector<64x200xf32> to vector<64xf32>
    %broadcast_in_dim3A_951 = vector.shape_cast %reduce_max3A_950 : vector<64xf32> to vector<64x1xf32>
    %ge3A_952 = vector.broadcast %broadcast_in_dim3A_951 : vector<64x1xf32> to vector<64x200xf32>
    %ge3A_953 = arith.cmpf oge, %select_n3A_948, %ge3A_952 : vector<64x200xf32>
    %jit3A_954 = arith.constant 200 : i32
    %broadcast_in_dim3A_955 = vector.broadcast %jit3A_954 : i32 to vector<64x200xi32>
    %select_n3A_956 = arith.select %ge3A_953, %iota3A, %broadcast_in_dim3A_955 : vector<64x200xi1>, vector<64x200xi32>
    %reduce_min3A_957 = arith.constant dense<2147483647> : vector<64xi32>
    %reduce_min3A_958 = vector.multi_reduction <minsi>, %select_n3A_956, %reduce_min3A_957 [1] : vector<64x200xi32> to vector<64xi32>
    %broadcast_in_dim3A_959 = vector.shape_cast %reduce_min3A_958 : vector<64xi32> to vector<64x1xi32>
    %eq3A_960 = vector.broadcast %broadcast_in_dim3A_959 : vector<64x1xi32> to vector<64x200xi32>
    %eq3A_961 = arith.cmpi eq, %iota3A, %eq3A_960 : vector<64x200xi32>
    %jit3A_962 = arith.constant -3.000000e+38 : f32
    %broadcast_in_dim3A_963 = vector.broadcast %jit3A_962 : f32 to vector<64x200xf32>
    %select_n3A_964 = arith.select %eq3A_961, %broadcast_in_dim3A_963, %select_n3A_948 : vector<64x200xi1>, vector<64x200xf32>
    %reduce_max3A_965 = arith.constant dense<0xFF800000> : vector<64xf32>
    %reduce_max3A_966 = vector.multi_reduction <maximumf>, %select_n3A_964, %reduce_max3A_965 [1] : vector<64x200xf32> to vector<64xf32>
    %broadcast_in_dim3A_967 = vector.shape_cast %reduce_max3A_966 : vector<64xf32> to vector<64x1xf32>
    %ge3A_968 = vector.broadcast %broadcast_in_dim3A_967 : vector<64x1xf32> to vector<64x200xf32>
    %ge3A_969 = arith.cmpf oge, %select_n3A_964, %ge3A_968 : vector<64x200xf32>
    %jit3A_970 = arith.constant 200 : i32
    %broadcast_in_dim3A_971 = vector.broadcast %jit3A_970 : i32 to vector<64x200xi32>
    %select_n3A_972 = arith.select %ge3A_969, %iota3A, %broadcast_in_dim3A_971 : vector<64x200xi1>, vector<64x200xi32>
    %reduce_min3A_973 = arith.constant dense<2147483647> : vector<64xi32>
    %reduce_min3A_974 = vector.multi_reduction <minsi>, %select_n3A_972, %reduce_min3A_973 [1] : vector<64x200xi32> to vector<64xi32>
    %broadcast_in_dim3A_975 = vector.shape_cast %reduce_min3A_974 : vector<64xi32> to vector<64x1xi32>
    %eq3A_976 = vector.broadcast %broadcast_in_dim3A_975 : vector<64x1xi32> to vector<64x200xi32>
    %eq3A_977 = arith.cmpi eq, %iota3A, %eq3A_976 : vector<64x200xi32>
    %jit3A_978 = arith.constant -3.000000e+38 : f32
    %broadcast_in_dim3A_979 = vector.broadcast %jit3A_978 : f32 to vector<64x200xf32>
    %select_n3A_980 = arith.select %eq3A_977, %broadcast_in_dim3A_979, %select_n3A_964 : vector<64x200xi1>, vector<64x200xf32>
    %reduce_max3A_981 = arith.constant dense<0xFF800000> : vector<64xf32>
    %reduce_max3A_982 = vector.multi_reduction <maximumf>, %select_n3A_980, %reduce_max3A_981 [1] : vector<64x200xf32> to vector<64xf32>
    %broadcast_in_dim3A_983 = vector.shape_cast %reduce_max3A_982 : vector<64xf32> to vector<64x1xf32>
    %ge3A_984 = vector.broadcast %broadcast_in_dim3A_983 : vector<64x1xf32> to vector<64x200xf32>
    %ge3A_985 = arith.cmpf oge, %select_n3A_980, %ge3A_984 : vector<64x200xf32>
    %jit3A_986 = arith.constant 200 : i32
    %broadcast_in_dim3A_987 = vector.broadcast %jit3A_986 : i32 to vector<64x200xi32>
    %select_n3A_988 = arith.select %ge3A_985, %iota3A, %broadcast_in_dim3A_987 : vector<64x200xi1>, vector<64x200xi32>
    %reduce_min3A_989 = arith.constant dense<2147483647> : vector<64xi32>
    %reduce_min3A_990 = vector.multi_reduction <minsi>, %select_n3A_988, %reduce_min3A_989 [1] : vector<64x200xi32> to vector<64xi32>
    %broadcast_in_dim3A_991 = vector.shape_cast %reduce_min3A_990 : vector<64xi32> to vector<64x1xi32>
    %eq3A_992 = vector.broadcast %broadcast_in_dim3A_991 : vector<64x1xi32> to vector<64x200xi32>
    %eq3A_993 = arith.cmpi eq, %iota3A, %eq3A_992 : vector<64x200xi32>
    %jit3A_994 = arith.constant -3.000000e+38 : f32
    %broadcast_in_dim3A_995 = vector.broadcast %jit3A_994 : f32 to vector<64x200xf32>
    %select_n3A_996 = arith.select %eq3A_993, %broadcast_in_dim3A_995, %select_n3A_980 : vector<64x200xi1>, vector<64x200xf32>
    %reduce_max3A_997 = arith.constant dense<0xFF800000> : vector<64xf32>
    %reduce_max3A_998 = vector.multi_reduction <maximumf>, %select_n3A_996, %reduce_max3A_997 [1] : vector<64x200xf32> to vector<64xf32>
    %broadcast_in_dim3A_999 = vector.shape_cast %reduce_max3A_998 : vector<64xf32> to vector<64x1xf32>
    %ge3A_1000 = vector.broadcast %broadcast_in_dim3A_999 : vector<64x1xf32> to vector<64x200xf32>
    %ge3A_1001 = arith.cmpf oge, %select_n3A_996, %ge3A_1000 : vector<64x200xf32>
    %jit3A_1002 = arith.constant 200 : i32
    %broadcast_in_dim3A_1003 = vector.broadcast %jit3A_1002 : i32 to vector<64x200xi32>
    %select_n3A_1004 = arith.select %ge3A_1001, %iota3A, %broadcast_in_dim3A_1003 : vector<64x200xi1>, vector<64x200xi32>
    %reduce_min3A_1005 = arith.constant dense<2147483647> : vector<64xi32>
    %reduce_min3A_1006 = vector.multi_reduction <minsi>, %select_n3A_1004, %reduce_min3A_1005 [1] : vector<64x200xi32> to vector<64xi32>
    %broadcast_in_dim3A_1007 = vector.shape_cast %reduce_min3A_1006 : vector<64xi32> to vector<64x1xi32>
    %eq3A_1008 = vector.broadcast %broadcast_in_dim3A_1007 : vector<64x1xi32> to vector<64x200xi32>
    %eq3A_1009 = arith.cmpi eq, %iota3A, %eq3A_1008 : vector<64x200xi32>
    %jit3A_1010 = arith.constant -3.000000e+38 : f32
    %broadcast_in_dim3A_1011 = vector.broadcast %jit3A_1010 : f32 to vector<64x200xf32>
    %select_n3A_1012 = arith.select %eq3A_1009, %broadcast_in_dim3A_1011, %select_n3A_996 : vector<64x200xi1>, vector<64x200xf32>
    %reduce_max3A_1013 = arith.constant dense<0xFF800000> : vector<64xf32>
    %reduce_max3A_1014 = vector.multi_reduction <maximumf>, %select_n3A_1012, %reduce_max3A_1013 [1] : vector<64x200xf32> to vector<64xf32>
    %broadcast_in_dim3A_1015 = vector.shape_cast %reduce_max3A_1014 : vector<64xf32> to vector<64x1xf32>
    %ge3A_1016 = vector.broadcast %broadcast_in_dim3A_1015 : vector<64x1xf32> to vector<64x200xf32>
    %ge3A_1017 = arith.cmpf oge, %select_n3A_1012, %ge3A_1016 : vector<64x200xf32>
    %jit3A_1018 = arith.constant 200 : i32
    %broadcast_in_dim3A_1019 = vector.broadcast %jit3A_1018 : i32 to vector<64x200xi32>
    %select_n3A_1020 = arith.select %ge3A_1017, %iota3A, %broadcast_in_dim3A_1019 : vector<64x200xi1>, vector<64x200xi32>
    %reduce_min3A_1021 = arith.constant dense<2147483647> : vector<64xi32>
    %reduce_min3A_1022 = vector.multi_reduction <minsi>, %select_n3A_1020, %reduce_min3A_1021 [1] : vector<64x200xi32> to vector<64xi32>
    %broadcast_in_dim3A_1023 = vector.shape_cast %reduce_min3A_1022 : vector<64xi32> to vector<64x1xi32>
    %eq3A_1024 = vector.broadcast %broadcast_in_dim3A_1023 : vector<64x1xi32> to vector<64x200xi32>
    %eq3A_1025 = arith.cmpi eq, %iota3A, %eq3A_1024 : vector<64x200xi32>
    %jit3A_1026 = arith.constant -3.000000e+38 : f32
    %broadcast_in_dim3A_1027 = vector.broadcast %jit3A_1026 : f32 to vector<64x200xf32>
    %select_n3A_1028 = arith.select %eq3A_1025, %broadcast_in_dim3A_1027, %select_n3A_1012 : vector<64x200xi1>, vector<64x200xf32>
    %reduce_max3A_1029 = arith.constant dense<0xFF800000> : vector<64xf32>
    %reduce_max3A_1030 = vector.multi_reduction <maximumf>, %select_n3A_1028, %reduce_max3A_1029 [1] : vector<64x200xf32> to vector<64xf32>
    %broadcast_in_dim3A_1031 = vector.shape_cast %reduce_max3A_1030 : vector<64xf32> to vector<64x1xf32>
    %ge3A_1032 = vector.broadcast %broadcast_in_dim3A_1031 : vector<64x1xf32> to vector<64x200xf32>
    %ge3A_1033 = arith.cmpf oge, %select_n3A_1028, %ge3A_1032 : vector<64x200xf32>
    %jit3A_1034 = arith.constant 200 : i32
    %broadcast_in_dim3A_1035 = vector.broadcast %jit3A_1034 : i32 to vector<64x200xi32>
    %select_n3A_1036 = arith.select %ge3A_1033, %iota3A, %broadcast_in_dim3A_1035 : vector<64x200xi1>, vector<64x200xi32>
    %reduce_min3A_1037 = arith.constant dense<2147483647> : vector<64xi32>
    %reduce_min3A_1038 = vector.multi_reduction <minsi>, %select_n3A_1036, %reduce_min3A_1037 [1] : vector<64x200xi32> to vector<64xi32>
    %broadcast_in_dim3A_1039 = vector.shape_cast %reduce_min3A_1038 : vector<64xi32> to vector<64x1xi32>
    %eq3A_1040 = vector.broadcast %broadcast_in_dim3A_1039 : vector<64x1xi32> to vector<64x200xi32>
    %eq3A_1041 = arith.cmpi eq, %iota3A, %eq3A_1040 : vector<64x200xi32>
    %jit3A_1042 = arith.constant -3.000000e+38 : f32
    %broadcast_in_dim3A_1043 = vector.broadcast %jit3A_1042 : f32 to vector<64x200xf32>
    %select_n3A_1044 = arith.select %eq3A_1041, %broadcast_in_dim3A_1043, %select_n3A_1028 : vector<64x200xi1>, vector<64x200xf32>
    %reduce_max3A_1045 = arith.constant dense<0xFF800000> : vector<64xf32>
    %reduce_max3A_1046 = vector.multi_reduction <maximumf>, %select_n3A_1044, %reduce_max3A_1045 [1] : vector<64x200xf32> to vector<64xf32>
    %broadcast_in_dim3A_1047 = vector.shape_cast %reduce_max3A_1046 : vector<64xf32> to vector<64x1xf32>
    %ge3A_1048 = vector.broadcast %broadcast_in_dim3A_1047 : vector<64x1xf32> to vector<64x200xf32>
    %ge3A_1049 = arith.cmpf oge, %select_n3A_1044, %ge3A_1048 : vector<64x200xf32>
    %jit3A_1050 = arith.constant 200 : i32
    %broadcast_in_dim3A_1051 = vector.broadcast %jit3A_1050 : i32 to vector<64x200xi32>
    %select_n3A_1052 = arith.select %ge3A_1049, %iota3A, %broadcast_in_dim3A_1051 : vector<64x200xi1>, vector<64x200xi32>
    %reduce_min3A_1053 = arith.constant dense<2147483647> : vector<64xi32>
    %reduce_min3A_1054 = vector.multi_reduction <minsi>, %select_n3A_1052, %reduce_min3A_1053 [1] : vector<64x200xi32> to vector<64xi32>
    %broadcast_in_dim3A_1055 = vector.shape_cast %reduce_min3A_1054 : vector<64xi32> to vector<64x1xi32>
    %eq3A_1056 = vector.broadcast %broadcast_in_dim3A_1055 : vector<64x1xi32> to vector<64x200xi32>
    %eq3A_1057 = arith.cmpi eq, %iota3A, %eq3A_1056 : vector<64x200xi32>
    %jit3A_1058 = arith.constant -3.000000e+38 : f32
    %broadcast_in_dim3A_1059 = vector.broadcast %jit3A_1058 : f32 to vector<64x200xf32>
    %select_n3A_1060 = arith.select %eq3A_1057, %broadcast_in_dim3A_1059, %select_n3A_1044 : vector<64x200xi1>, vector<64x200xf32>
    %reduce_max3A_1061 = arith.constant dense<0xFF800000> : vector<64xf32>
    %reduce_max3A_1062 = vector.multi_reduction <maximumf>, %select_n3A_1060, %reduce_max3A_1061 [1] : vector<64x200xf32> to vector<64xf32>
    %broadcast_in_dim3A_1063 = vector.shape_cast %reduce_max3A_1062 : vector<64xf32> to vector<64x1xf32>
    %ge3A_1064 = vector.broadcast %broadcast_in_dim3A_1063 : vector<64x1xf32> to vector<64x200xf32>
    %ge3A_1065 = arith.cmpf oge, %add3A_762, %ge3A_1064 : vector<64x200xf32>
    %convert_element_type3A_1066 = arith.extui %ge3A_1065 : vector<64x200xi1> to vector<64x200xi32>
    %convert_element_type3A_1067 = arith.sitofp %convert_element_type3A_1066 : vector<64x200xi32> to vector<64x200xf32>
    %swap3A = arith.constant 0 : index
    %swap3A_1068 = arith.constant 0 : index
    %swap3A_1069 = vector.load %arg15[%swap3A, %swap3A_1068] : memref<64x200xf32, #tpu.memory_space<vmem>>, vector<64x200xf32>
    tpu.vector_store %arg15[%swap3A, %swap3A_1068], %convert_element_type3A_1067 {strides = array<i32>} : memref<64x200xf32, #tpu.memory_space<vmem>>, vector<64x200xf32>,
    return
  }
  func.func @transform_0(%arg0: i32) -> (i32, i32) {
    %c0_i32 = arith.constant 0 : i32
    %c0_i32_0 = arith.constant 0 : i32
    return %arg0, %c0_i32 : i32, i32
  }
  func.func @transform_1(%arg0: i32) -> (i32, i32, i32) {
    %c0_i32 = arith.constant 0 : i32
    %c0_i32_0 = arith.constant 0 : i32
    %c0_i32_1 = arith.constant 0 : i32
    %c0_i32_2 = arith.constant 0 : i32
    return %c0_i32, %c0_i32_0, %c0_i32_1 : i32, i32, i32
  }
  func.func @transform_2(%arg0: i32) -> (i32, i32, i32) {
    %c0_i32 = arith.constant 0 : i32
    %c0_i32_0 = arith.constant 0 : i32
    %c0_i32_1 = arith.constant 0 : i32
    %c0_i32_2 = arith.constant 0 : i32
    return %c0_i32, %c0_i32_0, %c0_i32_1 : i32, i32, i32
  }
  func.func @transform_3(%arg0: i32) -> (i32, i32) {
    %c0_i32 = arith.constant 0 : i32
    %c0_i32_0 = arith.constant 0 : i32
    %c0_i32_1 = arith.constant 0 : i32
    return %c0_i32, %c0_i32_0 : i32, i32
  }
  func.func @transform_4(%arg0: i32) -> (i32, i32) {
    %c0_i32 = arith.constant 0 : i32
    %c0_i32_0 = arith.constant 0 : i32
    %c0_i32_1 = arith.constant 0 : i32
    return %c0_i32, %c0_i32_0 : i32, i32
  }
  func.func @transform_5(%arg0: i32) -> (i32, i32, i32) {
    %c0_i32 = arith.constant 0 : i32
    %c0_i32_0 = arith.constant 0 : i32
    %c0_i32_1 = arith.constant 0 : i32
    %c0_i32_2 = arith.constant 0 : i32
    return %c0_i32, %c0_i32_0, %c0_i32_1 : i32, i32, i32
  }
  func.func @transform_6(%arg0: i32) -> (i32, i32, i32) {
    %c0_i32 = arith.constant 0 : i32
    %c0_i32_0 = arith.constant 0 : i32
    %c0_i32_1 = arith.constant 0 : i32
    %c0_i32_2 = arith.constant 0 : i32
    return %c0_i32, %c0_i32_0, %c0_i32_1 : i32, i32, i32
  }
  func.func @transform_7(%arg0: i32) -> (i32, i32, i32) {
    %c0_i32 = arith.constant 0 : i32
    %c0_i32_0 = arith.constant 0 : i32
    %c0_i32_1 = arith.constant 0 : i32
    %c0_i32_2 = arith.constant 0 : i32
    return %c0_i32, %c0_i32_0, %c0_i32_1 : i32, i32, i32
  }
  func.func @transform_8(%arg0: i32) -> (i32, i32, i32) {
    %c0_i32 = arith.constant 0 : i32
    %c0_i32_0 = arith.constant 0 : i32
    %c0_i32_1 = arith.constant 0 : i32
    %c0_i32_2 = arith.constant 0 : i32
    return %c0_i32, %c0_i32_0, %c0_i32_1 : i32, i32, i32
  }
  func.func @transform_9(%arg0: i32) -> (i32, i32) {
    %c0_i32 = arith.constant 0 : i32
    %c0_i32_0 = arith.constant 0 : i32
    %c0_i32_1 = arith.constant 0 : i32
    return %c0_i32, %c0_i32_0 : i32, i32
  }
  func.func @transform_10(%arg0: i32) -> (i32, i32) {
    %c0_i32 = arith.constant 0 : i32
    %c0_i32_0 = arith.constant 0 : i32
    %c0_i32_1 = arith.constant 0 : i32
    return %c0_i32, %c0_i32_0 : i32, i32
  }
  func.func @transform_11(%arg0: i32) -> (i32, i32, i32) {
    %c0_i32 = arith.constant 0 : i32
    %c0_i32_0 = arith.constant 0 : i32
    %c0_i32_1 = arith.constant 0 : i32
    %c0_i32_2 = arith.constant 0 : i32
    return %c0_i32, %c0_i32_0, %c0_i32_1 : i32, i32, i32
  }
  func.func @transform_12(%arg0: i32) -> (i32, i32) {
    %c0_i32 = arith.constant 0 : i32
    %c0_i32_0 = arith.constant 0 : i32
    %c0_i32_1 = arith.constant 0 : i32
    return %c0_i32, %c0_i32_0 : i32, i32
  }
  func.func @transform_13(%arg0: i32) -> (i32, i32) {
    %c0_i32 = arith.constant 0 : i32
    %c0_i32_0 = arith.constant 0 : i32
    %c0_i32_1 = arith.constant 0 : i32
    return %c0_i32, %c0_i32_0 : i32, i32
  }
  func.func @transform_14(%arg0: i32) -> (i32, i32) {
    %c0_i32 = arith.constant 0 : i32
    %c0_i32_0 = arith.constant 0 : i32
    return %arg0, %c0_i32 : i32, i32
  }
}

module attributes {stable_mosaic.version = 14 : i64} {
  func.func @_head_body(%arg0: i32, %arg1: memref<51200x32xbf16, #tpu.memory_space<vmem>>, %arg2: memref<256x200xf32, #tpu.memory_space<vmem>>, %arg3: memref<32x100xf32, #tpu.memory_space<vmem>>, %arg4: memref<1x100xf32, #tpu.memory_space<vmem>>, %arg5: memref<1x100xf32, #tpu.memory_space<vmem>>, %arg6: memref<1x1xf32, #tpu.memory_space<vmem>>, %arg7: memref<256x1xf32, #tpu.memory_space<vmem>>) attributes {dimension_semantics = [#tpu.dimension_semantics<arbitrary>], iteration_bounds = array<i64: 16>, scalar_prefetch = 0 : i64, scratch_operands = 0 : i64, tpu.core_type = #tpu.core_type<tc>, window_params = [{transform_indices = @transform_0, window_bounds = array<i64: 51200, 32>}, {transform_indices = @transform_1, window_bounds = array<i64: 256, 200>}, {pipeline_mode = #tpu.pipeline_mode<synchronous>, transform_indices = @transform_2, window_bounds = array<i64: 32, 100>}, {pipeline_mode = #tpu.pipeline_mode<synchronous>, transform_indices = @transform_3, window_bounds = array<i64: 1, 100>}, {pipeline_mode = #tpu.pipeline_mode<synchronous>, transform_indices = @transform_4, window_bounds = array<i64: 1, 100>}, {pipeline_mode = #tpu.pipeline_mode<synchronous>, transform_indices = @transform_5, window_bounds = array<i64: 1, 1>}, {transform_indices = @transform_6, window_bounds = array<i64: 256, 1>}]} {
    %get3A = arith.constant 0 : index
    %get3A_0 = arith.constant 0 : index
    %get3A_1 = vector.load %arg1[%get3A, %get3A_0] : memref<51200x32xbf16, #tpu.memory_space<vmem>>, vector<51200x32xbf16>
    %convert_element_type3A = arith.extf %get3A_1 : vector<51200x32xbf16> to vector<51200x32xf32>
    %reshape3A = vector.shape_cast %convert_element_type3A : vector<51200x32xf32> to vector<256x200x32xf32>
    %get3A_2 = arith.constant 0 : index
    %get3A_3 = arith.constant 0 : index
    %get3A_4 = vector.load %arg2[%get3A_2, %get3A_3] : memref<256x200xf32, #tpu.memory_space<vmem>>, vector<256x200xf32>
    %broadcast_in_dim3A = vector.shape_cast %get3A_4 : vector<256x200xf32> to vector<256x200x1xf32>
    %mul3A = vector.broadcast %broadcast_in_dim3A : vector<256x200x1xf32> to vector<256x200x32xf32>
    %mul3A_5 = arith.mulf %reshape3A, %mul3A : vector<256x200x32xf32>
    %reduce_sum3A = arith.constant dense<0.000000e+00> : vector<256x32xf32>
    %reduce_sum3A_6 = vector.multi_reduction <add>, %mul3A_5, %reduce_sum3A [1] : vector<256x200x32xf32> to vector<256x32xf32>
    %mul3A_7 = arith.constant 5.000000e-03 : f32
    %mul3A_8 = vector.broadcast %mul3A_7 : f32 to vector<256x32xf32>
    %mul3A_9 = arith.mulf %reduce_sum3A_6, %mul3A_8 : vector<256x32xf32>
    %get3A_10 = arith.constant 0 : index
    %get3A_11 = arith.constant 0 : index
    %get3A_12 = vector.load %arg3[%get3A_10, %get3A_11] : memref<32x100xf32, #tpu.memory_space<vmem>>, vector<32x100xf32>
    %dot_general3A = arith.constant dense<0.000000e+00> : vector<256x100xf32>
    %dot_general3A_13 = tpu.matmul %mul3A_9, %get3A_12, %dot_general3A {dimension_numbers = #tpu.dot_dimension_numbers<[1], [0], [0], [1], [0, 0, 1, 1], [], []>, precision = #tpu.contract_precision<fp32>, transpose_lhs_hint = false} : vector<256x32xf32>, vector<32x100xf32>, vector<256x100xf32> -> vector<256x100xf32>
    %get3A_14 = arith.constant 0 : index
    %get3A_15 = arith.constant 0 : index
    %get3A_16 = vector.load %arg4[%get3A_14, %get3A_15] : memref<1x100xf32, #tpu.memory_space<vmem>>, vector<1x100xf32>
    %add3A = vector.broadcast %get3A_16 : vector<1x100xf32> to vector<256x100xf32>
    %add3A_17 = arith.addf %dot_general3A_13, %add3A : vector<256x100xf32>
    %max3A = arith.constant 0.000000e+00 : f32
    %max3A_18 = vector.broadcast %max3A : f32 to vector<256x100xf32>
    %max3A_19 = arith.maximumf %add3A_17, %max3A_18 : vector<256x100xf32>
    %get3A_20 = arith.constant 0 : index
    %get3A_21 = arith.constant 0 : index
    %get3A_22 = vector.load %arg5[%get3A_20, %get3A_21] : memref<1x100xf32, #tpu.memory_space<vmem>>, vector<1x100xf32>
    %mul3A_23 = vector.broadcast %get3A_22 : vector<1x100xf32> to vector<256x100xf32>
    %mul3A_24 = arith.mulf %max3A_19, %mul3A_23 : vector<256x100xf32>
    %reduce_sum3A_25 = arith.constant dense<0.000000e+00> : vector<256xf32>
    %reduce_sum3A_26 = vector.multi_reduction <add>, %mul3A_24, %reduce_sum3A_25 [1] : vector<256x100xf32> to vector<256xf32>
    %broadcast_in_dim3A_27 = vector.shape_cast %reduce_sum3A_26 : vector<256xf32> to vector<256x1xf32>
    %get3A_28 = arith.constant 0 : index
    %get3A_29 = arith.constant 0 : index
    %get3A_30 = vector.load %arg6[%get3A_28, %get3A_29] : memref<1x1xf32, #tpu.memory_space<vmem>>, vector<1x1xf32>
    %add3A_31 = vector.broadcast %get3A_30 : vector<1x1xf32> to vector<256x1xf32>
    %add3A_32 = arith.addf %broadcast_in_dim3A_27, %add3A_31 : vector<256x1xf32>
    %logistic3A = arith.negf %add3A_32 : vector<256x1xf32>
    %logistic3A_33 = math.exp %logistic3A : vector<256x1xf32>
    %logistic3A_34 = arith.constant 1.000000e+00 : f32
    %logistic3A_35 = vector.broadcast %logistic3A_34 : f32 to vector<256x1xf32>
    %logistic3A_36 = arith.addf %logistic3A_35, %logistic3A_33 : vector<256x1xf32>
    %logistic3A_37 = arith.divf %logistic3A_35, %logistic3A_36 : vector<256x1xf32>
    %swap3A = arith.constant 0 : index
    %swap3A_38 = arith.constant 0 : index
    %swap3A_39 = vector.load %arg7[%swap3A, %swap3A_38] : memref<256x1xf32, #tpu.memory_space<vmem>>, vector<256x1xf32>
    tpu.vector_store %arg7[%swap3A, %swap3A_38], %logistic3A_37 {strides = array<i32>} : memref<256x1xf32, #tpu.memory_space<vmem>>, vector<256x1xf32>,
    return
  }
  func.func @transform_0(%arg0: i32) -> (i32, i32) {
    %c0_i32 = arith.constant 0 : i32
    %c0_i32_0 = arith.constant 0 : i32
    return %arg0, %c0_i32 : i32, i32
  }
  func.func @transform_1(%arg0: i32) -> (i32, i32) {
    %c0_i32 = arith.constant 0 : i32
    %c0_i32_0 = arith.constant 0 : i32
    return %arg0, %c0_i32 : i32, i32
  }
  func.func @transform_2(%arg0: i32) -> (i32, i32) {
    %c0_i32 = arith.constant 0 : i32
    %c0_i32_0 = arith.constant 0 : i32
    %c0_i32_1 = arith.constant 0 : i32
    return %c0_i32, %c0_i32_0 : i32, i32
  }
  func.func @transform_3(%arg0: i32) -> (i32, i32) {
    %c0_i32 = arith.constant 0 : i32
    %c0_i32_0 = arith.constant 0 : i32
    %c0_i32_1 = arith.constant 0 : i32
    return %c0_i32, %c0_i32_0 : i32, i32
  }
  func.func @transform_4(%arg0: i32) -> (i32, i32) {
    %c0_i32 = arith.constant 0 : i32
    %c0_i32_0 = arith.constant 0 : i32
    %c0_i32_1 = arith.constant 0 : i32
    return %c0_i32, %c0_i32_0 : i32, i32
  }
  func.func @transform_5(%arg0: i32) -> (i32, i32) {
    %c0_i32 = arith.constant 0 : i32
    %c0_i32_0 = arith.constant 0 : i32
    %c0_i32_1 = arith.constant 0 : i32
    return %c0_i32, %c0_i32_0 : i32, i32
  }
  func.func @transform_6(%arg0: i32) -> (i32, i32) {
    %c0_i32 = arith.constant 0 : i32
    %c0_i32_0 = arith.constant 0 : i32
    return %arg0, %c0_i32 : i32, i32
  }
}

</mosaic_0001>

<sc_bundles>
// kernel: kernel.6.cloned.1.call-start
scs
__scs_entry_jumppad:
0x0: {  	(pc) =	sbr.rel $0x88, $3  }
0x1: {  	(tag) =	ssettag $0x0;
	lr =	simm.s32 $0x1  }
0x2: {  	[smem:$0x3F8E] =	sst lr;
	_ =	strace $0xD0000000  }
0x3: {  	_ = 	snop  }
0x4: {  	_ = 	snop  }
0x5: {  	_ = 	snop  }
0x6: {  	_ = 	snop  }
0x7: {  	_ = 	snop  }
__scs_overlays_trampoline_lowered:
0x8: {  	[smem:$0x3F9D] =	sst s0  }
0x9: {  	[smem:$0x3F9E] =	sst s1  }
0xa: {  	[smem:$0x3F9F] =	sst s2  }
0xb: {  	[smem:$0x3FA0] =	sst s3  }
0xc: {  	[smem:$0x3FA1] =	sst s4  }
0xd: {  	[smem:$0x3FA2] =	sst s5  }
0xe: {  	[smem:$0x3FA3] =	sst s6  }
0xf: {  	[smem:$0x3FA4] =	sst s7  }
0x10: {  	[smem:$0x3FA5] =	sst s8  }
0x11: {  	[smem:$0x3FA6] =	sst s9;
	s0 =	simm.s32 @!p0 $0x0  }
0x12: {  	s1 =	sld [smem:$0x3F8C];
	s0 =	simm.s32 @p0 $0x1  }
0x13: {  	[smem:$0x3FA7] =	sst s0;
	s0 =	simm.s32 @!p1 $0x0  }
0x14: {  	s2 =	sld [smem:$0x3F8B];
	s0 =	simm.s32 @p1 $0x1  }
0x15: {  	[smem:$0x3FA8] =	sst s0;
	s0 =	simm.s32 @!p2 $0x0  }
0x16: {  	s3 =	sld [smem:$0x3FDB];
	s0 =	simm.s32 @p2 $0x1  }
0x17: {  	s4 =	simm.s32 $0x1BF5;
	[smem:$0x3FAA] =	sst s0  }
0x18: {  	s0 =	sld [smem:$0x3F8D];
	_ =	swait.ge [sflag:s4], $0x0  }
0x19: {  	s7 =	sld [smem:$0x3F8E]  }
0x1a: {  	s8 =	sadd.s32 $0xFFFFE003, lr  }
0x1b: {  	s9 =	sadd.s32 $0xFFFFFEF7, lr;
	s5 =	simm.s32 $0xFFFFFFFF;
	p2 =	slt.u32 s8, $0xFFFFF086  }
0x1c: {  	p1 =	slt.u32 s9, $0xF7A;
	s5 =	simm.s32 @!p2 $0x0  }
0x1d: {  	s5 =	simm.s32 @p1 $0x1;
	p0 =	seq.s32 s7, s2  }
0x1e: {  	s7 =	smul.u32 @!p0 $0xF7A, s2;
	p2 =	seq.s32 @!p0 s5, $0x0  }
0x1f: {  	s9 =	smul.u32 $0xF7A, s1;
	s8 =	simm.s32 @!p0 $0x1BF5;
	p2 =	por !p2, p0  }
0x20: {  	[sflag:s8] =	ssyncset.s32 @!p0 $0xFFFFF086;
	s6 =	sadd.s32 @!p0 s3, s7;
	s7 =	simm.s32 @!p0 $0x108  }
0x21: {  	s3 =	sadd.s32 s3, s9;
	s6 =	sadd.s32 @!p0 $0x88, s6;
	s7 =	simm.s32 @p2 $0x1082  }
0x22: {  	[simem:s7], [sflag:s8] =	dma.local @!p0 [hbm:s6], $0xF7A  }
0x23: {  	s9 =	sor.u32 $0xD0000000, s2;
	s6 =	simm.s32 $0x108;
	_ =	swait.ge @!p0 [sflag:s8], $0x0  }
0x24: {  	s3 =	sadd.s32 $0x88, s3;
	s6 =	simm.s32 @!p1 $0x1082;
	[sflag:s4] =	ssyncset.s32 $0xFFFFF086  }
0x25: {  	[simem:s6], [sflag:s4] =	dma.local [hbm:s3], $0xF7A  }
0x26: {  	[smem:$0x3F8E] =	sst s1;
	(tag) =	ssettag s2;
	_ =	strace s9  }
0x27: {  	s1 =	sld [smem:$0x3F9E]  }
0x28: {  	s2 =	sld [smem:$0x3F9F]  }
0x29: {  	s4 =	sld [smem:$0x3FA1]  }
0x2a: {  	p0 =	seq.s32 s5, $0x0;
	s5 =	sld [smem:$0x3FA2]  }
0x2b: {  	s6 =	sld [smem:$0x3FA3]  }
0x2c: {  	s7 =	sld [smem:$0x3FA4]  }
0x2d: {  	s3 =	simm.s32 $0x108;
	s8 =	sld [smem:$0x3FA5]  }
0x2e: {  	s3 =	simm.s32 @!p0 $0x1082;
	s9 =	sld [smem:$0x3FA6]  }
0x2f: {  	lr =	sadd.s32 s0, s3;
	s0 =	sld [smem:$0x3F9D]  }
0x30: {  	s3 =	sld [smem:$0x3FA0]  }
0x31: {  	[smem:$0x3FA9] =	sst s10  }
0x32: {  	s10 =	sld [smem:$0x3FA7];
	_ =	sdelay $0x3  }
0x33: {  	p0 =	seq.s32 s10, $0x1;
	s10 =	sld [smem:$0x3FA9];
	_ =	sdelay $0x3  }
0x34: {  	[smem:$0x3FA9] =	sst s10  }
0x35: {  	s10 =	sld [smem:$0x3FA8];
	_ =	sdelay $0x3  }
0x36: {  	p1 =	seq.s32 s10, $0x1;
	s10 =	sld [smem:$0x3FA9];
	_ =	sdelay $0x3  }
0x37: {  	[smem:$0x3FA9] =	sst s10  }
0x38: {  	s10 =	sld [smem:$0x3FAA]  }
0x39: {  	_ = 	snop;
	(pc) =	sbr.ind lr, $3  }
0x3a: {  	_ = 	snop  }
0x3b: {  	_ = 	snop  }
0x3c: {  	p2 =	seq.s32 s10, $0x1;
	s10 =	sld [smem:$0x3FA9]  }
0x3d: {  	_ =	shalt  }
0x3e: {  	_ =	shalt  }
0x3f: {  	_ =	shalt  }
0x40: {  	_ =	shalt  }
0x41: {  	_ =	shalt  }
0x42: {  	_ =	shalt  }
0x43: {  	_ =	shalt  }
0x44: {  	_ =	shalt  }
0x45: {  	_ =	shalt  }
0x46: {  	_ =	shalt  }
0x47: {  	_ =	shalt  }
0x48: {  	_ =	shalt  }
0x49: {  	_ =	shalt  }
0x4a: {  	_ =	shalt  }
0x4b: {  	_ =	shalt  }
0x4c: {  	_ =	shalt  }
0x4d: {  	_ =	shalt  }
0x4e: {  	_ =	shalt  }
0x4f: {  	_ =	shalt  }
0x50: {  	_ =	shalt  }
0x51: {  	_ =	shalt  }
0x52: {  	_ =	shalt  }
0x53: {  	_ =	shalt  }
0x54: {  	_ =	shalt  }
0x55: {  	_ =	shalt  }
0x56: {  	_ =	shalt  }
0x57: {  	_ =	shalt  }
0x58: {  	_ =	shalt  }
0x59: {  	_ =	shalt  }
0x5a: {  	_ =	shalt  }
0x5b: {  	_ =	shalt  }
0x5c: {  	_ =	shalt  }
0x5d: {  	_ =	shalt  }
0x5e: {  	_ =	shalt  }
0x5f: {  	_ =	shalt  }
0x60: {  	_ =	shalt  }
0x61: {  	_ =	shalt  }
0x62: {  	_ =	shalt  }
0x63: {  	_ =	shalt  }
0x64: {  	_ =	shalt  }
0x65: {  	_ =	shalt  }
0x66: {  	_ =	shalt  }
0x67: {  	_ =	shalt  }
0x68: {  	_ =	shalt  }
0x69: {  	_ =	shalt  }
0x6a: {  	_ =	shalt  }
0x6b: {  	_ =	shalt  }
0x6c: {  	_ =	shalt  }
0x6d: {  	_ =	shalt  }
0x6e: {  	_ =	shalt  }
0x6f: {  	_ =	shalt  }
0x70: {  	_ =	shalt  }
0x71: {  	_ =	shalt  }
0x72: {  	_ =	shalt  }
0x73: {  	_ =	shalt  }
0x74: {  	_ =	shalt  }
0x75: {  	_ =	shalt  }
0x76: {  	_ =	shalt  }
0x77: {  	_ =	shalt  }
0x78: {  	_ =	shalt  }
0x79: {  	_ =	shalt  }
0x7a: {  	_ =	shalt  }
0x7b: {  	_ =	shalt  }
0x7c: {  	_ =	shalt  }
0x7d: {  	_ =	shalt  }
0x7e: {  	_ =	shalt  }
0x7f: {  	_ =	shalt  }
0x80: {  	_ =	shalt  }
0x81: {  	_ =	shalt  }
0x82: {  	_ =	shalt  }
0x83: {  	_ =	shalt  }
0x84: {  	_ =	shalt  }
0x85: {  	_ =	shalt  }
0x86: {  	_ =	shalt  }
0x87: {  	_ =	shalt  }
.Lfunc_end0:
.L_simem_size_0:
called_computation_lowered:
.L_overlay_start_0:
0x88: {  	s2 =	sld [smem:$0x3FD9]  }
0x89: {  	s3 =	sld [smem:$0x3FFE];
	_ =	sdelay $0x1  }
0x8a: {  	s1 =	srdreg.scid  }
0x8b: {  	s0 =	sand.u32 $0x1, s1  }
0x8c: {  	s14 =	sshll.u32 s0, $0xA;
	s2 =	sadd.s32 s3, s2  }
0x8d: {  	s2 =	sadd.s32 s2, s14  }
0x8e: {  	[smem:$0x3FB5] =	sst s2  }
0x8f: {  	_ = 	snop  }
0x90: {  	s2 =	sld [smem:$0x3FD0];
	_ =	sdelay $0x2  }
0x91: {  	s15 =	simm.s32 $0xB;
	s4 =	simm.s32 $0x10  }
0x92: {  	[smem:s4], [sflag:s15] =	dma.local [hbm:s2], $0x1  }
0x93: {  	_ =	swait.eq [sflag:s15], $0x1  }
0x94: {  	[sflag:s15] =	ssyncset.done $0x0  }
0x95: {  	[sflag:s15] =	ssyncadd.s32 $0xFFFFFFFF  }
0x96: {  	s16 =	sld [smem:$0x11];
	(tm) =	ssettm $0x1  }
0x97: {  	s17 =	sld [smem:$0x3FFB];
	_ =	sdelay $0x3  }
0x98: {  	_ =	strace s17  }
0x99: {  	s3 =	sld [smem:$0x3FFC];
	_ =	sdelay $0x3  }
0x9a: {  	_ =	strace s3  }
0x9b: {  	s3 =	sld [smem:$0x3FFD];
	_ =	sdelay $0x3  }
0x9c: {  	_ =	strace s3  }
0x9d: {  	_ =	strace $0x8FFFFFFF  }
0x9e: {  	s18 =	sld [smem:$0x3FDB];
	_ =	sdelay $0x1  }
0x9f: {  	s19 =	simm.s32 $_scs_section_size  }
0xa0: {  	s5 =	simm.s32 $_size__tile_overlayer_lowered;
	s6 =	simm.s32 $_tile_overlayer_lowered  }
0xa1: {  	s22 =	simm.s32 $0x1BFF;
	s21 =	sshll.u32 s6, $0x1;
	s3 =	sadd.s32 s19, s18  }
0xa2: {  	s7 =	simm.s32 $0x0;
	s20 =	sshll.u32 s5, $0x1;
	s5 =	sadd.s32 s21, s3  }
0xa3: {  	[timem:s7], [sflag:s22] =	dma.local [hbm:s5], s20  }
0xa4: {  	_ =	swait.ge [sflag:s22], s20  }
0xa5: {  	s4 =	ssub.s32 $0x0, s20;
	[sflag:s22] =	ssyncset.done $0x0  }
0xa6: {  	[sflag:s22] =	ssyncadd.s32 s4;
	_ =	sdelay $0x1  }
0xa7: {  	s23 =	simm.s32 $0x1B8B  }
0xa8: {  	_ =	swait.ge [sflag:s23], $0x1  }
0xa9: {  	[sflag:s23] =	ssyncset.done $0x0  }
0xaa: {  	s25 =	simm.s32 $0x1B8E;
	s24 =	sld [smem:$0x3FFE];
	[sflag:s23] =	ssyncadd.s32 $0xFFFFFFFF  }
0xab: {  	s26 =	simm.s32 $execute0_lowered;
	[smem:$0x3FD2] =	sst s25  }
0xac: {  	s5 =	sshll.u32 s26, $0x1;
	_ =	strace $0x80000046;
	[dreg:$0x1] =	wrdreg $0xFFFFFFFF  }
0xad: {  	s28 =	simm.s32 $_size_execute0_lowered;
	s3 =	sadd.s32 s3, s5;
	[dreg:$0x0] =	wrdreg $0x0  }
0xae: {  	s5 =	sshll.u32 s28, $0x1;
	[dreg:$0x2] =	wrdreg s3  }
0xaf: {  	[dreg:$0x3] =	wrdreg s5  }
0xb0: {  	[dreg:$0x4] =	wrdreg $0xC0  }
0xb1: {  	_ =	task [dreg:s7], $0x5FFFF  }
0xb2: {  	[dreg:$0x1] =	wrdreg $0xFFFFFFFF  }
0xb3: {  	[dreg:$0x0] =	wrdreg $0x60  }
0xb4: {  	[dreg:$0x2] =	wrdreg s24  }
0xb5: {  	[dreg:$0x3] =	wrdreg s16  }
0xb6: {  	[dreg:$0x4] =	wrdreg $0x9  }
0xb7: {  	_ =	task.clear_ibuf [dreg:s7], $0x5FFFF;
	_ =	strace $0x90000046  }
0xb8: {  	s29 =	simm.s32 $0x9;
	_ =	strace $0x8000004F  }
0xb9: {  	_ =	swait.ge [sflag:s29], $0x1  }
0xba: {  	[sflag:s29] =	ssyncadd.s32 $0xFFFFFFFF  }
0xbb: {  	_ =	strace $0x9000004F  }
0xbc: {  	_ =	sfence  }
0xbd: {  	s30 =	sld [smem:$0x0];
	_ =	sdelay $0x2  }
0xbe: {  	s31 =	sshll.u32 s1, $0xD;
	s1 =	sshrl.u32 s1, $0x2  }
0xbf: {  	s3 =	sand.u32 $0x4000, s31;
	s1 =	sadd.s32 s1, s30  }
0xc0: {  	s0 =	sor.u32 s3, s0;
	s1 =	sshll.u32 s1, $0x11  }
0xc1: {  	s0 =	sor.u32 s1, s0  }
0xc2: {  	s0 =	sadd.s32 $0x8F2B, s0  }
0xc3: {  	[sflag:s0] =	ssyncadd.remote.s32 $0x1  }
0xc4: {  	_ =	sfence.sel $0xFFFF  }
0xc5: {  	[dreg:$0x0] =	wrdreg $0xFFFFFFFF;
	(pc) =	sbr.abs _section_cstart, $3  }
0xc6: {  	[dreg:$0x1] =	wrdreg $0xFFFFFFFF  }
0xc7: {  	_ =	task.clear_ibuf [dreg:s7], $0x2FFFF;
	_ =	strace $0x9FFFFFFF  }
0xc8: {  	(tm) =	ssettm $0x7FFFFFFF  }
0xc9: {  	_ =	shalt  }
tec
execute0_lowered:
.L_overlay_start_1:
0x0: {  	(tag) =	ssettag $0x1  }
0x1: {  	s4 =	rddreg [dreg:$0x0]  }
0x2: {  	s1 =	rddreg [dreg:$0x1]  }
0x3: {  	s0 =	rddreg [dreg:$0x2]  }
0x4: {  	s2 =	simm.s32 $0x0;
	s3 =	srdreg.scid;
	s31 =	simm.s32 $0x80  }
0x5: {  	s9 =	simm.s32 $0x0;
	[smem:$0x7FF] =	sst s2;
	s5 =	sand.u32 $0x1, s3  }
0x6: {  	s6 =	sadd.s32 $0x4200, s4;
	s3 =	stileid.u32;
	s4 =	sadd.s32 $0x35000, s4  }
0x7: {  	_ =	strace $0x80000047;
	s7 =	sshll.u32 s5, $0x4;
	s5 =	ssub.s32 $0x2, s5  }
0x8: {  	[dreg:$0x3] =	wrdreg s6;
	s29 =	sor.u32 s3, s7;
	s30 =	sshrl.u32 s5, $0x1  }
0x9: {  	[dreg:$0x5] =	wrdreg s4;
	s7 =	smul.u32 $0xC80, s29;
	s8 =	ssub.s32 s5, s30  }
0xa: {  	[dreg:$0x4] =	wrdreg s31;
	s4 =	smul.u32 $0xC8, s29;
	s6 =	smax.u32 s8, $0x1  }
0xb: {  	s8 =	simm.s32 $0x5;
	s5 =	sadd.s32 s1, s7;
	s7 =	simm.s32 $0x1  }
.LBB2_1:
0xc: {  	_ =	strace $0x80000048;
	s10 =	simm.s32 $0x1;
	p0 =	por $0x0, $0x0  }
0xd: {  	[tilespmem:s2], [sflag:$0x1] =	stream.linear.gather [hbm4b:s5+s2], $0x80, $0x200038;
	[tilespmem:$0x1100] =	vst v63  }
0xe: {  	s10 =	simm.s32 @p0 $0x0  }
0xf: {  	p4 =	por $0x1, $0x1;
	s19 =	sand.u32 $0x1, s2;
	p1 =	sne.s32 s10, $0x0  }
0x10: {  	p2 =	por $0x1, $0x1;
	s17 =	simm.s32 $0xC6;
	p0 =	por !p4, !p1  }
0x11: {  	s15 =	simm.s32 $0x0;
	p5 =	por $0x0, $0x0;
	p0 =	por !p0, !p0  }
0x12: {  	s22 =	sadd.s32 $0x0, s4;
	s30 =	sadd.s32 $0x1, s19;
	s11 =	sadd.s32 @p0 s4, s10  }
0x13: {  	_ =	strace $0x90000048;
	s12 =	sand.u32 @p0 $0x1, s7;
	s11 =	sshll.u32 @p0 s11, $0x4  }
0x14: {  	_ =	strace @p0 $0x80000049;
	s14 =	simm.s32 @p0 $0x0;
	s11 =	sand.u32 @p0 $0x1FFFFFF0, s11  }
0x15: {  	s13 =	sshll.u32 @p0 s12, $0x7;
	s12 =	sadd.s32 @p0 $0x1, s12;
	s11 =	sadd.s32 @p0 s1, s11  }
0x16: {  	[tilespmem:s13], [sflag:s12] =	stream.linear.gather @p0 [hbm4b:s11+s14], $0x80, $0x200038;
	[tilespmem:$0x1100] =	vst v63  }
0x17: {  	p3 =	por p2, p2;
	s20 =	sshll.u32 s19, $0xB;
	_ =	strace @p0 $0x90000049  }
0x18: {  	s15 =	sand.u32 $0x80, s15;
	p2 =	por p5, p5;
	_ =	strace $0x8000004A  }
0x19: {  	s16 =	sadd.s32 $0x1, s10;
	s21 =	sor.u32 $0x100, s20;
	_ =	swait.ge [sflag:s30], $0x80  }
0x1a: {  	s20 =	simm.s32 $0x1;
	p6 =	por p1, p1;
	[sflag:s30] =	ssyncset.done $0x0  }
0x1b: {  	p1 =	por p3, p3;
	p4 =	por $0x1, $0x1;
	[sflag:s30] =	ssyncadd.s32 $0xFFFFFF80  }
0x1c: {  	s11 =	simm.s32 $0xC7;
	s14 =	sand.u32 @!p3 $0x1, s2;
	_ =	strace $0x9000004A  }
0x1d: {  	s12 =	simm.s32 $0x1;
	p3 =	seq.s32 s16, $0xC8;
	_ =	strace $0x8000004B  }
0x1e: {  	s12 =	simm.s32 @!p0 $0x0;
	s16 =	simm.s32 @p3 $0x0;
	s18 =	rddreg [dreg:$0x4]  }
0x1f: {  	p0 =	por $0x0, $0x0;
	s13 =	sadd.s32 $0x1, s12;
	s31 =	rddreg [dreg:$0x3]  }
0x20: {  	[tilespmem:s21], [sflag:$0x5] =	stream.indirect.gather [hbm4b:s31+s18], $0x10, s15, s18, $0x2000b8;
	[tilespmem:$0x1100] =	vst v63  }
0x21: {  	p3 =	sne.s32 s10, s16;
	s20 =	simm.s32 @!p0 $0x0;
	_ =	swait.ge [sflag:s8], $0x800  }
0x22: {  	p5 =	por !p4, !p3;
	p4 =	por $0x0, $0x0;
	[sflag:s8] =	ssyncset.done $0x0  }
0x23: {  	s12 =	simm.s32 $0x0;
	p6 =	por p4, p6;
	[sflag:s8] =	ssyncadd.s32 $0xFFFFF800  }
0x24: {  	s15 =	simm.s32 $0x0;
	s18 =	simm.s32 $0x0;
	_ =	strace $0x9000004B  }
.LBB2_2:
0x25: {  	_ =	strace @p6 $0x8000004C;
	s30 =	smov.u32 s11  }
0x26: {  	s11 =	smov.u32 s17;
	s17 =	sadd.s32 $0xFFFFFFFF, s17;
	p0 =	por p3, p3  }
0x27: {  	s26 =	sshll.u32 @p6 s22, $0x8;
	s19 =	sadd.s32 @p6 $0x3, s19;
	s23 =	simm.s32 @!p0 $0x0  }
0x28: {  	s24 =	rddreg [dreg:$0x5];
	s26 =	sand.u32 @p6 $0xFFFFF00, s26;
	s23 =	simm.s32 @p0 $0x1  }
0x29: {  	s24 =	sadd.s32 @p6 s24, s26;
	s26 =	simm.s32 @p6 $0x0;
	p0 =	sne.s32 s17, $0x0  }
0x2a: {  	[hbm4b:s24+s26] =	stream.linear.scatter @p6 [tilespmem:s21], [sflag:s19], $0x800, $0x200038;
	[tilespmem:$0x1100] =	vst v63  }
0x2b: {  	s12 =	sadd.s32 s20, s12;
	s19 =	sadd.s32 @!p1 $0x3, s14;
	s14 =	simm.s32 @!p0 $0x0  }
0x2c: {  	s25 =	simm.s32 $0x1;
	[smem:$0x7FC] =	sst s23;
	s14 =	simm.s32 @p0 $0x1  }
0x2d: {  	s25 =	simm.s32 @!p6 $0x0;
	_ =	strace @p6 $0x9000004C;
	[smem:$0x7FD] =	sst s14  }
0x2e: {  	p5 =	por !p5, !p5;
	s18 =	sadd.s32 s25, s18;
	_ =	strace @!p1 $0x8000004D  }
0x2f: {  	s23 =	sand.u32 @!p2 $0x1, s12;
	s21 =	sand.u32 @p5 $0x1, s13;
	_ =	swait.ge @!p1 [sflag:s19], $0x800  }
0x30: {  	s14 =	smov.u32 s23;
	s23 =	sadd.s32 @p5 s4, s16;
	[sflag:s19] =	ssyncset.done @!p1 $0x0  }
0x31: {  	s24 =	sshll.u32 @p5 s21, $0x7;
	s23 =	sshll.u32 @p5 s23, $0x4;
	[sflag:s19] =	ssyncadd.s32 @!p1 $0xFFFFF800  }
0x32: {  	s19 =	sadd.s32 @p5 $0x1, s21;
	s21 =	sand.u32 @p5 $0x1FFFFFF0, s23;
	_ =	strace @!p1 $0x9000004D  }
0x33: {  	s23 =	simm.s32 @p5 $0x0;
	s21 =	sadd.s32 @p5 s1, s21;
	_ =	strace @p5 $0x80000049  }
0x34: {  	[tilespmem:s24], [sflag:s19] =	stream.linear.gather @p5 [hbm4b:s21+s23], $0x80, $0x200038;
	[tilespmem:$0x1100] =	vst v63  }
0x35: {  	s15 =	sadd.s32 s25, s15;
	s25 =	sand.u32 $0x1, s18;
	_ =	strace @p5 $0x90000049  }
0x36: {  	s23 =	sadd.s32 $0x1, s25;
	_ =	strace $0x8000004A  }
0x37: {  	_ =	swait.ge [sflag:s23], $0x80  }
0x38: {  	[sflag:s23] =	ssyncset.done $0x0  }
0x39: {  	s19 =	simm.s32 $0x1;
	[sflag:s23] =	ssyncadd.s32 $0xFFFFFF80  }
0x3a: {  	s19 =	simm.s32 @!p5 $0x0;
	_ =	strace $0x9000004A  }
0x3b: {  	s13 =	sadd.s32 s19, s13;
	s19 =	sand.u32 $0x1, s15;
	_ =	strace $0x8000004B  }
0x3c: {  	s31 =	sshll.u32 s18, $0x7;
	s24 =	sshll.u32 s19, $0xB;
	s25 =	rddreg [dreg:$0x4]  }
0x3d: {  	s29 =	sand.u32 $0x80, s31;
	s21 =	sor.u32 $0x100, s24;
	s26 =	rddreg [dreg:$0x3]  }
0x3e: {  	[tilespmem:s21], [sflag:$0x5] =	stream.indirect.gather [hbm4b:s26+s25], $0x10, s29, s25, $0x2000b8;
	[tilespmem:$0x1100] =	vst v63  }
0x3f: {  	_ =	swait.ge [sflag:s8], $0x800  }
0x40: {  	[sflag:s8] =	ssyncset.done $0x0  }
0x41: {  	s28 =	sadd.s32 $0x1, s16;
	[sflag:s8] =	ssyncadd.s32 $0xFFFFF800  }
0x42: {  	s22 =	sadd.s32 s4, s10;
	s10 =	smov.u32 s16;
	_ =	strace $0x9000004B  }
0x43: {  	p3 =	seq.s32 s28, $0xC8;
	s16 =	smov.u32 s28;
	s31 =	sld [smem:$0x7FD]  }
0x44: {  	s20 =	simm.s32 $0x1;
	s16 =	simm.s32 @p3 $0x0  }
0x45: {  	p6 =	sne.s32 s11, $0x1;
	p0 =	sne.s32 s30, $0xC8;
	p3 =	sne.s32 s10, s16  }
0x46: {  	s20 =	simm.s32 @!p0 $0x0;
	p5 =	por !p6, !p3;
	p0 =	seq.s32 s31, $0x1  }
.Ltmp0:
0x47: {  	p6 =	seq.s32 s30, $0x1;
	s30 =	sld [smem:$0x7FC];
	(pc) =	sbr.rel @p0 .LBB2_2-.Ltmp0, $4  }
0x48: {  	_ = 	snop  }
0x49: {  	p4 =	seq.s32 s11, $0xC8  }
0x4a: {  	p1 =	por p2, p2;
	p2 =	por p4, p4;
	p4 =	seq.s32 s30, $0x1  }
0x4b: {  	p6 =	por p6, p4  }
0x4c: {  	_ =	strace @p6 $0x8000004C;
	s22 =	sshll.u32 @p6 s22, $0x8  }
0x4d: {  	s17 =	rddreg [dreg:$0x5];
	s22 =	sand.u32 @p6 $0xFFFFF00, s22  }
0x4e: {  	s19 =	sadd.s32 @p6 $0x3, s19;
	s17 =	sadd.s32 @p6 s17, s22;
	s22 =	simm.s32 @p6 $0x0  }
0x4f: {  	[hbm4b:s17+s22] =	stream.linear.scatter @p6 [tilespmem:s21], [sflag:s19], $0x800, $0x200038;
	[tilespmem:$0x1100] =	vst v63  }
0x50: {  	p0 =	por !p5, !p5;
	_ =	strace @p6 $0x9000004C  }
0x51: {  	s14 =	sadd.s32 @!p1 $0x3, s14;
	s16 =	sadd.s32 @p0 s4, s16;
	_ =	strace @!p1 $0x8000004D  }
0x52: {  	s13 =	sand.u32 @p0 $0x1, s13;
	s16 =	sshll.u32 @p0 s16, $0x4;
	_ =	swait.ge @!p1 [sflag:s14], $0x800  }
0x53: {  	s17 =	simm.s32 $0x1;
	s19 =	sshll.u32 @p0 s13, $0x7;
	[sflag:s14] =	ssyncset.done @!p1 $0x0  }
0x54: {  	s13 =	sadd.s32 @p0 $0x1, s13;
	s17 =	simm.s32 @!p6 $0x0;
	[sflag:s14] =	ssyncadd.s32 @!p1 $0xFFFFF800  }
0x55: {  	s18 =	sadd.s32 s17, s18;
	s14 =	sand.u32 @p0 $0x1FFFFFF0, s16;
	_ =	strace @!p1 $0x9000004D  }
0x56: {  	s16 =	simm.s32 @p0 $0x0;
	s14 =	sadd.s32 @p0 s1, s14;
	_ =	strace @p0 $0x80000049  }
0x57: {  	[tilespmem:s19], [sflag:s13] =	stream.linear.gather @p0 [hbm4b:s14+s16], $0x80, $0x200038;
	[tilespmem:$0x1100] =	vst v63  }
0x58: {  	s24 =	sand.u32 $0x1, s18;
	_ =	strace @p0 $0x90000049  }
0x59: {  	s13 =	sadd.s32 $0x1, s24;
	_ =	strace $0x8000004A  }
0x5a: {  	_ =	swait.ge [sflag:s13], $0x80  }
0x5b: {  	[sflag:s13] =	ssyncset.done $0x0  }
0x5c: {  	[sflag:s13] =	ssyncadd.s32 $0xFFFFFF80  }
0x5d: {  	s25 =	sadd.s32 s17, s15;
	_ =	strace $0x9000004A  }
0x5e: {  	s13 =	sand.u32 $0x1, s25;
	_ =	strace $0x8000004B  }
0x5f: {  	s29 =	sshll.u32 s18, $0x7;
	s30 =	sshll.u32 s13, $0xB;
	s26 =	rddreg [dreg:$0x4]  }
0x60: {  	s16 =	sand.u32 $0x80, s29;
	s17 =	sor.u32 $0x100, s30;
	s28 =	rddreg [dreg:$0x3]  }
0x61: {  	[tilespmem:s17], [sflag:$0x5] =	stream.indirect.gather [hbm4b:s28+s26], $0x10, s16, s26, $0x2000b8;
	[tilespmem:$0x1100] =	vst v63  }
0x62: {  	_ =	swait.ge [sflag:s8], $0x800  }
0x63: {  	[sflag:s8] =	ssyncset.done $0x0  }
0x64: {  	p5 =	por p3, p3;
	p6 =	seq.s32 s11, $0x1;
	[sflag:s8] =	ssyncadd.s32 $0xFFFFF800  }
0x65: {  	s10 =	sadd.s32 s4, s10;
	p0 =	por p6, p5;
	_ =	strace $0x9000004B  }
0x66: {  	s10 =	sshll.u32 @p0 s10, $0x8;
	_ =	strace @p0 $0x8000004C  }
0x67: {  	s12 =	sadd.s32 s20, s12;
	s10 =	sand.u32 @p0 $0xFFFFF00, s10;
	s14 =	rddreg [dreg:$0x5]  }
0x68: {  	s13 =	sadd.s32 @p0 $0x3, s13;
	s10 =	sadd.s32 @p0 s14, s10;
	s14 =	simm.s32 @p0 $0x0  }
0x69: {  	[hbm4b:s10+s14] =	stream.linear.scatter @p0 [tilespmem:s17], [sflag:s13], $0x800, $0x200038;
	[tilespmem:$0x1100] =	vst v63  }
0x6a: {  	p1 =	por p2, p2;
	s10 =	sand.u32 @!p2 $0x1, s12;
	_ =	strace @p0 $0x9000004C  }
0x6b: {  	s10 =	sadd.s32 @!p1 $0x3, s10;
	_ =	strace @!p1 $0x8000004D  }
0x6c: {  	p0 =	sne.s32 s11, $0xC8;
	s11 =	simm.s32 $0x1;
	_ =	swait.ge @!p1 [sflag:s10], $0x800  }
0x6d: {  	s11 =	simm.s32 @!p0 $0x0;
	[sflag:s10] =	ssyncset.done @!p1 $0x0  }
0x6e: {  	s9 =	sadd.s32 $0x1, s9;
	s11 =	sadd.s32 s11, s12;
	[sflag:s10] =	ssyncadd.s32 @!p1 $0xFFFFF800  }
0x6f: {  	p0 =	sne.s32 s9, s6;
	s31 =	sand.u32 $0x1, s11;
	_ =	strace @!p1 $0x9000004D  }
.Ltmp1:
0x70: {  	s10 =	sadd.s32 $0x3, s31;
	_ =	strace $0x8000004E;
	(pc) =	sbr.rel @p0 .LBB2_1-.Ltmp1, $4  }
0x71: {  	_ =	swait.ge [sflag:s10], $0x800  }
0x72: {  	[sflag:s10] =	ssyncset.done $0x0  }
0x73: {  	[sflag:s10] =	ssyncadd.s32 $0xFFFFF800  }
0x74: {  	_ =	strace $0x9000004E  }
0x75: {  	_ =	sfence.sel $0x180000  }
0x76: {  	[bflag:$0x0] =	sbarrier.arrive $0xFFFF  }
0x77: {  	p0 =	sne.s32 s3, $0x0;
	_ =	strace $0x90000047  }
0x78: {  	s0 =	sadd.s32 @!p0 $0x100000, s0;
	[bflag:$0x2] =	sbarrier.arrive $0xFFFF  }
0x79: {  	[sflag:s0] =	ssyncadd.tile.s32 @!p0 $0x1;
	_ =	shalt  }
.Lfunc_end2:
_tile_overlayer_lowered:
.L_overlay_start_2:
0x7a: {  	(tag) =	ssettag $0x2  }
0x7b: {  	s0 =	rddreg [dreg:$0x0];
	s2 =	stileid.u32  }
0x7c: {  	s1 =	rddreg [dreg:$0x1];
	p0 =	sne.s32 s2, $0x0  }
0x7d: {  	s3 =	rddreg [dreg:$0x2];
	[bflag:$0x3] =	sbarrier.arrive $0xFFFF;
	s2 =	simm.s32 @!p0 $0x1C01  }
0x7e: {  	[timem:s3], [sflag:s2] =	dma.local @!p0 [hbm:s0], s1  }
0x7f: {  	s0 =	simm.s32 @!p0 $0x1  }
0x80: {  	_ =	swait.ge @!p0 [sflag:s0], s1  }
0x81: {  	s1 =	ssub.s32 @!p0 $0x0, s1;
	[sflag:s0] =	ssyncset.done @!p0 $0x0  }
0x82: {  	[sflag:s0] =	ssyncadd.s32 @!p0 s1  }
0x83: {  	[bflag:$0x3] =	sbarrier.arrive $0xFFFF  }
0x84: {  	_ =	shalt  }

// kernel: kernel.9.cloned.1.call-start
scs
__scs_entry_jumppad:
0x0: {  	(pc) =	sbr.rel $0x88, $3  }
0x1: {  	(tag) =	ssettag $0x0;
	lr =	simm.s32 $0x1  }
0x2: {  	[smem:$0x3F8E] =	sst lr;
	_ =	strace $0xD0000000  }
0x3: {  	_ = 	snop  }
0x4: {  	_ = 	snop  }
0x5: {  	_ = 	snop  }
0x6: {  	_ = 	snop  }
0x7: {  	_ = 	snop  }
__scs_overlays_trampoline_lowered:
0x8: {  	[smem:$0x3F9D] =	sst s0  }
0x9: {  	[smem:$0x3F9E] =	sst s1  }
0xa: {  	[smem:$0x3F9F] =	sst s2  }
0xb: {  	[smem:$0x3FA0] =	sst s3  }
0xc: {  	[smem:$0x3FA1] =	sst s4  }
0xd: {  	[smem:$0x3FA2] =	sst s5  }
0xe: {  	[smem:$0x3FA3] =	sst s6  }
0xf: {  	[smem:$0x3FA4] =	sst s7  }
0x10: {  	[smem:$0x3FA5] =	sst s8  }
0x11: {  	[smem:$0x3FA6] =	sst s9;
	s0 =	simm.s32 @!p0 $0x0  }
0x12: {  	s1 =	sld [smem:$0x3F8C];
	s0 =	simm.s32 @p0 $0x1  }
0x13: {  	[smem:$0x3FA7] =	sst s0;
	s0 =	simm.s32 @!p1 $0x0  }
0x14: {  	s2 =	sld [smem:$0x3F8B];
	s0 =	simm.s32 @p1 $0x1  }
0x15: {  	[smem:$0x3FA8] =	sst s0;
	s0 =	simm.s32 @!p2 $0x0  }
0x16: {  	s3 =	sld [smem:$0x3FDB];
	s0 =	simm.s32 @p2 $0x1  }
0x17: {  	s4 =	simm.s32 $0x1BF5;
	[smem:$0x3FAA] =	sst s0  }
0x18: {  	s0 =	sld [smem:$0x3F8D];
	_ =	swait.ge [sflag:s4], $0x0  }
0x19: {  	s7 =	sld [smem:$0x3F8E]  }
0x1a: {  	s8 =	sadd.s32 $0xFFFFE003, lr  }
0x1b: {  	s9 =	sadd.s32 $0xFFFFFEF7, lr;
	s5 =	simm.s32 $0xFFFFFFFF;
	p2 =	slt.u32 s8, $0xFFFFF086  }
0x1c: {  	p1 =	slt.u32 s9, $0xF7A;
	s5 =	simm.s32 @!p2 $0x0  }
0x1d: {  	s5 =	simm.s32 @p1 $0x1;
	p0 =	seq.s32 s7, s2  }
0x1e: {  	s7 =	smul.u32 @!p0 $0xF7A, s2;
	p2 =	seq.s32 @!p0 s5, $0x0  }
0x1f: {  	s9 =	smul.u32 $0xF7A, s1;
	s8 =	simm.s32 @!p0 $0x1BF5;
	p2 =	por !p2, p0  }
0x20: {  	[sflag:s8] =	ssyncset.s32 @!p0 $0xFFFFF086;
	s6 =	sadd.s32 @!p0 s3, s7;
	s7 =	simm.s32 @!p0 $0x108  }
0x21: {  	s3 =	sadd.s32 s3, s9;
	s6 =	sadd.s32 @!p0 $0x88, s6;
	s7 =	simm.s32 @p2 $0x1082  }
0x22: {  	[simem:s7], [sflag:s8] =	dma.local @!p0 [hbm:s6], $0xF7A  }
0x23: {  	s9 =	sor.u32 $0xD0000000, s2;
	s6 =	simm.s32 $0x108;
	_ =	swait.ge @!p0 [sflag:s8], $0x0  }
0x24: {  	s3 =	sadd.s32 $0x88, s3;
	s6 =	simm.s32 @!p1 $0x1082;
	[sflag:s4] =	ssyncset.s32 $0xFFFFF086  }
0x25: {  	[simem:s6], [sflag:s4] =	dma.local [hbm:s3], $0xF7A  }
0x26: {  	[smem:$0x3F8E] =	sst s1;
	(tag) =	ssettag s2;
	_ =	strace s9  }
0x27: {  	s1 =	sld [smem:$0x3F9E]  }
0x28: {  	s2 =	sld [smem:$0x3F9F]  }
0x29: {  	s4 =	sld [smem:$0x3FA1]  }
0x2a: {  	p0 =	seq.s32 s5, $0x0;
	s5 =	sld [smem:$0x3FA2]  }
0x2b: {  	s6 =	sld [smem:$0x3FA3]  }
0x2c: {  	s7 =	sld [smem:$0x3FA4]  }
0x2d: {  	s3 =	simm.s32 $0x108;
	s8 =	sld [smem:$0x3FA5]  }
0x2e: {  	s3 =	simm.s32 @!p0 $0x1082;
	s9 =	sld [smem:$0x3FA6]  }
0x2f: {  	lr =	sadd.s32 s0, s3;
	s0 =	sld [smem:$0x3F9D]  }
0x30: {  	s3 =	sld [smem:$0x3FA0]  }
0x31: {  	[smem:$0x3FA9] =	sst s10  }
0x32: {  	s10 =	sld [smem:$0x3FA7];
	_ =	sdelay $0x3  }
0x33: {  	p0 =	seq.s32 s10, $0x1;
	s10 =	sld [smem:$0x3FA9];
	_ =	sdelay $0x3  }
0x34: {  	[smem:$0x3FA9] =	sst s10  }
0x35: {  	s10 =	sld [smem:$0x3FA8];
	_ =	sdelay $0x3  }
0x36: {  	p1 =	seq.s32 s10, $0x1;
	s10 =	sld [smem:$0x3FA9];
	_ =	sdelay $0x3  }
0x37: {  	[smem:$0x3FA9] =	sst s10  }
0x38: {  	s10 =	sld [smem:$0x3FAA]  }
0x39: {  	_ = 	snop;
	(pc) =	sbr.ind lr, $3  }
0x3a: {  	_ = 	snop  }
0x3b: {  	_ = 	snop  }
0x3c: {  	p2 =	seq.s32 s10, $0x1;
	s10 =	sld [smem:$0x3FA9]  }
0x3d: {  	_ =	shalt  }
0x3e: {  	_ =	shalt  }
0x3f: {  	_ =	shalt  }
0x40: {  	_ =	shalt  }
0x41: {  	_ =	shalt  }
0x42: {  	_ =	shalt  }
0x43: {  	_ =	shalt  }
0x44: {  	_ =	shalt  }
0x45: {  	_ =	shalt  }
0x46: {  	_ =	shalt  }
0x47: {  	_ =	shalt  }
0x48: {  	_ =	shalt  }
0x49: {  	_ =	shalt  }
0x4a: {  	_ =	shalt  }
0x4b: {  	_ =	shalt  }
0x4c: {  	_ =	shalt  }
0x4d: {  	_ =	shalt  }
0x4e: {  	_ =	shalt  }
0x4f: {  	_ =	shalt  }
0x50: {  	_ =	shalt  }
0x51: {  	_ =	shalt  }
0x52: {  	_ =	shalt  }
0x53: {  	_ =	shalt  }
0x54: {  	_ =	shalt  }
0x55: {  	_ =	shalt  }
0x56: {  	_ =	shalt  }
0x57: {  	_ =	shalt  }
0x58: {  	_ =	shalt  }
0x59: {  	_ =	shalt  }
0x5a: {  	_ =	shalt  }
0x5b: {  	_ =	shalt  }
0x5c: {  	_ =	shalt  }
0x5d: {  	_ =	shalt  }
0x5e: {  	_ =	shalt  }
0x5f: {  	_ =	shalt  }
0x60: {  	_ =	shalt  }
0x61: {  	_ =	shalt  }
0x62: {  	_ =	shalt  }
0x63: {  	_ =	shalt  }
0x64: {  	_ =	shalt  }
0x65: {  	_ =	shalt  }
0x66: {  	_ =	shalt  }
0x67: {  	_ =	shalt  }
0x68: {  	_ =	shalt  }
0x69: {  	_ =	shalt  }
0x6a: {  	_ =	shalt  }
0x6b: {  	_ =	shalt  }
0x6c: {  	_ =	shalt  }
0x6d: {  	_ =	shalt  }
0x6e: {  	_ =	shalt  }
0x6f: {  	_ =	shalt  }
0x70: {  	_ =	shalt  }
0x71: {  	_ =	shalt  }
0x72: {  	_ =	shalt  }
0x73: {  	_ =	shalt  }
0x74: {  	_ =	shalt  }
0x75: {  	_ =	shalt  }
0x76: {  	_ =	shalt  }
0x77: {  	_ =	shalt  }
0x78: {  	_ =	shalt  }
0x79: {  	_ =	shalt  }
0x7a: {  	_ =	shalt  }
0x7b: {  	_ =	shalt  }
0x7c: {  	_ =	shalt  }
0x7d: {  	_ =	shalt  }
0x7e: {  	_ =	shalt  }
0x7f: {  	_ =	shalt  }
0x80: {  	_ =	shalt  }
0x81: {  	_ =	shalt  }
0x82: {  	_ =	shalt  }
0x83: {  	_ =	shalt  }
0x84: {  	_ =	shalt  }
0x85: {  	_ =	shalt  }
0x86: {  	_ =	shalt  }
0x87: {  	_ =	shalt  }
.Lfunc_end0:
.L_simem_size_0:
called_computation.1_lowered:
.L_overlay_start_0:
0x88: {  	s2 =	sld [smem:$0x3FD9]  }
0x89: {  	s3 =	sld [smem:$0x3FFE];
	_ =	sdelay $0x1  }
0x8a: {  	s1 =	srdreg.scid  }
0x8b: {  	s0 =	sand.u32 $0x1, s1  }
0x8c: {  	s15 =	sshll.u32 s0, $0xA;
	s2 =	sadd.s32 s3, s2  }
0x8d: {  	s2 =	sadd.s32 s2, s15  }
0x8e: {  	[smem:$0x3FB5] =	sst s2  }
0x8f: {  	_ = 	snop  }
0x90: {  	s2 =	sld [smem:$0x3FD0];
	_ =	sdelay $0x2  }
0x91: {  	s16 =	simm.s32 $0xB;
	s4 =	simm.s32 $0x10  }
0x92: {  	[smem:s4], [sflag:s16] =	dma.local [hbm:s2], $0x1  }
0x93: {  	_ =	swait.eq [sflag:s16], $0x1  }
0x94: {  	[sflag:s16] =	ssyncset.done $0x0  }
0x95: {  	[sflag:s16] =	ssyncadd.s32 $0xFFFFFFFF  }
0x96: {  	s17 =	sld [smem:$0x11];
	(tm) =	ssettm $0x1  }
0x97: {  	s18 =	sld [smem:$0x3FFB];
	_ =	sdelay $0x3  }
0x98: {  	_ =	strace s18  }
0x99: {  	s2 =	sld [smem:$0x3FFC];
	_ =	sdelay $0x3  }
0x9a: {  	_ =	strace s2  }
0x9b: {  	s2 =	sld [smem:$0x3FFD];
	_ =	sdelay $0x3  }
0x9c: {  	_ =	strace s2  }
0x9d: {  	_ =	strace $0x8FFFFFFF  }
0x9e: {  	s19 =	sld [smem:$0x3FDB];
	_ =	sdelay $0x1  }
0x9f: {  	s20 =	simm.s32 $_scs_section_size  }
0xa0: {  	s5 =	simm.s32 $_size__tile_overlayer_lowered;
	s6 =	simm.s32 $_tile_overlayer_lowered  }
0xa1: {  	s7 =	simm.s32 $0x1BFF;
	s21 =	sshll.u32 s6, $0x1;
	s4 =	sadd.s32 s20, s19  }
0xa2: {  	s22 =	simm.s32 $0x0;
	s5 =	sshll.u32 s5, $0x1;
	s6 =	sadd.s32 s21, s4  }
0xa3: {  	[timem:s22], [sflag:s7] =	dma.local [hbm:s6], s5  }
0xa4: {  	_ =	swait.ge [sflag:s7], s5  }
0xa5: {  	s5 =	ssub.s32 $0x0, s5;
	[sflag:s7] =	ssyncset.done $0x0  }
0xa6: {  	[sflag:s7] =	ssyncadd.s32 s5;
	_ =	sdelay $0x1  }
0xa7: {  	s23 =	simm.s32 $0x1B8B  }
0xa8: {  	_ =	swait.ge [sflag:s23], $0x1  }
0xa9: {  	[sflag:s23] =	ssyncset.done $0x0  }
0xaa: {  	[sflag:s23] =	ssyncadd.s32 $0xFFFFFFFF  }
0xab: {  	s5 =	sld [smem:$0x0]  }
0xac: {  	s6 =	sand.u32 $0xFFFFFFFE, s1  }
0xad: {  	p0 =	sne.s32 s1, s6  }
0xae: {  	s6 =	sshll.u32 @p0 s6, $0xE  }
0xaf: {  	s6 =	sadd.s32 @p0 $0x11B8D, s6;
	s7 =	sshll.u32 @p0 s5, $0x11  }
0xb0: {  	s6 =	sor.u32 @p0 s7, s6  }
0xb1: {  	[sflag:s6] =	ssyncadd.remote.s32 @p0 $0x1;
	_ =	sdelay $0x1  }
0xb2: {  	s6 =	simm.s32 @p0 $0x1B8D  }
0xb3: {  	_ =	swait.eq @p0 [sflag:s6], $0x1  }
0xb4: {  	[sflag:s6] =	ssyncadd.s32 @p0 $0xFFFFFFFF  }
0xb5: {  	s7 =	sshll.u32 @!p0 s1, $0xE  }
0xb6: {  	s7 =	sor.u32 @!p0 $0x4000, s7;
	s6 =	simm.s32 @!p0 $0x1B8D  }
0xb7: {  	s5 =	sshll.u32 @!p0 s5, $0x11;
	s7 =	sadd.s32 @!p0 $0x11B8D, s7;
	_ =	swait.eq @!p0 [sflag:s6], $0x1  }
0xb8: {  	s5 =	sor.u32 @!p0 s5, s7;
	[sflag:s6] =	ssyncadd.s32 @!p0 $0xFFFFFFFF  }
0xb9: {  	s25 =	simm.s32 $0x1B8E;
	s24 =	sld [smem:$0x3FFE];
	[sflag:s5] =	ssyncadd.remote.s32 @!p0 $0x1  }
0xba: {  	s26 =	simm.s32 $execute0_lowered;
	[smem:$0x3FD2] =	sst s25  }
0xbb: {  	s6 =	sshll.u32 s26, $0x1;
	_ =	strace $0x80000050;
	[dreg:$0x1] =	wrdreg $0xFFFFFFFF  }
0xbc: {  	s28 =	simm.s32 $_size_execute0_lowered;
	s4 =	sadd.s32 s4, s6;
	[dreg:$0x0] =	wrdreg $0x0  }
0xbd: {  	s6 =	sshll.u32 s28, $0x1;
	[dreg:$0x2] =	wrdreg s4  }
0xbe: {  	[dreg:$0x3] =	wrdreg s6  }
0xbf: {  	[dreg:$0x4] =	wrdreg $0xC0  }
0xc0: {  	_ =	task [dreg:s22], $0x5FFFF  }
0xc1: {  	[dreg:$0x1] =	wrdreg $0xFFFFFFFF  }
0xc2: {  	[dreg:$0x0] =	wrdreg $0x60  }
0xc3: {  	[dreg:$0x2] =	wrdreg s24  }
0xc4: {  	[dreg:$0x3] =	wrdreg s17  }
0xc5: {  	[dreg:$0x4] =	wrdreg $0xA  }
0xc6: {  	_ =	task.clear_ibuf [dreg:s22], $0x5FFFF;
	_ =	strace $0x90000050  }
0xc7: {  	s29 =	simm.s32 $0xA;
	_ =	strace $0x80000059  }
0xc8: {  	_ =	swait.ge [sflag:s29], $0x1  }
0xc9: {  	[sflag:s29] =	ssyncadd.s32 $0xFFFFFFFF  }
0xca: {  	_ =	strace $0x90000059  }
0xcb: {  	_ =	sfence  }
0xcc: {  	s30 =	sld [smem:$0x0];
	_ =	sdelay $0x2  }
0xcd: {  	s31 =	sshll.u32 s1, $0xD;
	s1 =	sshrl.u32 s1, $0x2  }
0xce: {  	s4 =	sand.u32 $0x4000, s31;
	s1 =	sadd.s32 s1, s30  }
0xcf: {  	s0 =	sor.u32 s4, s0;
	s1 =	sshll.u32 s1, $0x11  }
0xd0: {  	s0 =	sor.u32 s1, s0  }
0xd1: {  	s0 =	sadd.s32 $0x8F2B, s0  }
0xd2: {  	[sflag:s0] =	ssyncadd.remote.s32 $0x1  }
0xd3: {  	_ =	sfence.sel $0xFFFF  }
0xd4: {  	[dreg:$0x0] =	wrdreg $0xFFFFFFFF;
	(pc) =	sbr.abs _section_cstart, $3  }
0xd5: {  	[dreg:$0x1] =	wrdreg $0xFFFFFFFF  }
0xd6: {  	_ =	task.clear_ibuf [dreg:s22], $0x2FFFF;
	_ =	strace $0x9FFFFFFF  }
0xd7: {  	(tm) =	ssettm $0x7FFFFFFF  }
tec
execute0_lowered:
.L_overlay_start_1:
0x0: {  	(tag) =	ssettag $0x1  }
0x1: {  	s4 =	rddreg [dreg:$0x0]  }
0x2: {  	s1 =	rddreg [dreg:$0x1]  }
0x3: {  	s0 =	rddreg [dreg:$0x2]  }
0x4: {  	s2 =	simm.s32 $0x0;
	s3 =	srdreg.scid;
	s31 =	simm.s32 $0x80  }
0x5: {  	s9 =	simm.s32 $0x0;
	[smem:$0x7FF] =	sst s2;
	s5 =	sand.u32 $0x1, s3  }
0x6: {  	s6 =	sadd.s32 $0x1C5000, s4;
	s3 =	stileid.u32;
	s4 =	sadd.s32 $0x1F5E00, s4  }
0x7: {  	_ =	strace $0x80000051;
	s7 =	sshll.u32 s5, $0x4;
	s5 =	ssub.s32 $0x2, s5  }
0x8: {  	[dreg:$0x3] =	wrdreg s6;
	s29 =	sor.u32 s3, s7;
	s30 =	sshrl.u32 s5, $0x1  }
0x9: {  	[dreg:$0x5] =	wrdreg s4;
	s7 =	smul.u32 $0xC80, s29;
	s8 =	ssub.s32 s5, s30  }
0xa: {  	[dreg:$0x4] =	wrdreg s31;
	s4 =	smul.u32 $0xC8, s29;
	s6 =	smax.u32 s8, $0x1  }
0xb: {  	s8 =	simm.s32 $0x5;
	s5 =	sadd.s32 s1, s7;
	s7 =	simm.s32 $0x1  }
.LBB2_1:
0xc: {  	_ =	strace $0x80000052;
	s10 =	simm.s32 $0x1;
	p0 =	por $0x0, $0x0  }
0xd: {  	[tilespmem:s2], [sflag:$0x1] =	stream.linear.gather [hbm4b:s5+s2], $0x80, $0x200038;
	[tilespmem:$0x1100] =	vst v63  }
0xe: {  	s10 =	simm.s32 @p0 $0x0  }
0xf: {  	p4 =	por $0x1, $0x1;
	s19 =	sand.u32 $0x1, s2;
	p1 =	sne.s32 s10, $0x0  }
0x10: {  	p2 =	por $0x1, $0x1;
	s17 =	simm.s32 $0xC6;
	p0 =	por !p4, !p1  }
0x11: {  	s15 =	simm.s32 $0x0;
	p5 =	por $0x0, $0x0;
	p0 =	por !p0, !p0  }
0x12: {  	s22 =	sadd.s32 $0x0, s4;
	s30 =	sadd.s32 $0x1, s19;
	s11 =	sadd.s32 @p0 s4, s10  }
0x13: {  	_ =	strace $0x90000052;
	s12 =	sand.u32 @p0 $0x1, s7;
	s11 =	sshll.u32 @p0 s11, $0x4  }
0x14: {  	_ =	strace @p0 $0x80000053;
	s14 =	simm.s32 @p0 $0x0;
	s11 =	sand.u32 @p0 $0x1FFFFFF0, s11  }
0x15: {  	s13 =	sshll.u32 @p0 s12, $0x7;
	s12 =	sadd.s32 @p0 $0x1, s12;
	s11 =	sadd.s32 @p0 s1, s11  }
0x16: {  	[tilespmem:s13], [sflag:s12] =	stream.linear.gather @p0 [hbm4b:s11+s14], $0x80, $0x200038;
	[tilespmem:$0x1100] =	vst v63  }
0x17: {  	p3 =	por p2, p2;
	s20 =	sshll.u32 s19, $0xB;
	_ =	strace @p0 $0x90000053  }
0x18: {  	s15 =	sand.u32 $0x80, s15;
	p2 =	por p5, p5;
	_ =	strace $0x80000054  }
0x19: {  	s16 =	sadd.s32 $0x1, s10;
	s21 =	sor.u32 $0x100, s20;
	_ =	swait.ge [sflag:s30], $0x80  }
0x1a: {  	s20 =	simm.s32 $0x1;
	p6 =	por p1, p1;
	[sflag:s30] =	ssyncset.done $0x0  }
0x1b: {  	p1 =	por p3, p3;
	p4 =	por $0x1, $0x1;
	[sflag:s30] =	ssyncadd.s32 $0xFFFFFF80  }
0x1c: {  	s11 =	simm.s32 $0xC7;
	s14 =	sand.u32 @!p3 $0x1, s2;
	_ =	strace $0x90000054  }
0x1d: {  	s12 =	simm.s32 $0x1;
	p3 =	seq.s32 s16, $0xC8;
	_ =	strace $0x80000055  }
0x1e: {  	s12 =	simm.s32 @!p0 $0x0;
	s16 =	simm.s32 @p3 $0x0;
	s18 =	rddreg [dreg:$0x4]  }
0x1f: {  	p0 =	por $0x0, $0x0;
	s13 =	sadd.s32 $0x1, s12;
	s31 =	rddreg [dreg:$0x3]  }
0x20: {  	[tilespmem:s21], [sflag:$0x5] =	stream.indirect.gather [hbm4b:s31+s18], $0x10, s15, s18, $0x2000b8;
	[tilespmem:$0x1100] =	vst v63  }
0x21: {  	p3 =	sne.s32 s10, s16;
	s20 =	simm.s32 @!p0 $0x0;
	_ =	swait.ge [sflag:s8], $0x800  }
0x22: {  	p5 =	por !p4, !p3;
	p4 =	por $0x0, $0x0;
	[sflag:s8] =	ssyncset.done $0x0  }
0x23: {  	s12 =	simm.s32 $0x0;
	p6 =	por p4, p6;
	[sflag:s8] =	ssyncadd.s32 $0xFFFFF800  }
0x24: {  	s15 =	simm.s32 $0x0;
	s18 =	simm.s32 $0x0;
	_ =	strace $0x90000055  }
.LBB2_2:
0x25: {  	_ =	strace @p6 $0x80000056;
	s30 =	smov.u32 s11  }
0x26: {  	s11 =	smov.u32 s17;
	s17 =	sadd.s32 $0xFFFFFFFF, s17;
	p0 =	por p3, p3  }
0x27: {  	s26 =	sshll.u32 @p6 s22, $0x8;
	s19 =	sadd.s32 @p6 $0x3, s19;
	s23 =	simm.s32 @!p0 $0x0  }
0x28: {  	s24 =	rddreg [dreg:$0x5];
	s26 =	sand.u32 @p6 $0xFFFFF00, s26;
	s23 =	simm.s32 @p0 $0x1  }
0x29: {  	s24 =	sadd.s32 @p6 s24, s26;
	s26 =	simm.s32 @p6 $0x0;
	p0 =	sne.s32 s17, $0x0  }
0x2a: {  	[hbm4b:s24+s26] =	stream.linear.scatter @p6 [tilespmem:s21], [sflag:s19], $0x800, $0x200038;
	[tilespmem:$0x1100] =	vst v63  }
0x2b: {  	s12 =	sadd.s32 s20, s12;
	s19 =	sadd.s32 @!p1 $0x3, s14;
	s14 =	simm.s32 @!p0 $0x0  }
0x2c: {  	s25 =	simm.s32 $0x1;
	[smem:$0x7FC] =	sst s23;
	s14 =	simm.s32 @p0 $0x1  }
0x2d: {  	s25 =	simm.s32 @!p6 $0x0;
	_ =	strace @p6 $0x90000056;
	[smem:$0x7FD] =	sst s14  }
0x2e: {  	p5 =	por !p5, !p5;
	s18 =	sadd.s32 s25, s18;
	_ =	strace @!p1 $0x80000057  }
0x2f: {  	s23 =	sand.u32 @!p2 $0x1, s12;
	s21 =	sand.u32 @p5 $0x1, s13;
	_ =	swait.ge @!p1 [sflag:s19], $0x800  }
0x30: {  	s14 =	smov.u32 s23;
	s23 =	sadd.s32 @p5 s4, s16;
	[sflag:s19] =	ssyncset.done @!p1 $0x0  }
0x31: {  	s24 =	sshll.u32 @p5 s21, $0x7;
	s23 =	sshll.u32 @p5 s23, $0x4;
	[sflag:s19] =	ssyncadd.s32 @!p1 $0xFFFFF800  }
0x32: {  	s19 =	sadd.s32 @p5 $0x1, s21;
	s21 =	sand.u32 @p5 $0x1FFFFFF0, s23;
	_ =	strace @!p1 $0x90000057  }
0x33: {  	s23 =	simm.s32 @p5 $0x0;
	s21 =	sadd.s32 @p5 s1, s21;
	_ =	strace @p5 $0x80000053  }
0x34: {  	[tilespmem:s24], [sflag:s19] =	stream.linear.gather @p5 [hbm4b:s21+s23], $0x80, $0x200038;
	[tilespmem:$0x1100] =	vst v63  }
0x35: {  	s15 =	sadd.s32 s25, s15;
	s25 =	sand.u32 $0x1, s18;
	_ =	strace @p5 $0x90000053  }
0x36: {  	s23 =	sadd.s32 $0x1, s25;
	_ =	strace $0x80000054  }
0x37: {  	_ =	swait.ge [sflag:s23], $0x80  }
0x38: {  	[sflag:s23] =	ssyncset.done $0x0  }
0x39: {  	s19 =	simm.s32 $0x1;
	[sflag:s23] =	ssyncadd.s32 $0xFFFFFF80  }
0x3a: {  	s19 =	simm.s32 @!p5 $0x0;
	_ =	strace $0x90000054  }
0x3b: {  	s13 =	sadd.s32 s19, s13;
	s19 =	sand.u32 $0x1, s15;
	_ =	strace $0x80000055  }
0x3c: {  	s31 =	sshll.u32 s18, $0x7;
	s24 =	sshll.u32 s19, $0xB;
	s25 =	rddreg [dreg:$0x4]  }
0x3d: {  	s29 =	sand.u32 $0x80, s31;
	s21 =	sor.u32 $0x100, s24;
	s26 =	rddreg [dreg:$0x3]  }
0x3e: {  	[tilespmem:s21], [sflag:$0x5] =	stream.indirect.gather [hbm4b:s26+s25], $0x10, s29, s25, $0x2000b8;
	[tilespmem:$0x1100] =	vst v63  }
0x3f: {  	_ =	swait.ge [sflag:s8], $0x800  }
0x40: {  	[sflag:s8] =	ssyncset.done $0x0  }
0x41: {  	s28 =	sadd.s32 $0x1, s16;
	[sflag:s8] =	ssyncadd.s32 $0xFFFFF800  }
0x42: {  	s22 =	sadd.s32 s4, s10;
	s10 =	smov.u32 s16;
	_ =	strace $0x90000055  }
0x43: {  	p3 =	seq.s32 s28, $0xC8;
	s16 =	smov.u32 s28;
	s31 =	sld [smem:$0x7FD]  }
0x44: {  	s20 =	simm.s32 $0x1;
	s16 =	simm.s32 @p3 $0x0  }
0x45: {  	p6 =	sne.s32 s11, $0x1;
	p0 =	sne.s32 s30, $0xC8;
	p3 =	sne.s32 s10, s16  }
0x46: {  	s20 =	simm.s32 @!p0 $0x0;
	p5 =	por !p6, !p3;
	p0 =	seq.s32 s31, $0x1  }
.Ltmp0:
0x47: {  	p6 =	seq.s32 s30, $0x1;
	s30 =	sld [smem:$0x7FC];
	(pc) =	sbr.rel @p0 .LBB2_2-.Ltmp0, $4  }
0x48: {  	_ = 	snop  }
0x49: {  	p4 =	seq.s32 s11, $0xC8  }
0x4a: {  	p1 =	por p2, p2;
	p2 =	por p4, p4;
	p4 =	seq.s32 s30, $0x1  }
0x4b: {  	p6 =	por p6, p4  }
0x4c: {  	_ =	strace @p6 $0x80000056;
	s22 =	sshll.u32 @p6 s22, $0x8  }
0x4d: {  	s17 =	rddreg [dreg:$0x5];
	s22 =	sand.u32 @p6 $0xFFFFF00, s22  }
0x4e: {  	s19 =	sadd.s32 @p6 $0x3, s19;
	s17 =	sadd.s32 @p6 s17, s22;
	s22 =	simm.s32 @p6 $0x0  }
0x4f: {  	[hbm4b:s17+s22] =	stream.linear.scatter @p6 [tilespmem:s21], [sflag:s19], $0x800, $0x200038;
	[tilespmem:$0x1100] =	vst v63  }
0x50: {  	p0 =	por !p5, !p5;
	_ =	strace @p6 $0x90000056  }
0x51: {  	s14 =	sadd.s32 @!p1 $0x3, s14;
	s16 =	sadd.s32 @p0 s4, s16;
	_ =	strace @!p1 $0x80000057  }
0x52: {  	s13 =	sand.u32 @p0 $0x1, s13;
	s16 =	sshll.u32 @p0 s16, $0x4;
	_ =	swait.ge @!p1 [sflag:s14], $0x800  }
0x53: {  	s17 =	simm.s32 $0x1;
	s19 =	sshll.u32 @p0 s13, $0x7;
	[sflag:s14] =	ssyncset.done @!p1 $0x0  }
0x54: {  	s13 =	sadd.s32 @p0 $0x1, s13;
	s17 =	simm.s32 @!p6 $0x0;
	[sflag:s14] =	ssyncadd.s32 @!p1 $0xFFFFF800  }
0x55: {  	s18 =	sadd.s32 s17, s18;
	s14 =	sand.u32 @p0 $0x1FFFFFF0, s16;
	_ =	strace @!p1 $0x90000057  }
0x56: {  	s16 =	simm.s32 @p0 $0x0;
	s14 =	sadd.s32 @p0 s1, s14;
	_ =	strace @p0 $0x80000053  }
0x57: {  	[tilespmem:s19], [sflag:s13] =	stream.linear.gather @p0 [hbm4b:s14+s16], $0x80, $0x200038;
	[tilespmem:$0x1100] =	vst v63  }
0x58: {  	s24 =	sand.u32 $0x1, s18;
	_ =	strace @p0 $0x90000053  }
0x59: {  	s13 =	sadd.s32 $0x1, s24;
	_ =	strace $0x80000054  }
0x5a: {  	_ =	swait.ge [sflag:s13], $0x80  }
0x5b: {  	[sflag:s13] =	ssyncset.done $0x0  }
0x5c: {  	[sflag:s13] =	ssyncadd.s32 $0xFFFFFF80  }
0x5d: {  	s25 =	sadd.s32 s17, s15;
	_ =	strace $0x90000054  }
0x5e: {  	s13 =	sand.u32 $0x1, s25;
	_ =	strace $0x80000055  }
0x5f: {  	s29 =	sshll.u32 s18, $0x7;
	s30 =	sshll.u32 s13, $0xB;
	s26 =	rddreg [dreg:$0x4]  }
0x60: {  	s16 =	sand.u32 $0x80, s29;
	s17 =	sor.u32 $0x100, s30;
	s28 =	rddreg [dreg:$0x3]  }
0x61: {  	[tilespmem:s17], [sflag:$0x5] =	stream.indirect.gather [hbm4b:s28+s26], $0x10, s16, s26, $0x2000b8;
	[tilespmem:$0x1100] =	vst v63  }
0x62: {  	_ =	swait.ge [sflag:s8], $0x800  }
0x63: {  	[sflag:s8] =	ssyncset.done $0x0  }
0x64: {  	p5 =	por p3, p3;
	p6 =	seq.s32 s11, $0x1;
	[sflag:s8] =	ssyncadd.s32 $0xFFFFF800  }
0x65: {  	s10 =	sadd.s32 s4, s10;
	p0 =	por p6, p5;
	_ =	strace $0x90000055  }
0x66: {  	s10 =	sshll.u32 @p0 s10, $0x8;
	_ =	strace @p0 $0x80000056  }
0x67: {  	s12 =	sadd.s32 s20, s12;
	s10 =	sand.u32 @p0 $0xFFFFF00, s10;
	s14 =	rddreg [dreg:$0x5]  }
0x68: {  	s13 =	sadd.s32 @p0 $0x3, s13;
	s10 =	sadd.s32 @p0 s14, s10;
	s14 =	simm.s32 @p0 $0x0  }
0x69: {  	[hbm4b:s10+s14] =	stream.linear.scatter @p0 [tilespmem:s17], [sflag:s13], $0x800, $0x200038;
	[tilespmem:$0x1100] =	vst v63  }
0x6a: {  	p1 =	por p2, p2;
	s10 =	sand.u32 @!p2 $0x1, s12;
	_ =	strace @p0 $0x90000056  }
0x6b: {  	s10 =	sadd.s32 @!p1 $0x3, s10;
	_ =	strace @!p1 $0x80000057  }
0x6c: {  	p0 =	sne.s32 s11, $0xC8;
	s11 =	simm.s32 $0x1;
	_ =	swait.ge @!p1 [sflag:s10], $0x800  }
0x6d: {  	s11 =	simm.s32 @!p0 $0x0;
	[sflag:s10] =	ssyncset.done @!p1 $0x0  }
0x6e: {  	s9 =	sadd.s32 $0x1, s9;
	s11 =	sadd.s32 s11, s12;
	[sflag:s10] =	ssyncadd.s32 @!p1 $0xFFFFF800  }
0x6f: {  	p0 =	sne.s32 s9, s6;
	s31 =	sand.u32 $0x1, s11;
	_ =	strace @!p1 $0x90000057  }
.Ltmp1:
0x70: {  	s10 =	sadd.s32 $0x3, s31;
	_ =	strace $0x80000058;
	(pc) =	sbr.rel @p0 .LBB2_1-.Ltmp1, $4  }
0x71: {  	_ =	swait.ge [sflag:s10], $0x800  }
0x72: {  	[sflag:s10] =	ssyncset.done $0x0  }
0x73: {  	[sflag:s10] =	ssyncadd.s32 $0xFFFFF800  }
0x74: {  	_ =	strace $0x90000058  }
0x75: {  	_ =	sfence.sel $0x180000  }
0x76: {  	[bflag:$0x0] =	sbarrier.arrive $0xFFFF  }
0x77: {  	p0 =	sne.s32 s3, $0x0;
	_ =	strace $0x90000051  }
0x78: {  	s0 =	sadd.s32 @!p0 $0x100000, s0;
	[bflag:$0x2] =	sbarrier.arrive $0xFFFF  }
0x79: {  	[sflag:s0] =	ssyncadd.tile.s32 @!p0 $0x1;
	_ =	shalt  }
.Lfunc_end2:
_tile_overlayer_lowered:
.L_overlay_start_2:
0x7a: {  	(tag) =	ssettag $0x2  }
0x7b: {  	s0 =	rddreg [dreg:$0x0];
	s2 =	stileid.u32  }
0x7c: {  	s1 =	rddreg [dreg:$0x1];
	p0 =	sne.s32 s2, $0x0  }
0x7d: {  	s3 =	rddreg [dreg:$0x2];
	[bflag:$0x3] =	sbarrier.arrive $0xFFFF;
	s2 =	simm.s32 @!p0 $0x1C01  }
0x7e: {  	[timem:s3], [sflag:s2] =	dma.local @!p0 [hbm:s0], s1  }
0x7f: {  	s0 =	simm.s32 @!p0 $0x1  }
0x80: {  	_ =	swait.ge @!p0 [sflag:s0], s1  }
0x81: {  	s1 =	ssub.s32 @!p0 $0x0, s1;
	[sflag:s0] =	ssyncset.done @!p0 $0x0  }
0x82: {  	[sflag:s0] =	ssyncadd.s32 @!p0 s1  }
0x83: {  	[bflag:$0x3] =	sbarrier.arrive $0xFFFF  }
0x84: {  	_ =	shalt  }

</sc_bundles>
